<compile_context>
chip_gen: v7x
topology: tpu7x:2x2x1
jax: 0.10.2.dev20260603
libtpu: 0.0.44.dev20260713+nightly
codegen_flags: <defaults>
</compile_context>

<pallas_src>
import dataclasses
import math

import jax
import jax.numpy as jnp
from jax import lax
from jax.experimental import pallas as pl
from jax.experimental.pallas import tpu as pltpu
from jax.experimental.pallas import tpu_sc as plsc

_N = 10000
_NP = 10240
_E = 320000
_H = 4
_C = 128
_MB = 1024
_B = 40
_RPS = _NP // 16
_INV_SQRT_C = 1.0 / math.sqrt(_C)

_mesh = plsc.VectorSubcoreMesh(core_axis_name="c", subcore_axis_name="s")

_sc_params = pltpu.CompilerParams(use_tc_tiling_on_sc=False)
if "needs_layout_passes" in pltpu.CompilerParams.__dataclass_fields__:
    _sc_params = dataclasses.replace(_sc_params, needs_layout_passes=False)



def _proj1_kernel(x_ref, w_ref, b_ref, qx_ref, kvx_ref, st_ref):
    prod = (jnp.dot(x_ref[...], w_ref[...], preferred_element_type=jnp.float32)
            + b_ref[...])
    q = jnp.stack([prod[:, h * 384:h * 384 + 128] for h in range(_H)], axis=1)
    qx_ref[...] = q.reshape(_MB * _H, 128)
    kv = jnp.stack([prod[:, h * 384 + 128:(h + 1) * 384] for h in range(_H)],
                   axis=1)
    kvx_ref[...] = kv.reshape(_MB * _H, 256)
    st_ref[...] = prod[:, 1536:2048]


def _ep1_proj2_kernel(a_ref, s_ref, w_ref, b_ref, q_ref, kv_ref, st_ref):
    outs = []
    for h in range(_H):
        num = a_ref[h, :, 0:128]
        den = a_ref[h, :, 128:129] + 1e-16
        outs.append(num / den)
    h1 = jax.nn.relu(jnp.concatenate(outs, axis=1) + s_ref[...])
    prod = (jnp.dot(h1, w_ref[...], preferred_element_type=jnp.float32)
            + b_ref[...])
    q_ref[...] = prod[:, 0:128]
    kv_ref[...] = prod[:, 128:384]
    st_ref[...] = prod[:, 384:512]


def _ep2_kernel(a_ref, s_ref, o_ref):
    num = a_ref[0, :, 0:128] + a_ref[1, :, 0:128]
    den = a_ref[0, :, 128:129] + a_ref[1, :, 128:129] + 1e-16
    o_ref[...] = num / den + s_ref[...]



def _edge_compute(qbuf, kvbuf, stg, n_edges):
    inv = jnp.full((16,), _INV_SQRT_C, jnp.float32)

    @pl.loop(0, n_edges)
    def _(e):
        acc = qbuf[e, pl.ds(0, 16)] * kvbuf[e, pl.ds(0, 16)]
        for j in range(1, 8):
            acc = acc + qbuf[e, pl.ds(16 * j, 16)] * kvbuf[e, pl.ds(16 * j, 16)]
        a = jnp.sum(acc * inv)
        pv = jnp.exp(jnp.broadcast_to(a, (16,)))
        for j in range(8):
            stg[e, pl.ds(16 * j, 16)] = pv * kvbuf[e, pl.ds(128 + 16 * j, 16)]
        stg[e, pl.ds(128, 16)] = pv


def _edge1_body(qx_hbm, kvx_hbm, esrc4_hbm, edst4_hbm, edst_hbm, z_hbm,
                out_hbm, srcv, dstv, qidx, qbuf, kvbuf, stg, zbuf, frow, acc,
                sem_q, sem_kv):
    cid = lax.axis_index("c")
    sid = lax.axis_index("s")
    e_per = _E // 16
    nblk = e_per // _B
    pltpu.sync_copy(z_hbm, zbuf)
    for hh in range(1):
        h = cid * 2 + hh
        for kk in range(_RPS // 32):
            pltpu.sync_copy(zbuf, acc.at[pl.ds(sid * _RPS + 32 * kk, 32)])
        plsc.subcore_barrier()

        @pl.loop(0, nblk)
        def _(b):
            base = sid * e_per + b * _B
            pltpu.sync_copy(edst4_hbm.at[pl.ds(h * _E + base, _B)], qidx)
            pltpu.sync_copy(esrc4_hbm.at[pl.ds(h * _E + base, _B)], srcv)
            pltpu.sync_copy(edst_hbm.at[pl.ds(base, _B)], dstv)
            cp_q = pltpu.async_copy(qx_hbm.at[qidx], qbuf, sem_q)
            cp_kv = pltpu.async_copy(kvx_hbm.at[srcv], kvbuf, sem_kv)
            cp_q.wait()
            cp_kv.wait()
            _edge_compute(qbuf, kvbuf, stg, _B)
            pltpu.sync_copy(stg, acc.at[dstv], add=True)

        plsc.subcore_barrier()

        @pl.loop(0, _RPS)
        def _(i):
            row = sid * _RPS + i
            pltpu.sync_copy(acc.at[row], frow)
            pltpu.sync_copy(frow, out_hbm.at[h, row])

        plsc.subcore_barrier()


def _edge2_body(q_hbm, kv_hbm, esrc_hbm, edst_hbm, z_hbm, out_hbm,
                srcv, dstv, qbuf, kvbuf, stg, zbuf, frow, acc,
                sem_q, sem_kv):
    cid = lax.axis_index("c")
    sid = lax.axis_index("s")
    e_per = _E // 32
    nblk = e_per // _B
    base0 = (cid * 16 + sid) * e_per
    pltpu.sync_copy(z_hbm, zbuf)
    for kk in range(_RPS // 32):
        pltpu.sync_copy(zbuf, acc.at[pl.ds(sid * _RPS + 32 * kk, 32)])
    plsc.subcore_barrier()

    @pl.loop(0, nblk)
    def _(b):
        base = base0 + b * _B
        pltpu.sync_copy(esrc_hbm.at[pl.ds(base, _B)], srcv)
        pltpu.sync_copy(edst_hbm.at[pl.ds(base, _B)], dstv)
        cp_q = pltpu.async_copy(q_hbm.at[dstv], qbuf, sem_q)
        cp_kv = pltpu.async_copy(kv_hbm.at[srcv], kvbuf, sem_kv)
        cp_q.wait()
        cp_kv.wait()
        _edge_compute(qbuf, kvbuf, stg, _B)
        pltpu.sync_copy(stg, acc.at[dstv], add=True)

    plsc.subcore_barrier()

    @pl.loop(0, _RPS)
    def _(i):
        row = sid * _RPS + i
        pltpu.sync_copy(acc.at[row], frow)
        pltpu.sync_copy(frow, out_hbm.at[cid, row])


def _sc_edge1(qx, kvx, esrc4, edst4, edst, zeros):
    f = pl.kernel(
        _edge1_body,
        out_type=jax.ShapeDtypeStruct((_H, _NP, 144), jnp.float32),
        mesh=_mesh,
        scratch_types=[
            pltpu.VMEM((_B,), jnp.int32),
            pltpu.VMEM((_B,), jnp.int32),
            pltpu.VMEM((_B,), jnp.int32),
            pltpu.VMEM((_B, 128), jnp.float32),
            pltpu.VMEM((_B, 256), jnp.float32),
            pltpu.VMEM((_B, 144), jnp.float32),
            pltpu.VMEM((32, 144), jnp.float32),
            pltpu.VMEM((144,), jnp.float32),
            pltpu.VMEM_SHARED((_NP, 144), jnp.float32),
            pltpu.SemaphoreType.DMA,
            pltpu.SemaphoreType.DMA,
        ],
        compiler_params=_sc_params,
    )
    return f(qx, kvx, esrc4, edst4, edst, zeros)


def _sc_edge2(q, kv, esrc, edst, zeros):
    f = pl.kernel(
        _edge2_body,
        out_type=jax.ShapeDtypeStruct((2, _NP, 144), jnp.float32),
        mesh=_mesh,
        scratch_types=[
            pltpu.VMEM((_B,), jnp.int32),
            pltpu.VMEM((_B,), jnp.int32),
            pltpu.VMEM((_B, 128), jnp.float32),
            pltpu.VMEM((_B, 256), jnp.float32),
            pltpu.VMEM((_B, 144), jnp.float32),
            pltpu.VMEM((32, 144), jnp.float32),
            pltpu.VMEM((144,), jnp.float32),
            pltpu.VMEM_SHARED((_NP, 144), jnp.float32),
            pltpu.SemaphoreType.DMA,
            pltpu.SemaphoreType.DMA,
        ],
        compiler_params=_sc_params,
    )
    return f(q, kv, esrc, edst, zeros)



def kernel(x, edge_index, Wq1, bq1, Wk1, bk1, Wv1, bv1, Ws1, bs1,
           Wq2, bq2, Wk2, bk2, Wv2, bv2, Ws2, bs2):
    w1 = jnp.concatenate(
        [jnp.concatenate([Wq1[:, h * _C:(h + 1) * _C],
                          Wk1[:, h * _C:(h + 1) * _C],
                          Wv1[:, h * _C:(h + 1) * _C]], axis=1)
         for h in range(_H)] + [Ws1], axis=1)
    b1 = jnp.concatenate(
        [jnp.concatenate([bq1[h * _C:(h + 1) * _C],
                          bk1[h * _C:(h + 1) * _C],
                          bv1[h * _C:(h + 1) * _C]])
         for h in range(_H)] + [bs1])[None, :]
    w2 = jnp.concatenate([Wq2, Wk2, Wv2, Ws2], axis=1)
    b2 = jnp.concatenate([bq2, bk2, bv2, bs2])[None, :]
    zeros = jnp.zeros((32, 144), jnp.float32)
    x = jnp.pad(x, ((0, _NP - _N), (0, 0)))

    grid = _NP // _MB
    qx1, kvx1, st1 = pl.pallas_call(
        _proj1_kernel,
        grid=(grid,),
        in_specs=[
            pl.BlockSpec((_MB, 128), lambda i: (i, 0)),
            pl.BlockSpec((128, 2048), lambda i: (0, 0)),
            pl.BlockSpec((1, 2048), lambda i: (0, 0)),
        ],
        out_specs=[
            pl.BlockSpec((_MB * _H, 128), lambda i: (i, 0)),
            pl.BlockSpec((_MB * _H, 256), lambda i: (i, 0)),
            pl.BlockSpec((_MB, 512), lambda i: (i, 0)),
        ],
        out_shape=[
            jax.ShapeDtypeStruct((_NP * _H, 128), jnp.float32),
            jax.ShapeDtypeStruct((_NP * _H, 256), jnp.float32),
            jax.ShapeDtypeStruct((_NP, 512), jnp.float32),
        ],
    )(x, w1, b1)

    esrc = edge_index[0]
    edst = edge_index[1]
    esrc4 = (esrc[None, :] * 4 + jnp.arange(4, dtype=jnp.int32)[:, None]).reshape(-1)
    edst4 = (edst[None, :] * 4 + jnp.arange(4, dtype=jnp.int32)[:, None]).reshape(-1)
    acc1 = _sc_edge1(qx1, kvx1, esrc4, edst4, edst, zeros)

    q2, kv2, st2 = pl.pallas_call(
        _ep1_proj2_kernel,
        grid=(grid,),
        in_specs=[
            pl.BlockSpec((_H, _MB, 144), lambda i: (0, i, 0)),
            pl.BlockSpec((_MB, 512), lambda i: (i, 0)),
            pl.BlockSpec((512, 512), lambda i: (0, 0)),
            pl.BlockSpec((1, 512), lambda i: (0, 0)),
        ],
        out_specs=[
            pl.BlockSpec((_MB, 128), lambda i: (i, 0)),
            pl.BlockSpec((_MB, 256), lambda i: (i, 0)),
            pl.BlockSpec((_MB, 128), lambda i: (i, 0)),
        ],
        out_shape=[
            jax.ShapeDtypeStruct((_NP, 128), jnp.float32),
            jax.ShapeDtypeStruct((_NP, 256), jnp.float32),
            jax.ShapeDtypeStruct((_NP, 128), jnp.float32),
        ],
    )(acc1, st1, w2, b2)

    acc2 = _sc_edge2(q2, kv2, esrc, edst, zeros)

    out = pl.pallas_call(
        _ep2_kernel,
        grid=(grid,),
        in_specs=[
            pl.BlockSpec((2, _MB, 144), lambda i: (0, i, 0)),
            pl.BlockSpec((_MB, 128), lambda i: (i, 0)),
        ],
        out_specs=pl.BlockSpec((_MB, 128), lambda i: (i, 0)),
        out_shape=jax.ShapeDtypeStruct((_NP, 128), jnp.float32),
    )(acc2, st2)
    return out[:_N]

# --- scband reference (transcript-rebuilt; emitter-appended) ---
"""Pipeline reference for scband-graph-transformer-71829033058359 (READ-ONLY COPY).

The authoritative reference and input builder live on the scoring server;
editing this copy changes nothing except your own understanding.
"""

import jax, jax.numpy as jnp
import numpy as np

N = 10000
E = 320000
IN = 128
HID = 128
OUT = 128
H = 4


def _glorot(k, shape):
    lim = np.sqrt(6.0 / (shape[0] + shape[1]))
    return jax.random.uniform(k, shape, jnp.float32, -lim, lim)


def setup_inputs(seed: int = 0) -> dict:
    key = jax.random.key(seed)
    ks = jax.random.split(key, 12)
    d1 = HID * H  # 512
    inp = {}
    inp['x'] = jax.random.normal(ks[0], (N, IN), jnp.float32)
    inp['edge_index'] = jax.random.randint(ks[1], (2, E), 0, N, jnp.int32)
    # layer 1: TransformerConv(IN -> HID, heads=H, concat=True)
    inp['Wq1'] = _glorot(ks[2], (IN, d1)); inp['bq1'] = jnp.zeros((d1,), jnp.float32)
    inp['Wk1'] = _glorot(ks[3], (IN, d1)); inp['bk1'] = jnp.zeros((d1,), jnp.float32)
    inp['Wv1'] = _glorot(ks[4], (IN, d1)); inp['bv1'] = jnp.zeros((d1,), jnp.float32)
    inp['Ws1'] = _glorot(ks[5], (IN, d1)); inp['bs1'] = jnp.zeros((d1,), jnp.float32)
    # layer 2: TransformerConv(HID*H -> OUT, heads=1)
    inp['Wq2'] = _glorot(ks[6], (d1, OUT)); inp['bq2'] = jnp.zeros((OUT,), jnp.float32)
    inp['Wk2'] = _glorot(ks[7], (d1, OUT)); inp['bk2'] = jnp.zeros((OUT,), jnp.float32)
    inp['Wv2'] = _glorot(ks[8], (d1, OUT)); inp['bv2'] = jnp.zeros((OUT,), jnp.float32)
    inp['Ws2'] = _glorot(ks[9], (d1, OUT)); inp['bs2'] = jnp.zeros((OUT,), jnp.float32)
    return inp


def _transformer_conv(x, edge_index, Wq, bq, Wk, bk, Wv, bv, Ws, bs, heads):
    n = x.shape[0]
    src = edge_index[0]
    dst = edge_index[1]
    C = Wq.shape[1] // heads
    q = (x @ Wq + bq)[dst].reshape(-1, heads, C)
    k = (x @ Wk + bk)[src].reshape(-1, heads, C)
    v = (x @ Wv + bv)[src].reshape(-1, heads, C)
    alpha = (q * k).sum(-1) / np.sqrt(C).astype(np.float32)  # [E, heads]
    m = jax.ops.segment_max(alpha, dst, num_segments=n)
    m = jnp.where(jnp.isfinite(m), m, 0.0)
    a = jnp.exp(alpha - m[dst])
    s = jax.ops.segment_sum(a, dst, num_segments=n)
    a = a / (s[dst] + 1e-16)
    out = jax.ops.segment_sum(a[:, :, None] * v, dst, num_segments=n)
    out = out.reshape(n, heads * C)
    out = out + x @ Ws + bs  # root weight (skip connection)
    return out


def reference(x, edge_index, Wq1, bq1, Wk1, bk1, Wv1, bv1, Ws1, bs1, Wq2, bq2, Wk2, bk2, Wv2, bv2, Ws2, bs2):
    h = jax.nn.relu(_transformer_conv(x, edge_index, Wq1, bq1, Wk1, bk1, Wv1, bv1, Ws1, bs1, H))
    # dropout is identity in eval mode
    out = _transformer_conv(h, edge_index, Wq2, bq2, Wk2, bk2, Wv2, bv2, Ws2, bs2, 1)
    return out

if __name__ == "__main__":
    import jax
    _d = setup_inputs()
    print(jax.jit(kernel)(*tuple(_d.values())))

</pallas_src>

<mosaic_0001>
#map = affine_map<(d0, d1) -> (0, 0)>
#map1 = affine_map<(d0, d1) -> (0)>
#map2 = affine_map<(d0, d1) -> (0, 0, 0)>
module attributes {stable_mosaic.version = 14 : i64} {
  func.func @_edge2_body(%arg0: i32, %arg1: i32, %arg2: memref<10240x128xf32, #tpu.memory_space<hbm>>, %arg3: memref<10240x256xf32, #tpu.memory_space<hbm>>, %arg4: memref<320000xi32, #tpu.memory_space<hbm>>, %arg5: memref<320000xi32, #tpu.memory_space<hbm>>, %arg6: memref<32x144xf32, #tpu.memory_space<hbm>>, %arg7: memref<2x10240x144xf32, #tpu.memory_space<hbm>>, %arg8: memref<40xi32, #tpu.memory_space<vmem>>, %arg9: memref<40xi32, #tpu.memory_space<vmem>>, %arg10: memref<40x128xf32, #tpu.memory_space<vmem>>, %arg11: memref<40x256xf32, #tpu.memory_space<vmem>>, %arg12: memref<40x144xf32, #tpu.memory_space<vmem>>, %arg13: memref<32x144xf32, #tpu.memory_space<vmem>>, %arg14: memref<144xf32, #tpu.memory_space<vmem>>, %arg15: memref<10240x144xf32, #tpu.memory_space<vmem_shared>>, %arg16: memref<!tpu.dma_semaphore, #tpu.memory_space<semaphore_mem>>, %arg17: memref<!tpu.dma_semaphore, #tpu.memory_space<semaphore_mem>>) attributes {dimension_semantics = [#tpu.dimension_semantics<core_parallel>, #tpu.dimension_semantics<subcore_parallel>], iteration_bounds = array<i64: 2, 16>, scalar_prefetch = 0 : i64, scratch_operands = 10 : i64, tpu.core_type = #tpu.core_type<sc_vector_subcore>, window_params = [{transform_indices = #map}, {transform_indices = #map}, {transform_indices = #map1}, {transform_indices = #map1}, {transform_indices = #map}, {transform_indices = #map2}]} {
    %mul3A = arith.constant 16 : i32
    %mul3A_0 = arith.muli %arg0, %mul3A : i32
    %add3A = arith.addi %mul3A_0, %arg1 : i32
    %mul3A_1 = arith.constant 10000 : i32
    %mul3A_2 = arith.muli %add3A, %mul3A_1 : i32
    "tpu.region"() ({
      %run_scoped3A = tpu.sem_alloc : memref<!tpu.dma_semaphore, #tpu.memory_space<semaphore_mem>>
      tpu.enqueue_dma source(%arg6 : memref<32x144xf32, #tpu.memory_space<hbm>>) target(%arg13 : memref<32x144xf32, #tpu.memory_space<vmem>>) target_semaphore(%run_scoped3A : memref<!tpu.dma_semaphore, #tpu.memory_space<semaphore_mem>>)
      tpu.wait_dma2 semaphore(%run_scoped3A : memref<!tpu.dma_semaphore, #tpu.memory_space<semaphore_mem>>) src(%arg6 : memref<32x144xf32, #tpu.memory_space<hbm>>) dst(%arg13 : memref<32x144xf32, #tpu.memory_space<vmem>>)
      tpu.yield
    }) : () -> ()
    %mul3A_3 = arith.constant 640 : i32
    %mul3A_4 = arith.muli %arg1, %mul3A_3 : i32
    %add3A_5 = arith.constant 0 : i32
    %add3A_6 = arith.addi %mul3A_4, %add3A_5 : i32
    "tpu.region"() ({
      %run_scoped3A = tpu.sem_alloc : memref<!tpu.dma_semaphore, #tpu.memory_space<semaphore_mem>>
      %dma_start3A = arith.constant 0 : i32
      %dma_start3A_93 = tpu.memref_slice %arg15[%add3A_6, %dma_start3A] : memref<10240x144xf32, #tpu.memory_space<vmem_shared>> -> memref<32x144xf32, #tpu.memory_space<vmem_shared>>
      %dma_start3A_94 = arith.constant 0 : i32
      %dma_start3A_95 = tpu.memref_slice %arg15[%add3A_6, %dma_start3A_94] : memref<10240x144xf32, #tpu.memory_space<vmem_shared>> -> memref<32x144xf32, #tpu.memory_space<vmem_shared>>
      tpu.enqueue_dma source(%arg13 : memref<32x144xf32, #tpu.memory_space<vmem>>) target(%dma_start3A_95 : memref<32x144xf32, #tpu.memory_space<vmem_shared>>) target_semaphore(%run_scoped3A : memref<!tpu.dma_semaphore, #tpu.memory_space<semaphore_mem>>)
      %dma_wait3A = arith.constant 0 : i32
      %dma_wait3A_96 = tpu.memref_slice %arg15[%add3A_6, %dma_wait3A] : memref<10240x144xf32, #tpu.memory_space<vmem_shared>> -> memref<32x144xf32, #tpu.memory_space<vmem_shared>>
      %dma_wait3A_97 = arith.constant 0 : i32
      %dma_wait3A_98 = tpu.memref_slice %arg15[%add3A_6, %dma_wait3A_97] : memref<10240x144xf32, #tpu.memory_space<vmem_shared>> -> memref<32x144xf32, #tpu.memory_space<vmem_shared>>
      tpu.wait_dma2 semaphore(%run_scoped3A : memref<!tpu.dma_semaphore, #tpu.memory_space<semaphore_mem>>) src(%arg13 : memref<32x144xf32, #tpu.memory_space<vmem>>) dst(%dma_wait3A_98 : memref<32x144xf32, #tpu.memory_space<vmem_shared>>)
      tpu.yield
    }) : () -> ()
    %mul3A_7 = arith.constant 640 : i32
    %mul3A_8 = arith.muli %arg1, %mul3A_7 : i32
    %add3A_9 = arith.constant 32 : i32
    %add3A_10 = arith.addi %mul3A_8, %add3A_9 : i32
    "tpu.region"() ({
      %run_scoped3A = tpu.sem_alloc : memref<!tpu.dma_semaphore, #tpu.memory_space<semaphore_mem>>
      %dma_start3A = arith.constant 0 : i32
      %dma_start3A_93 = tpu.memref_slice %arg15[%add3A_10, %dma_start3A] : memref<10240x144xf32, #tpu.memory_space<vmem_shared>> -> memref<32x144xf32, #tpu.memory_space<vmem_shared>>
      %dma_start3A_94 = arith.constant 0 : i32
      %dma_start3A_95 = tpu.memref_slice %arg15[%add3A_10, %dma_start3A_94] : memref<10240x144xf32, #tpu.memory_space<vmem_shared>> -> memref<32x144xf32, #tpu.memory_space<vmem_shared>>
      tpu.enqueue_dma source(%arg13 : memref<32x144xf32, #tpu.memory_space<vmem>>) target(%dma_start3A_95 : memref<32x144xf32, #tpu.memory_space<vmem_shared>>) target_semaphore(%run_scoped3A : memref<!tpu.dma_semaphore, #tpu.memory_space<semaphore_mem>>)
      %dma_wait3A = arith.constant 0 : i32
      %dma_wait3A_96 = tpu.memref_slice %arg15[%add3A_10, %dma_wait3A] : memref<10240x144xf32, #tpu.memory_space<vmem_shared>> -> memref<32x144xf32, #tpu.memory_space<vmem_shared>>
      %dma_wait3A_97 = arith.constant 0 : i32
      %dma_wait3A_98 = tpu.memref_slice %arg15[%add3A_10, %dma_wait3A_97] : memref<10240x144xf32, #tpu.memory_space<vmem_shared>> -> memref<32x144xf32, #tpu.memory_space<vmem_shared>>
      tpu.wait_dma2 semaphore(%run_scoped3A : memref<!tpu.dma_semaphore, #tpu.memory_space<semaphore_mem>>) src(%arg13 : memref<32x144xf32, #tpu.memory_space<vmem>>) dst(%dma_wait3A_98 : memref<32x144xf32, #tpu.memory_space<vmem_shared>>)
      tpu.yield
    }) : () -> ()
    %mul3A_11 = arith.constant 640 : i32
    %mul3A_12 = arith.muli %arg1, %mul3A_11 : i32
    %add3A_13 = arith.constant 64 : i32
    %add3A_14 = arith.addi %mul3A_12, %add3A_13 : i32
    "tpu.region"() ({
      %run_scoped3A = tpu.sem_alloc : memref<!tpu.dma_semaphore, #tpu.memory_space<semaphore_mem>>
      %dma_start3A = arith.constant 0 : i32
      %dma_start3A_93 = tpu.memref_slice %arg15[%add3A_14, %dma_start3A] : memref<10240x144xf32, #tpu.memory_space<vmem_shared>> -> memref<32x144xf32, #tpu.memory_space<vmem_shared>>
      %dma_start3A_94 = arith.constant 0 : i32
      %dma_start3A_95 = tpu.memref_slice %arg15[%add3A_14, %dma_start3A_94] : memref<10240x144xf32, #tpu.memory_space<vmem_shared>> -> memref<32x144xf32, #tpu.memory_space<vmem_shared>>
      tpu.enqueue_dma source(%arg13 : memref<32x144xf32, #tpu.memory_space<vmem>>) target(%dma_start3A_95 : memref<32x144xf32, #tpu.memory_space<vmem_shared>>) target_semaphore(%run_scoped3A : memref<!tpu.dma_semaphore, #tpu.memory_space<semaphore_mem>>)
      %dma_wait3A = arith.constant 0 : i32
      %dma_wait3A_96 = tpu.memref_slice %arg15[%add3A_14, %dma_wait3A] : memref<10240x144xf32, #tpu.memory_space<vmem_shared>> -> memref<32x144xf32, #tpu.memory_space<vmem_shared>>
      %dma_wait3A_97 = arith.constant 0 : i32
      %dma_wait3A_98 = tpu.memref_slice %arg15[%add3A_14, %dma_wait3A_97] : memref<10240x144xf32, #tpu.memory_space<vmem_shared>> -> memref<32x144xf32, #tpu.memory_space<vmem_shared>>
      tpu.wait_dma2 semaphore(%run_scoped3A : memref<!tpu.dma_semaphore, #tpu.memory_space<semaphore_mem>>) src(%arg13 : memref<32x144xf32, #tpu.memory_space<vmem>>) dst(%dma_wait3A_98 : memref<32x144xf32, #tpu.memory_space<vmem_shared>>)
      tpu.yield
    }) : () -> ()
    %mul3A_15 = arith.constant 640 : i32
    %mul3A_16 = arith.muli %arg1, %mul3A_15 : i32
    %add3A_17 = arith.constant 96 : i32
    %add3A_18 = arith.addi %mul3A_16, %add3A_17 : i32
    "tpu.region"() ({
      %run_scoped3A = tpu.sem_alloc : memref<!tpu.dma_semaphore, #tpu.memory_space<semaphore_mem>>
      %dma_start3A = arith.constant 0 : i32
      %dma_start3A_93 = tpu.memref_slice %arg15[%add3A_18, %dma_start3A] : memref<10240x144xf32, #tpu.memory_space<vmem_shared>> -> memref<32x144xf32, #tpu.memory_space<vmem_shared>>
      %dma_start3A_94 = arith.constant 0 : i32
      %dma_start3A_95 = tpu.memref_slice %arg15[%add3A_18, %dma_start3A_94] : memref<10240x144xf32, #tpu.memory_space<vmem_shared>> -> memref<32x144xf32, #tpu.memory_space<vmem_shared>>
      tpu.enqueue_dma source(%arg13 : memref<32x144xf32, #tpu.memory_space<vmem>>) target(%dma_start3A_95 : memref<32x144xf32, #tpu.memory_space<vmem_shared>>) target_semaphore(%run_scoped3A : memref<!tpu.dma_semaphore, #tpu.memory_space<semaphore_mem>>)
      %dma_wait3A = arith.constant 0 : i32
      %dma_wait3A_96 = tpu.memref_slice %arg15[%add3A_18, %dma_wait3A] : memref<10240x144xf32, #tpu.memory_space<vmem_shared>> -> memref<32x144xf32, #tpu.memory_space<vmem_shared>>
      %dma_wait3A_97 = arith.constant 0 : i32
      %dma_wait3A_98 = tpu.memref_slice %arg15[%add3A_18, %dma_wait3A_97] : memref<10240x144xf32, #tpu.memory_space<vmem_shared>> -> memref<32x144xf32, #tpu.memory_space<vmem_shared>>
      tpu.wait_dma2 semaphore(%run_scoped3A : memref<!tpu.dma_semaphore, #tpu.memory_space<semaphore_mem>>) src(%arg13 : memref<32x144xf32, #tpu.memory_space<vmem>>) dst(%dma_wait3A_98 : memref<32x144xf32, #tpu.memory_space<vmem_shared>>)
      tpu.yield
    }) : () -> ()
    %mul3A_19 = arith.constant 640 : i32
    %mul3A_20 = arith.muli %arg1, %mul3A_19 : i32
    %add3A_21 = arith.constant 128 : i32
    %add3A_22 = arith.addi %mul3A_20, %add3A_21 : i32
    "tpu.region"() ({
      %run_scoped3A = tpu.sem_alloc : memref<!tpu.dma_semaphore, #tpu.memory_space<semaphore_mem>>
      %dma_start3A = arith.constant 0 : i32
      %dma_start3A_93 = tpu.memref_slice %arg15[%add3A_22, %dma_start3A] : memref<10240x144xf32, #tpu.memory_space<vmem_shared>> -> memref<32x144xf32, #tpu.memory_space<vmem_shared>>
      %dma_start3A_94 = arith.constant 0 : i32
      %dma_start3A_95 = tpu.memref_slice %arg15[%add3A_22, %dma_start3A_94] : memref<10240x144xf32, #tpu.memory_space<vmem_shared>> -> memref<32x144xf32, #tpu.memory_space<vmem_shared>>
      tpu.enqueue_dma source(%arg13 : memref<32x144xf32, #tpu.memory_space<vmem>>) target(%dma_start3A_95 : memref<32x144xf32, #tpu.memory_space<vmem_shared>>) target_semaphore(%run_scoped3A : memref<!tpu.dma_semaphore, #tpu.memory_space<semaphore_mem>>)
      %dma_wait3A = arith.constant 0 : i32
      %dma_wait3A_96 = tpu.memref_slice %arg15[%add3A_22, %dma_wait3A] : memref<10240x144xf32, #tpu.memory_space<vmem_shared>> -> memref<32x144xf32, #tpu.memory_space<vmem_shared>>
      %dma_wait3A_97 = arith.constant 0 : i32
      %dma_wait3A_98 = tpu.memref_slice %arg15[%add3A_22, %dma_wait3A_97] : memref<10240x144xf32, #tpu.memory_space<vmem_shared>> -> memref<32x144xf32, #tpu.memory_space<vmem_shared>>
      tpu.wait_dma2 semaphore(%run_scoped3A : memref<!tpu.dma_semaphore, #tpu.memory_space<semaphore_mem>>) src(%arg13 : memref<32x144xf32, #tpu.memory_space<vmem>>) dst(%dma_wait3A_98 : memref<32x144xf32, #tpu.memory_space<vmem_shared>>)
      tpu.yield
    }) : () -> ()
    %mul3A_23 = arith.constant 640 : i32
    %mul3A_24 = arith.muli %arg1, %mul3A_23 : i32
    %add3A_25 = arith.constant 160 : i32
    %add3A_26 = arith.addi %mul3A_24, %add3A_25 : i32
    "tpu.region"() ({
      %run_scoped3A = tpu.sem_alloc : memref<!tpu.dma_semaphore, #tpu.memory_space<semaphore_mem>>
      %dma_start3A = arith.constant 0 : i32
      %dma_start3A_93 = tpu.memref_slice %arg15[%add3A_26, %dma_start3A] : memref<10240x144xf32, #tpu.memory_space<vmem_shared>> -> memref<32x144xf32, #tpu.memory_space<vmem_shared>>
      %dma_start3A_94 = arith.constant 0 : i32
      %dma_start3A_95 = tpu.memref_slice %arg15[%add3A_26, %dma_start3A_94] : memref<10240x144xf32, #tpu.memory_space<vmem_shared>> -> memref<32x144xf32, #tpu.memory_space<vmem_shared>>
      tpu.enqueue_dma source(%arg13 : memref<32x144xf32, #tpu.memory_space<vmem>>) target(%dma_start3A_95 : memref<32x144xf32, #tpu.memory_space<vmem_shared>>) target_semaphore(%run_scoped3A : memref<!tpu.dma_semaphore, #tpu.memory_space<semaphore_mem>>)
      %dma_wait3A = arith.constant 0 : i32
      %dma_wait3A_96 = tpu.memref_slice %arg15[%add3A_26, %dma_wait3A] : memref<10240x144xf32, #tpu.memory_space<vmem_shared>> -> memref<32x144xf32, #tpu.memory_space<vmem_shared>>
      %dma_wait3A_97 = arith.constant 0 : i32
      %dma_wait3A_98 = tpu.memref_slice %arg15[%add3A_26, %dma_wait3A_97] : memref<10240x144xf32, #tpu.memory_space<vmem_shared>> -> memref<32x144xf32, #tpu.memory_space<vmem_shared>>
      tpu.wait_dma2 semaphore(%run_scoped3A : memref<!tpu.dma_semaphore, #tpu.memory_space<semaphore_mem>>) src(%arg13 : memref<32x144xf32, #tpu.memory_space<vmem>>) dst(%dma_wait3A_98 : memref<32x144xf32, #tpu.memory_space<vmem_shared>>)
      tpu.yield
    }) : () -> ()
    %mul3A_27 = arith.constant 640 : i32
    %mul3A_28 = arith.muli %arg1, %mul3A_27 : i32
    %add3A_29 = arith.constant 192 : i32
    %add3A_30 = arith.addi %mul3A_28, %add3A_29 : i32
    "tpu.region"() ({
      %run_scoped3A = tpu.sem_alloc : memref<!tpu.dma_semaphore, #tpu.memory_space<semaphore_mem>>
      %dma_start3A = arith.constant 0 : i32
      %dma_start3A_93 = tpu.memref_slice %arg15[%add3A_30, %dma_start3A] : memref<10240x144xf32, #tpu.memory_space<vmem_shared>> -> memref<32x144xf32, #tpu.memory_space<vmem_shared>>
      %dma_start3A_94 = arith.constant 0 : i32
      %dma_start3A_95 = tpu.memref_slice %arg15[%add3A_30, %dma_start3A_94] : memref<10240x144xf32, #tpu.memory_space<vmem_shared>> -> memref<32x144xf32, #tpu.memory_space<vmem_shared>>
      tpu.enqueue_dma source(%arg13 : memref<32x144xf32, #tpu.memory_space<vmem>>) target(%dma_start3A_95 : memref<32x144xf32, #tpu.memory_space<vmem_shared>>) target_semaphore(%run_scoped3A : memref<!tpu.dma_semaphore, #tpu.memory_space<semaphore_mem>>)
      %dma_wait3A = arith.constant 0 : i32
      %dma_wait3A_96 = tpu.memref_slice %arg15[%add3A_30, %dma_wait3A] : memref<10240x144xf32, #tpu.memory_space<vmem_shared>> -> memref<32x144xf32, #tpu.memory_space<vmem_shared>>
      %dma_wait3A_97 = arith.constant 0 : i32
      %dma_wait3A_98 = tpu.memref_slice %arg15[%add3A_30, %dma_wait3A_97] : memref<10240x144xf32, #tpu.memory_space<vmem_shared>> -> memref<32x144xf32, #tpu.memory_space<vmem_shared>>
      tpu.wait_dma2 semaphore(%run_scoped3A : memref<!tpu.dma_semaphore, #tpu.memory_space<semaphore_mem>>) src(%arg13 : memref<32x144xf32, #tpu.memory_space<vmem>>) dst(%dma_wait3A_98 : memref<32x144xf32, #tpu.memory_space<vmem_shared>>)
      tpu.yield
    }) : () -> ()
    %mul3A_31 = arith.constant 640 : i32
    %mul3A_32 = arith.muli %arg1, %mul3A_31 : i32
    %add3A_33 = arith.constant 224 : i32
    %add3A_34 = arith.addi %mul3A_32, %add3A_33 : i32
    "tpu.region"() ({
      %run_scoped3A = tpu.sem_alloc : memref<!tpu.dma_semaphore, #tpu.memory_space<semaphore_mem>>
      %dma_start3A = arith.constant 0 : i32
      %dma_start3A_93 = tpu.memref_slice %arg15[%add3A_34, %dma_start3A] : memref<10240x144xf32, #tpu.memory_space<vmem_shared>> -> memref<32x144xf32, #tpu.memory_space<vmem_shared>>
      %dma_start3A_94 = arith.constant 0 : i32
      %dma_start3A_95 = tpu.memref_slice %arg15[%add3A_34, %dma_start3A_94] : memref<10240x144xf32, #tpu.memory_space<vmem_shared>> -> memref<32x144xf32, #tpu.memory_space<vmem_shared>>
      tpu.enqueue_dma source(%arg13 : memref<32x144xf32, #tpu.memory_space<vmem>>) target(%dma_start3A_95 : memref<32x144xf32, #tpu.memory_space<vmem_shared>>) target_semaphore(%run_scoped3A : memref<!tpu.dma_semaphore, #tpu.memory_space<semaphore_mem>>)
      %dma_wait3A = arith.constant 0 : i32
      %dma_wait3A_96 = tpu.memref_slice %arg15[%add3A_34, %dma_wait3A] : memref<10240x144xf32, #tpu.memory_space<vmem_shared>> -> memref<32x144xf32, #tpu.memory_space<vmem_shared>>
      %dma_wait3A_97 = arith.constant 0 : i32
      %dma_wait3A_98 = tpu.memref_slice %arg15[%add3A_34, %dma_wait3A_97] : memref<10240x144xf32, #tpu.memory_space<vmem_shared>> -> memref<32x144xf32, #tpu.memory_space<vmem_shared>>
      tpu.wait_dma2 semaphore(%run_scoped3A : memref<!tpu.dma_semaphore, #tpu.memory_space<semaphore_mem>>) src(%arg13 : memref<32x144xf32, #tpu.memory_space<vmem>>) dst(%dma_wait3A_98 : memref<32x144xf32, #tpu.memory_space<vmem_shared>>)
      tpu.yield
    }) : () -> ()
    %mul3A_35 = arith.constant 640 : i32
    %mul3A_36 = arith.muli %arg1, %mul3A_35 : i32
    %add3A_37 = arith.constant 256 : i32
    %add3A_38 = arith.addi %mul3A_36, %add3A_37 : i32
    "tpu.region"() ({
      %run_scoped3A = tpu.sem_alloc : memref<!tpu.dma_semaphore, #tpu.memory_space<semaphore_mem>>
      %dma_start3A = arith.constant 0 : i32
      %dma_start3A_93 = tpu.memref_slice %arg15[%add3A_38, %dma_start3A] : memref<10240x144xf32, #tpu.memory_space<vmem_shared>> -> memref<32x144xf32, #tpu.memory_space<vmem_shared>>
      %dma_start3A_94 = arith.constant 0 : i32
      %dma_start3A_95 = tpu.memref_slice %arg15[%add3A_38, %dma_start3A_94] : memref<10240x144xf32, #tpu.memory_space<vmem_shared>> -> memref<32x144xf32, #tpu.memory_space<vmem_shared>>
      tpu.enqueue_dma source(%arg13 : memref<32x144xf32, #tpu.memory_space<vmem>>) target(%dma_start3A_95 : memref<32x144xf32, #tpu.memory_space<vmem_shared>>) target_semaphore(%run_scoped3A : memref<!tpu.dma_semaphore, #tpu.memory_space<semaphore_mem>>)
      %dma_wait3A = arith.constant 0 : i32
      %dma_wait3A_96 = tpu.memref_slice %arg15[%add3A_38, %dma_wait3A] : memref<10240x144xf32, #tpu.memory_space<vmem_shared>> -> memref<32x144xf32, #tpu.memory_space<vmem_shared>>
      %dma_wait3A_97 = arith.constant 0 : i32
      %dma_wait3A_98 = tpu.memref_slice %arg15[%add3A_38, %dma_wait3A_97] : memref<10240x144xf32, #tpu.memory_space<vmem_shared>> -> memref<32x144xf32, #tpu.memory_space<vmem_shared>>
      tpu.wait_dma2 semaphore(%run_scoped3A : memref<!tpu.dma_semaphore, #tpu.memory_space<semaphore_mem>>) src(%arg13 : memref<32x144xf32, #tpu.memory_space<vmem>>) dst(%dma_wait3A_98 : memref<32x144xf32, #tpu.memory_space<vmem_shared>>)
      tpu.yield
    }) : () -> ()
    %mul3A_39 = arith.constant 640 : i32
    %mul3A_40 = arith.muli %arg1, %mul3A_39 : i32
    %add3A_41 = arith.constant 288 : i32
    %add3A_42 = arith.addi %mul3A_40, %add3A_41 : i32
    "tpu.region"() ({
      %run_scoped3A = tpu.sem_alloc : memref<!tpu.dma_semaphore, #tpu.memory_space<semaphore_mem>>
      %dma_start3A = arith.constant 0 : i32
      %dma_start3A_93 = tpu.memref_slice %arg15[%add3A_42, %dma_start3A] : memref<10240x144xf32, #tpu.memory_space<vmem_shared>> -> memref<32x144xf32, #tpu.memory_space<vmem_shared>>
      %dma_start3A_94 = arith.constant 0 : i32
      %dma_start3A_95 = tpu.memref_slice %arg15[%add3A_42, %dma_start3A_94] : memref<10240x144xf32, #tpu.memory_space<vmem_shared>> -> memref<32x144xf32, #tpu.memory_space<vmem_shared>>
      tpu.enqueue_dma source(%arg13 : memref<32x144xf32, #tpu.memory_space<vmem>>) target(%dma_start3A_95 : memref<32x144xf32, #tpu.memory_space<vmem_shared>>) target_semaphore(%run_scoped3A : memref<!tpu.dma_semaphore, #tpu.memory_space<semaphore_mem>>)
      %dma_wait3A = arith.constant 0 : i32
      %dma_wait3A_96 = tpu.memref_slice %arg15[%add3A_42, %dma_wait3A] : memref<10240x144xf32, #tpu.memory_space<vmem_shared>> -> memref<32x144xf32, #tpu.memory_space<vmem_shared>>
      %dma_wait3A_97 = arith.constant 0 : i32
      %dma_wait3A_98 = tpu.memref_slice %arg15[%add3A_42, %dma_wait3A_97] : memref<10240x144xf32, #tpu.memory_space<vmem_shared>> -> memref<32x144xf32, #tpu.memory_space<vmem_shared>>
      tpu.wait_dma2 semaphore(%run_scoped3A : memref<!tpu.dma_semaphore, #tpu.memory_space<semaphore_mem>>) src(%arg13 : memref<32x144xf32, #tpu.memory_space<vmem>>) dst(%dma_wait3A_98 : memref<32x144xf32, #tpu.memory_space<vmem_shared>>)
      tpu.yield
    }) : () -> ()
    %mul3A_43 = arith.constant 640 : i32
    %mul3A_44 = arith.muli %arg1, %mul3A_43 : i32
    %add3A_45 = arith.constant 320 : i32
    %add3A_46 = arith.addi %mul3A_44, %add3A_45 : i32
    "tpu.region"() ({
      %run_scoped3A = tpu.sem_alloc : memref<!tpu.dma_semaphore, #tpu.memory_space<semaphore_mem>>
      %dma_start3A = arith.constant 0 : i32
      %dma_start3A_93 = tpu.memref_slice %arg15[%add3A_46, %dma_start3A] : memref<10240x144xf32, #tpu.memory_space<vmem_shared>> -> memref<32x144xf32, #tpu.memory_space<vmem_shared>>
      %dma_start3A_94 = arith.constant 0 : i32
      %dma_start3A_95 = tpu.memref_slice %arg15[%add3A_46, %dma_start3A_94] : memref<10240x144xf32, #tpu.memory_space<vmem_shared>> -> memref<32x144xf32, #tpu.memory_space<vmem_shared>>
      tpu.enqueue_dma source(%arg13 : memref<32x144xf32, #tpu.memory_space<vmem>>) target(%dma_start3A_95 : memref<32x144xf32, #tpu.memory_space<vmem_shared>>) target_semaphore(%run_scoped3A : memref<!tpu.dma_semaphore, #tpu.memory_space<semaphore_mem>>)
      %dma_wait3A = arith.constant 0 : i32
      %dma_wait3A_96 = tpu.memref_slice %arg15[%add3A_46, %dma_wait3A] : memref<10240x144xf32, #tpu.memory_space<vmem_shared>> -> memref<32x144xf32, #tpu.memory_space<vmem_shared>>
      %dma_wait3A_97 = arith.constant 0 : i32
      %dma_wait3A_98 = tpu.memref_slice %arg15[%add3A_46, %dma_wait3A_97] : memref<10240x144xf32, #tpu.memory_space<vmem_shared>> -> memref<32x144xf32, #tpu.memory_space<vmem_shared>>
      tpu.wait_dma2 semaphore(%run_scoped3A : memref<!tpu.dma_semaphore, #tpu.memory_space<semaphore_mem>>) src(%arg13 : memref<32x144xf32, #tpu.memory_space<vmem>>) dst(%dma_wait3A_98 : memref<32x144xf32, #tpu.memory_space<vmem_shared>>)
      tpu.yield
    }) : () -> ()
    %mul3A_47 = arith.constant 640 : i32
    %mul3A_48 = arith.muli %arg1, %mul3A_47 : i32
    %add3A_49 = arith.constant 352 : i32
    %add3A_50 = arith.addi %mul3A_48, %add3A_49 : i32
    "tpu.region"() ({
      %run_scoped3A = tpu.sem_alloc : memref<!tpu.dma_semaphore, #tpu.memory_space<semaphore_mem>>
      %dma_start3A = arith.constant 0 : i32
      %dma_start3A_93 = tpu.memref_slice %arg15[%add3A_50, %dma_start3A] : memref<10240x144xf32, #tpu.memory_space<vmem_shared>> -> memref<32x144xf32, #tpu.memory_space<vmem_shared>>
      %dma_start3A_94 = arith.constant 0 : i32
      %dma_start3A_95 = tpu.memref_slice %arg15[%add3A_50, %dma_start3A_94] : memref<10240x144xf32, #tpu.memory_space<vmem_shared>> -> memref<32x144xf32, #tpu.memory_space<vmem_shared>>
      tpu.enqueue_dma source(%arg13 : memref<32x144xf32, #tpu.memory_space<vmem>>) target(%dma_start3A_95 : memref<32x144xf32, #tpu.memory_space<vmem_shared>>) target_semaphore(%run_scoped3A : memref<!tpu.dma_semaphore, #tpu.memory_space<semaphore_mem>>)
      %dma_wait3A = arith.constant 0 : i32
      %dma_wait3A_96 = tpu.memref_slice %arg15[%add3A_50, %dma_wait3A] : memref<10240x144xf32, #tpu.memory_space<vmem_shared>> -> memref<32x144xf32, #tpu.memory_space<vmem_shared>>
      %dma_wait3A_97 = arith.constant 0 : i32
      %dma_wait3A_98 = tpu.memref_slice %arg15[%add3A_50, %dma_wait3A_97] : memref<10240x144xf32, #tpu.memory_space<vmem_shared>> -> memref<32x144xf32, #tpu.memory_space<vmem_shared>>
      tpu.wait_dma2 semaphore(%run_scoped3A : memref<!tpu.dma_semaphore, #tpu.memory_space<semaphore_mem>>) src(%arg13 : memref<32x144xf32, #tpu.memory_space<vmem>>) dst(%dma_wait3A_98 : memref<32x144xf32, #tpu.memory_space<vmem_shared>>)
      tpu.yield
    }) : () -> ()
    %mul3A_51 = arith.constant 640 : i32
    %mul3A_52 = arith.muli %arg1, %mul3A_51 : i32
    %add3A_53 = arith.constant 384 : i32
    %add3A_54 = arith.addi %mul3A_52, %add3A_53 : i32
    "tpu.region"() ({
      %run_scoped3A = tpu.sem_alloc : memref<!tpu.dma_semaphore, #tpu.memory_space<semaphore_mem>>
      %dma_start3A = arith.constant 0 : i32
      %dma_start3A_93 = tpu.memref_slice %arg15[%add3A_54, %dma_start3A] : memref<10240x144xf32, #tpu.memory_space<vmem_shared>> -> memref<32x144xf32, #tpu.memory_space<vmem_shared>>
      %dma_start3A_94 = arith.constant 0 : i32
      %dma_start3A_95 = tpu.memref_slice %arg15[%add3A_54, %dma_start3A_94] : memref<10240x144xf32, #tpu.memory_space<vmem_shared>> -> memref<32x144xf32, #tpu.memory_space<vmem_shared>>
      tpu.enqueue_dma source(%arg13 : memref<32x144xf32, #tpu.memory_space<vmem>>) target(%dma_start3A_95 : memref<32x144xf32, #tpu.memory_space<vmem_shared>>) target_semaphore(%run_scoped3A : memref<!tpu.dma_semaphore, #tpu.memory_space<semaphore_mem>>)
      %dma_wait3A = arith.constant 0 : i32
      %dma_wait3A_96 = tpu.memref_slice %arg15[%add3A_54, %dma_wait3A] : memref<10240x144xf32, #tpu.memory_space<vmem_shared>> -> memref<32x144xf32, #tpu.memory_space<vmem_shared>>
      %dma_wait3A_97 = arith.constant 0 : i32
      %dma_wait3A_98 = tpu.memref_slice %arg15[%add3A_54, %dma_wait3A_97] : memref<10240x144xf32, #tpu.memory_space<vmem_shared>> -> memref<32x144xf32, #tpu.memory_space<vmem_shared>>
      tpu.wait_dma2 semaphore(%run_scoped3A : memref<!tpu.dma_semaphore, #tpu.memory_space<semaphore_mem>>) src(%arg13 : memref<32x144xf32, #tpu.memory_space<vmem>>) dst(%dma_wait3A_98 : memref<32x144xf32, #tpu.memory_space<vmem_shared>>)
      tpu.yield
    }) : () -> ()
    %mul3A_55 = arith.constant 640 : i32
    %mul3A_56 = arith.muli %arg1, %mul3A_55 : i32
    %add3A_57 = arith.constant 416 : i32
    %add3A_58 = arith.addi %mul3A_56, %add3A_57 : i32
    "tpu.region"() ({
      %run_scoped3A = tpu.sem_alloc : memref<!tpu.dma_semaphore, #tpu.memory_space<semaphore_mem>>
      %dma_start3A = arith.constant 0 : i32
      %dma_start3A_93 = tpu.memref_slice %arg15[%add3A_58, %dma_start3A] : memref<10240x144xf32, #tpu.memory_space<vmem_shared>> -> memref<32x144xf32, #tpu.memory_space<vmem_shared>>
      %dma_start3A_94 = arith.constant 0 : i32
      %dma_start3A_95 = tpu.memref_slice %arg15[%add3A_58, %dma_start3A_94] : memref<10240x144xf32, #tpu.memory_space<vmem_shared>> -> memref<32x144xf32, #tpu.memory_space<vmem_shared>>
      tpu.enqueue_dma source(%arg13 : memref<32x144xf32, #tpu.memory_space<vmem>>) target(%dma_start3A_95 : memref<32x144xf32, #tpu.memory_space<vmem_shared>>) target_semaphore(%run_scoped3A : memref<!tpu.dma_semaphore, #tpu.memory_space<semaphore_mem>>)
      %dma_wait3A = arith.constant 0 : i32
      %dma_wait3A_96 = tpu.memref_slice %arg15[%add3A_58, %dma_wait3A] : memref<10240x144xf32, #tpu.memory_space<vmem_shared>> -> memref<32x144xf32, #tpu.memory_space<vmem_shared>>
      %dma_wait3A_97 = arith.constant 0 : i32
      %dma_wait3A_98 = tpu.memref_slice %arg15[%add3A_58, %dma_wait3A_97] : memref<10240x144xf32, #tpu.memory_space<vmem_shared>> -> memref<32x144xf32, #tpu.memory_space<vmem_shared>>
      tpu.wait_dma2 semaphore(%run_scoped3A : memref<!tpu.dma_semaphore, #tpu.memory_space<semaphore_mem>>) src(%arg13 : memref<32x144xf32, #tpu.memory_space<vmem>>) dst(%dma_wait3A_98 : memref<32x144xf32, #tpu.memory_space<vmem_shared>>)
      tpu.yield
    }) : () -> ()
    %mul3A_59 = arith.constant 640 : i32
    %mul3A_60 = arith.muli %arg1, %mul3A_59 : i32
    %add3A_61 = arith.constant 448 : i32
    %add3A_62 = arith.addi %mul3A_60, %add3A_61 : i32
    "tpu.region"() ({
      %run_scoped3A = tpu.sem_alloc : memref<!tpu.dma_semaphore, #tpu.memory_space<semaphore_mem>>
      %dma_start3A = arith.constant 0 : i32
      %dma_start3A_93 = tpu.memref_slice %arg15[%add3A_62, %dma_start3A] : memref<10240x144xf32, #tpu.memory_space<vmem_shared>> -> memref<32x144xf32, #tpu.memory_space<vmem_shared>>
      %dma_start3A_94 = arith.constant 0 : i32
      %dma_start3A_95 = tpu.memref_slice %arg15[%add3A_62, %dma_start3A_94] : memref<10240x144xf32, #tpu.memory_space<vmem_shared>> -> memref<32x144xf32, #tpu.memory_space<vmem_shared>>
      tpu.enqueue_dma source(%arg13 : memref<32x144xf32, #tpu.memory_space<vmem>>) target(%dma_start3A_95 : memref<32x144xf32, #tpu.memory_space<vmem_shared>>) target_semaphore(%run_scoped3A : memref<!tpu.dma_semaphore, #tpu.memory_space<semaphore_mem>>)
      %dma_wait3A = arith.constant 0 : i32
      %dma_wait3A_96 = tpu.memref_slice %arg15[%add3A_62, %dma_wait3A] : memref<10240x144xf32, #tpu.memory_space<vmem_shared>> -> memref<32x144xf32, #tpu.memory_space<vmem_shared>>
      %dma_wait3A_97 = arith.constant 0 : i32
      %dma_wait3A_98 = tpu.memref_slice %arg15[%add3A_62, %dma_wait3A_97] : memref<10240x144xf32, #tpu.memory_space<vmem_shared>> -> memref<32x144xf32, #tpu.memory_space<vmem_shared>>
      tpu.wait_dma2 semaphore(%run_scoped3A : memref<!tpu.dma_semaphore, #tpu.memory_space<semaphore_mem>>) src(%arg13 : memref<32x144xf32, #tpu.memory_space<vmem>>) dst(%dma_wait3A_98 : memref<32x144xf32, #tpu.memory_space<vmem_shared>>)
      tpu.yield
    }) : () -> ()
    %mul3A_63 = arith.constant 640 : i32
    %mul3A_64 = arith.muli %arg1, %mul3A_63 : i32
    %add3A_65 = arith.constant 480 : i32
    %add3A_66 = arith.addi %mul3A_64, %add3A_65 : i32
    "tpu.region"() ({
      %run_scoped3A = tpu.sem_alloc : memref<!tpu.dma_semaphore, #tpu.memory_space<semaphore_mem>>
      %dma_start3A = arith.constant 0 : i32
      %dma_start3A_93 = tpu.memref_slice %arg15[%add3A_66, %dma_start3A] : memref<10240x144xf32, #tpu.memory_space<vmem_shared>> -> memref<32x144xf32, #tpu.memory_space<vmem_shared>>
      %dma_start3A_94 = arith.constant 0 : i32
      %dma_start3A_95 = tpu.memref_slice %arg15[%add3A_66, %dma_start3A_94] : memref<10240x144xf32, #tpu.memory_space<vmem_shared>> -> memref<32x144xf32, #tpu.memory_space<vmem_shared>>
      tpu.enqueue_dma source(%arg13 : memref<32x144xf32, #tpu.memory_space<vmem>>) target(%dma_start3A_95 : memref<32x144xf32, #tpu.memory_space<vmem_shared>>) target_semaphore(%run_scoped3A : memref<!tpu.dma_semaphore, #tpu.memory_space<semaphore_mem>>)
      %dma_wait3A = arith.constant 0 : i32
      %dma_wait3A_96 = tpu.memref_slice %arg15[%add3A_66, %dma_wait3A] : memref<10240x144xf32, #tpu.memory_space<vmem_shared>> -> memref<32x144xf32, #tpu.memory_space<vmem_shared>>
      %dma_wait3A_97 = arith.constant 0 : i32
      %dma_wait3A_98 = tpu.memref_slice %arg15[%add3A_66, %dma_wait3A_97] : memref<10240x144xf32, #tpu.memory_space<vmem_shared>> -> memref<32x144xf32, #tpu.memory_space<vmem_shared>>
      tpu.wait_dma2 semaphore(%run_scoped3A : memref<!tpu.dma_semaphore, #tpu.memory_space<semaphore_mem>>) src(%arg13 : memref<32x144xf32, #tpu.memory_space<vmem>>) dst(%dma_wait3A_98 : memref<32x144xf32, #tpu.memory_space<vmem_shared>>)
      tpu.yield
    }) : () -> ()
    %mul3A_67 = arith.constant 640 : i32
    %mul3A_68 = arith.muli %arg1, %mul3A_67 : i32
    %add3A_69 = arith.constant 512 : i32
    %add3A_70 = arith.addi %mul3A_68, %add3A_69 : i32
    "tpu.region"() ({
      %run_scoped3A = tpu.sem_alloc : memref<!tpu.dma_semaphore, #tpu.memory_space<semaphore_mem>>
      %dma_start3A = arith.constant 0 : i32
      %dma_start3A_93 = tpu.memref_slice %arg15[%add3A_70, %dma_start3A] : memref<10240x144xf32, #tpu.memory_space<vmem_shared>> -> memref<32x144xf32, #tpu.memory_space<vmem_shared>>
      %dma_start3A_94 = arith.constant 0 : i32
      %dma_start3A_95 = tpu.memref_slice %arg15[%add3A_70, %dma_start3A_94] : memref<10240x144xf32, #tpu.memory_space<vmem_shared>> -> memref<32x144xf32, #tpu.memory_space<vmem_shared>>
      tpu.enqueue_dma source(%arg13 : memref<32x144xf32, #tpu.memory_space<vmem>>) target(%dma_start3A_95 : memref<32x144xf32, #tpu.memory_space<vmem_shared>>) target_semaphore(%run_scoped3A : memref<!tpu.dma_semaphore, #tpu.memory_space<semaphore_mem>>)
      %dma_wait3A = arith.constant 0 : i32
      %dma_wait3A_96 = tpu.memref_slice %arg15[%add3A_70, %dma_wait3A] : memref<10240x144xf32, #tpu.memory_space<vmem_shared>> -> memref<32x144xf32, #tpu.memory_space<vmem_shared>>
      %dma_wait3A_97 = arith.constant 0 : i32
      %dma_wait3A_98 = tpu.memref_slice %arg15[%add3A_70, %dma_wait3A_97] : memref<10240x144xf32, #tpu.memory_space<vmem_shared>> -> memref<32x144xf32, #tpu.memory_space<vmem_shared>>
      tpu.wait_dma2 semaphore(%run_scoped3A : memref<!tpu.dma_semaphore, #tpu.memory_space<semaphore_mem>>) src(%arg13 : memref<32x144xf32, #tpu.memory_space<vmem>>) dst(%dma_wait3A_98 : memref<32x144xf32, #tpu.memory_space<vmem_shared>>)
      tpu.yield
    }) : () -> ()
    %mul3A_71 = arith.constant 640 : i32
    %mul3A_72 = arith.muli %arg1, %mul3A_71 : i32
    %add3A_73 = arith.constant 544 : i32
    %add3A_74 = arith.addi %mul3A_72, %add3A_73 : i32
    "tpu.region"() ({
      %run_scoped3A = tpu.sem_alloc : memref<!tpu.dma_semaphore, #tpu.memory_space<semaphore_mem>>
      %dma_start3A = arith.constant 0 : i32
      %dma_start3A_93 = tpu.memref_slice %arg15[%add3A_74, %dma_start3A] : memref<10240x144xf32, #tpu.memory_space<vmem_shared>> -> memref<32x144xf32, #tpu.memory_space<vmem_shared>>
      %dma_start3A_94 = arith.constant 0 : i32
      %dma_start3A_95 = tpu.memref_slice %arg15[%add3A_74, %dma_start3A_94] : memref<10240x144xf32, #tpu.memory_space<vmem_shared>> -> memref<32x144xf32, #tpu.memory_space<vmem_shared>>
      tpu.enqueue_dma source(%arg13 : memref<32x144xf32, #tpu.memory_space<vmem>>) target(%dma_start3A_95 : memref<32x144xf32, #tpu.memory_space<vmem_shared>>) target_semaphore(%run_scoped3A : memref<!tpu.dma_semaphore, #tpu.memory_space<semaphore_mem>>)
      %dma_wait3A = arith.constant 0 : i32
      %dma_wait3A_96 = tpu.memref_slice %arg15[%add3A_74, %dma_wait3A] : memref<10240x144xf32, #tpu.memory_space<vmem_shared>> -> memref<32x144xf32, #tpu.memory_space<vmem_shared>>
      %dma_wait3A_97 = arith.constant 0 : i32
      %dma_wait3A_98 = tpu.memref_slice %arg15[%add3A_74, %dma_wait3A_97] : memref<10240x144xf32, #tpu.memory_space<vmem_shared>> -> memref<32x144xf32, #tpu.memory_space<vmem_shared>>
      tpu.wait_dma2 semaphore(%run_scoped3A : memref<!tpu.dma_semaphore, #tpu.memory_space<semaphore_mem>>) src(%arg13 : memref<32x144xf32, #tpu.memory_space<vmem>>) dst(%dma_wait3A_98 : memref<32x144xf32, #tpu.memory_space<vmem_shared>>)
      tpu.yield
    }) : () -> ()
    %mul3A_75 = arith.constant 640 : i32
    %mul3A_76 = arith.muli %arg1, %mul3A_75 : i32
    %add3A_77 = arith.constant 576 : i32
    %add3A_78 = arith.addi %mul3A_76, %add3A_77 : i32
    "tpu.region"() ({
      %run_scoped3A = tpu.sem_alloc : memref<!tpu.dma_semaphore, #tpu.memory_space<semaphore_mem>>
      %dma_start3A = arith.constant 0 : i32
      %dma_start3A_93 = tpu.memref_slice %arg15[%add3A_78, %dma_start3A] : memref<10240x144xf32, #tpu.memory_space<vmem_shared>> -> memref<32x144xf32, #tpu.memory_space<vmem_shared>>
      %dma_start3A_94 = arith.constant 0 : i32
      %dma_start3A_95 = tpu.memref_slice %arg15[%add3A_78, %dma_start3A_94] : memref<10240x144xf32, #tpu.memory_space<vmem_shared>> -> memref<32x144xf32, #tpu.memory_space<vmem_shared>>
      tpu.enqueue_dma source(%arg13 : memref<32x144xf32, #tpu.memory_space<vmem>>) target(%dma_start3A_95 : memref<32x144xf32, #tpu.memory_space<vmem_shared>>) target_semaphore(%run_scoped3A : memref<!tpu.dma_semaphore, #tpu.memory_space<semaphore_mem>>)
      %dma_wait3A = arith.constant 0 : i32
      %dma_wait3A_96 = tpu.memref_slice %arg15[%add3A_78, %dma_wait3A] : memref<10240x144xf32, #tpu.memory_space<vmem_shared>> -> memref<32x144xf32, #tpu.memory_space<vmem_shared>>
      %dma_wait3A_97 = arith.constant 0 : i32
      %dma_wait3A_98 = tpu.memref_slice %arg15[%add3A_78, %dma_wait3A_97] : memref<10240x144xf32, #tpu.memory_space<vmem_shared>> -> memref<32x144xf32, #tpu.memory_space<vmem_shared>>
      tpu.wait_dma2 semaphore(%run_scoped3A : memref<!tpu.dma_semaphore, #tpu.memory_space<semaphore_mem>>) src(%arg13 : memref<32x144xf32, #tpu.memory_space<vmem>>) dst(%dma_wait3A_98 : memref<32x144xf32, #tpu.memory_space<vmem_shared>>)
      tpu.yield
    }) : () -> ()
    %mul3A_79 = arith.constant 640 : i32
    %mul3A_80 = arith.muli %arg1, %mul3A_79 : i32
    %add3A_81 = arith.constant 608 : i32
    %add3A_82 = arith.addi %mul3A_80, %add3A_81 : i32
    "tpu.region"() ({
      %run_scoped3A = tpu.sem_alloc : memref<!tpu.dma_semaphore, #tpu.memory_space<semaphore_mem>>
      %dma_start3A = arith.constant 0 : i32
      %dma_start3A_93 = tpu.memref_slice %arg15[%add3A_82, %dma_start3A] : memref<10240x144xf32, #tpu.memory_space<vmem_shared>> -> memref<32x144xf32, #tpu.memory_space<vmem_shared>>
      %dma_start3A_94 = arith.constant 0 : i32
      %dma_start3A_95 = tpu.memref_slice %arg15[%add3A_82, %dma_start3A_94] : memref<10240x144xf32, #tpu.memory_space<vmem_shared>> -> memref<32x144xf32, #tpu.memory_space<vmem_shared>>
      tpu.enqueue_dma source(%arg13 : memref<32x144xf32, #tpu.memory_space<vmem>>) target(%dma_start3A_95 : memref<32x144xf32, #tpu.memory_space<vmem_shared>>) target_semaphore(%run_scoped3A : memref<!tpu.dma_semaphore, #tpu.memory_space<semaphore_mem>>)
      %dma_wait3A = arith.constant 0 : i32
      %dma_wait3A_96 = tpu.memref_slice %arg15[%add3A_82, %dma_wait3A] : memref<10240x144xf32, #tpu.memory_space<vmem_shared>> -> memref<32x144xf32, #tpu.memory_space<vmem_shared>>
      %dma_wait3A_97 = arith.constant 0 : i32
      %dma_wait3A_98 = tpu.memref_slice %arg15[%add3A_82, %dma_wait3A_97] : memref<10240x144xf32, #tpu.memory_space<vmem_shared>> -> memref<32x144xf32, #tpu.memory_space<vmem_shared>>
      tpu.wait_dma2 semaphore(%run_scoped3A : memref<!tpu.dma_semaphore, #tpu.memory_space<semaphore_mem>>) src(%arg13 : memref<32x144xf32, #tpu.memory_space<vmem>>) dst(%dma_wait3A_98 : memref<32x144xf32, #tpu.memory_space<vmem_shared>>)
      tpu.yield
    }) : () -> ()
    %barrier3A = arith.constant 0 : index
    tpu.barrier barrier_id(%barrier3A)
    %scan3A = arith.constant 0 : i32
    %scan3A_83 = arith.constant 250 : i32
    %scan3A_84 = arith.addi %scan3A, %scan3A_83 : i32
    %scan3A_85 = arith.constant 1 : i32
    scf.for %scan3A_93 = %scan3A to %scan3A_84 step %scan3A_85  : i32 {
      %mul3A_94 = arith.constant 1 : i32
      %mul3A_95 = arith.muli %scan3A_93, %mul3A_94 : i32
      %add3A_96 = arith.constant 0 : i32
      %add3A_97 = arith.addi %add3A_96, %mul3A_95 : i32
      %mul3A_98 = arith.constant 40 : i32
      %mul3A_99 = arith.muli %add3A_97, %mul3A_98 : i32
      %add3A_100 = arith.addi %mul3A_2, %mul3A_99 : i32
      "tpu.region"() ({
        %run_scoped3A = tpu.sem_alloc : memref<!tpu.dma_semaphore, #tpu.memory_space<semaphore_mem>>
        %dma_start3A_117 = tpu.memref_slice %arg4[%add3A_100] : memref<320000xi32, #tpu.memory_space<hbm>> -> memref<40xi32, #tpu.memory_space<hbm>>
        %dma_start3A_118 = tpu.memref_slice %arg4[%add3A_100] : memref<320000xi32, #tpu.memory_space<hbm>> -> memref<40xi32, #tpu.memory_space<hbm>>
        tpu.enqueue_dma source(%dma_start3A_118 : memref<40xi32, #tpu.memory_space<hbm>>) target(%arg8 : memref<40xi32, #tpu.memory_space<vmem>>) target_semaphore(%run_scoped3A : memref<!tpu.dma_semaphore, #tpu.memory_space<semaphore_mem>>)
        %dma_wait3A_119 = tpu.memref_slice %arg4[%add3A_100] : memref<320000xi32, #tpu.memory_space<hbm>> -> memref<40xi32, #tpu.memory_space<hbm>>
        %dma_wait3A_120 = tpu.memref_slice %arg4[%add3A_100] : memref<320000xi32, #tpu.memory_space<hbm>> -> memref<40xi32, #tpu.memory_space<hbm>>
        tpu.wait_dma2 semaphore(%run_scoped3A : memref<!tpu.dma_semaphore, #tpu.memory_space<semaphore_mem>>) src(%dma_wait3A_120 : memref<40xi32, #tpu.memory_space<hbm>>) dst(%arg8 : memref<40xi32, #tpu.memory_space<vmem>>)
        tpu.yield
      }) : () -> ()
      "tpu.region"() ({
        %run_scoped3A = tpu.sem_alloc : memref<!tpu.dma_semaphore, #tpu.memory_space<semaphore_mem>>
        %dma_start3A_117 = tpu.memref_slice %arg5[%add3A_100] : memref<320000xi32, #tpu.memory_space<hbm>> -> memref<40xi32, #tpu.memory_space<hbm>>
        %dma_start3A_118 = tpu.memref_slice %arg5[%add3A_100] : memref<320000xi32, #tpu.memory_space<hbm>> -> memref<40xi32, #tpu.memory_space<hbm>>
        tpu.enqueue_dma source(%dma_start3A_118 : memref<40xi32, #tpu.memory_space<hbm>>) target(%arg9 : memref<40xi32, #tpu.memory_space<vmem>>) target_semaphore(%run_scoped3A : memref<!tpu.dma_semaphore, #tpu.memory_space<semaphore_mem>>)
        %dma_wait3A_119 = tpu.memref_slice %arg5[%add3A_100] : memref<320000xi32, #tpu.memory_space<hbm>> -> memref<40xi32, #tpu.memory_space<hbm>>
        %dma_wait3A_120 = tpu.memref_slice %arg5[%add3A_100] : memref<320000xi32, #tpu.memory_space<hbm>> -> memref<40xi32, #tpu.memory_space<hbm>>
        tpu.wait_dma2 semaphore(%run_scoped3A : memref<!tpu.dma_semaphore, #tpu.memory_space<semaphore_mem>>) src(%dma_wait3A_120 : memref<40xi32, #tpu.memory_space<hbm>>) dst(%arg9 : memref<40xi32, #tpu.memory_space<vmem>>)
        tpu.yield
      }) : () -> ()
      %dma_start3A = arith.constant 0 : i32
      %dma_start3A_101 = arith.constant 0 : i32
      %dma_start3A_102 = tpu.memref_slice %arg2[%dma_start3A, %dma_start3A_101] : memref<10240x128xf32, #tpu.memory_space<hbm>> -> memref<10240x128xf32, #tpu.memory_space<hbm>>
      tpu.enqueue_indirect_dma source(%dma_start3A_102 : memref<10240x128xf32, #tpu.memory_space<hbm>>) target(%arg10 : memref<40x128xf32, #tpu.memory_space<vmem>>) offsets(%arg9 : memref<40xi32, #tpu.memory_space<vmem>>) semaphore(%arg16 : memref<!tpu.dma_semaphore, #tpu.memory_space<semaphore_mem>>)
      %dma_start3A_103 = arith.constant 0 : i32
      %dma_start3A_104 = arith.constant 0 : i32
      %dma_start3A_105 = tpu.memref_slice %arg3[%dma_start3A_103, %dma_start3A_104] : memref<10240x256xf32, #tpu.memory_space<hbm>> -> memref<10240x256xf32, #tpu.memory_space<hbm>>
      tpu.enqueue_indirect_dma source(%dma_start3A_105 : memref<10240x256xf32, #tpu.memory_space<hbm>>) target(%arg11 : memref<40x256xf32, #tpu.memory_space<vmem>>) offsets(%arg8 : memref<40xi32, #tpu.memory_space<vmem>>) semaphore(%arg17 : memref<!tpu.dma_semaphore, #tpu.memory_space<semaphore_mem>>)
      %dma_wait3A = arith.constant 0 : i32
      %dma_wait3A_106 = arith.constant 0 : i32
      %dma_wait3A_107 = tpu.memref_slice %arg2[%dma_wait3A, %dma_wait3A_106] : memref<10240x128xf32, #tpu.memory_space<hbm>> -> memref<10240x128xf32, #tpu.memory_space<hbm>>
      tpu.wait_indirect_dma semaphore(%arg16 : memref<!tpu.dma_semaphore, #tpu.memory_space<semaphore_mem>>) src(%dma_wait3A_107 : memref<10240x128xf32, #tpu.memory_space<hbm>>) dst(%arg10 : memref<40x128xf32, #tpu.memory_space<vmem>>)
      %dma_wait3A_108 = arith.constant 0 : i32
      %dma_wait3A_109 = arith.constant 0 : i32
      %dma_wait3A_110 = tpu.memref_slice %arg3[%dma_wait3A_108, %dma_wait3A_109] : memref<10240x256xf32, #tpu.memory_space<hbm>> -> memref<10240x256xf32, #tpu.memory_space<hbm>>
      tpu.wait_indirect_dma semaphore(%arg17 : memref<!tpu.dma_semaphore, #tpu.memory_space<semaphore_mem>>) src(%dma_wait3A_110 : memref<10240x256xf32, #tpu.memory_space<hbm>>) dst(%arg11 : memref<40x256xf32, #tpu.memory_space<vmem>>)
      %broadcast_in_dim3A = arith.constant 0.0883883461 : f32
      %broadcast_in_dim3A_111 = vector.broadcast %broadcast_in_dim3A : f32 to vector<16xf32>
      %scan3A_112 = arith.constant 0 : i32
      %scan3A_113 = arith.constant 40 : i32
      %scan3A_114 = arith.addi %scan3A_112, %scan3A_113 : i32
      %scan3A_115 = arith.constant 1 : i32
      scf.for %scan3A_117 = %scan3A_112 to %scan3A_114 step %scan3A_115  : i32 {
        %mul3A_118 = arith.constant 1 : i32
        %mul3A_119 = arith.muli %scan3A_117, %mul3A_118 : i32
        %add3A_120 = arith.constant 0 : i32
        %add3A_121 = arith.addi %add3A_120, %mul3A_119 : i32
        %get3A = arith.index_cast %add3A_121 : i32 to index
        %get3A_122 = arith.constant 0 : index
        %get3A_123 = tpu.vector_load %arg10[%get3A, %get3A_122] {strides = array<i32>} : memref<40x128xf32, #tpu.memory_space<vmem>>, vector<16xf32>,
        %get3A_124 = arith.index_cast %add3A_121 : i32 to index
        %get3A_125 = arith.constant 0 : index
        %get3A_126 = tpu.vector_load %arg11[%get3A_124, %get3A_125] {strides = array<i32>} : memref<40x256xf32, #tpu.memory_space<vmem>>, vector<16xf32>,
        %mul3A_127 = arith.mulf %get3A_123, %get3A_126 : vector<16xf32>
        %get3A_128 = arith.index_cast %add3A_121 : i32 to index
        %get3A_129 = arith.constant 16 : index
        %get3A_130 = tpu.vector_load %arg10[%get3A_128, %get3A_129] {strides = array<i32>} : memref<40x128xf32, #tpu.memory_space<vmem>>, vector<16xf32>,
        %get3A_131 = arith.index_cast %add3A_121 : i32 to index
        %get3A_132 = arith.constant 16 : index
        %get3A_133 = tpu.vector_load %arg11[%get3A_131, %get3A_132] {strides = array<i32>} : memref<40x256xf32, #tpu.memory_space<vmem>>, vector<16xf32>,
        %mul3A_134 = arith.mulf %get3A_130, %get3A_133 : vector<16xf32>
        %add3A_135 = arith.addf %mul3A_127, %mul3A_134 : vector<16xf32>
        %get3A_136 = arith.index_cast %add3A_121 : i32 to index
        %get3A_137 = arith.constant 32 : index
        %get3A_138 = tpu.vector_load %arg10[%get3A_136, %get3A_137] {strides = array<i32>} : memref<40x128xf32, #tpu.memory_space<vmem>>, vector<16xf32>,
        %get3A_139 = arith.index_cast %add3A_121 : i32 to index
        %get3A_140 = arith.constant 32 : index
        %get3A_141 = tpu.vector_load %arg11[%get3A_139, %get3A_140] {strides = array<i32>} : memref<40x256xf32, #tpu.memory_space<vmem>>, vector<16xf32>,
        %mul3A_142 = arith.mulf %get3A_138, %get3A_141 : vector<16xf32>
        %add3A_143 = arith.addf %add3A_135, %mul3A_142 : vector<16xf32>
        %get3A_144 = arith.index_cast %add3A_121 : i32 to index
        %get3A_145 = arith.constant 48 : index
        %get3A_146 = tpu.vector_load %arg10[%get3A_144, %get3A_145] {strides = array<i32>} : memref<40x128xf32, #tpu.memory_space<vmem>>, vector<16xf32>,
        %get3A_147 = arith.index_cast %add3A_121 : i32 to index
        %get3A_148 = arith.constant 48 : index
        %get3A_149 = tpu.vector_load %arg11[%get3A_147, %get3A_148] {strides = array<i32>} : memref<40x256xf32, #tpu.memory_space<vmem>>, vector<16xf32>,
        %mul3A_150 = arith.mulf %get3A_146, %get3A_149 : vector<16xf32>
        %add3A_151 = arith.addf %add3A_143, %mul3A_150 : vector<16xf32>
        %get3A_152 = arith.index_cast %add3A_121 : i32 to index
        %get3A_153 = arith.constant 64 : index
        %get3A_154 = tpu.vector_load %arg10[%get3A_152, %get3A_153] {strides = array<i32>} : memref<40x128xf32, #tpu.memory_space<vmem>>, vector<16xf32>,
        %get3A_155 = arith.index_cast %add3A_121 : i32 to index
        %get3A_156 = arith.constant 64 : index
        %get3A_157 = tpu.vector_load %arg11[%get3A_155, %get3A_156] {strides = array<i32>} : memref<40x256xf32, #tpu.memory_space<vmem>>, vector<16xf32>,
        %mul3A_158 = arith.mulf %get3A_154, %get3A_157 : vector<16xf32>
        %add3A_159 = arith.addf %add3A_151, %mul3A_158 : vector<16xf32>
        %get3A_160 = arith.index_cast %add3A_121 : i32 to index
        %get3A_161 = arith.constant 80 : index
        %get3A_162 = tpu.vector_load %arg10[%get3A_160, %get3A_161] {strides = array<i32>} : memref<40x128xf32, #tpu.memory_space<vmem>>, vector<16xf32>,
        %get3A_163 = arith.index_cast %add3A_121 : i32 to index
        %get3A_164 = arith.constant 80 : index
        %get3A_165 = tpu.vector_load %arg11[%get3A_163, %get3A_164] {strides = array<i32>} : memref<40x256xf32, #tpu.memory_space<vmem>>, vector<16xf32>,
        %mul3A_166 = arith.mulf %get3A_162, %get3A_165 : vector<16xf32>
        %add3A_167 = arith.addf %add3A_159, %mul3A_166 : vector<16xf32>
        %get3A_168 = arith.index_cast %add3A_121 : i32 to index
        %get3A_169 = arith.constant 96 : index
        %get3A_170 = tpu.vector_load %arg10[%get3A_168, %get3A_169] {strides = array<i32>} : memref<40x128xf32, #tpu.memory_space<vmem>>, vector<16xf32>,
        %get3A_171 = arith.index_cast %add3A_121 : i32 to index
        %get3A_172 = arith.constant 96 : index
        %get3A_173 = tpu.vector_load %arg11[%get3A_171, %get3A_172] {strides = array<i32>} : memref<40x256xf32, #tpu.memory_space<vmem>>, vector<16xf32>,
        %mul3A_174 = arith.mulf %get3A_170, %get3A_173 : vector<16xf32>
        %add3A_175 = arith.addf %add3A_167, %mul3A_174 : vector<16xf32>
        %get3A_176 = arith.index_cast %add3A_121 : i32 to index
        %get3A_177 = arith.constant 112 : index
        %get3A_178 = tpu.vector_load %arg10[%get3A_176, %get3A_177] {strides = array<i32>} : memref<40x128xf32, #tpu.memory_space<vmem>>, vector<16xf32>,
        %get3A_179 = arith.index_cast %add3A_121 : i32 to index
        %get3A_180 = arith.constant 112 : index
        %get3A_181 = tpu.vector_load %arg11[%get3A_179, %get3A_180] {strides = array<i32>} : memref<40x256xf32, #tpu.memory_space<vmem>>, vector<16xf32>,
        %mul3A_182 = arith.mulf %get3A_178, %get3A_181 : vector<16xf32>
        %add3A_183 = arith.addf %add3A_175, %mul3A_182 : vector<16xf32>
        %mul3A_184 = arith.mulf %add3A_183, %broadcast_in_dim3A_111 : vector<16xf32>
        %reduce_sum3A = arith.constant true
        %reduce_sum3A_185 = vector.broadcast %reduce_sum3A : i1 to vector<16xi1>
        %reduce_sum3A_186 = tpu.scan <sum>, %mul3A_184 masked %reduce_sum3A_185 : vector<16xf32>, vector<16xi1> -> vector<16xf32>
        %reduce_sum3A_187 = vector.extract %reduce_sum3A_186[15] : f32 from vector<16xf32>
        %broadcast_in_dim3A_188 = vector.broadcast %reduce_sum3A_187 : f32 to vector<16xf32>
        %exp3A = math.exp %broadcast_in_dim3A_188 : vector<16xf32>
        %get3A_189 = arith.index_cast %add3A_121 : i32 to index
        %get3A_190 = arith.constant 128 : index
        %get3A_191 = tpu.vector_load %arg11[%get3A_189, %get3A_190] {strides = array<i32>} : memref<40x256xf32, #tpu.memory_space<vmem>>, vector<16xf32>,
        %mul3A_192 = arith.mulf %exp3A, %get3A_191 : vector<16xf32>
        %swap3A = arith.index_cast %add3A_121 : i32 to index
        %swap3A_193 = arith.constant 0 : index
        %swap3A_194 = tpu.vector_load %arg12[%swap3A, %swap3A_193] {strides = array<i32>} : memref<40x144xf32, #tpu.memory_space<vmem>>, vector<16xf32>,
        tpu.vector_store %arg12[%swap3A, %swap3A_193], %mul3A_192 {strides = array<i32>} : memref<40x144xf32, #tpu.memory_space<vmem>>, vector<16xf32>,
        %get3A_195 = arith.index_cast %add3A_121 : i32 to index
        %get3A_196 = arith.constant 144 : index
        %get3A_197 = tpu.vector_load %arg11[%get3A_195, %get3A_196] {strides = array<i32>} : memref<40x256xf32, #tpu.memory_space<vmem>>, vector<16xf32>,
        %mul3A_198 = arith.mulf %exp3A, %get3A_197 : vector<16xf32>
        %swap3A_199 = arith.index_cast %add3A_121 : i32 to index
        %swap3A_200 = arith.constant 16 : index
        %swap3A_201 = tpu.vector_load %arg12[%swap3A_199, %swap3A_200] {strides = array<i32>} : memref<40x144xf32, #tpu.memory_space<vmem>>, vector<16xf32>,
        tpu.vector_store %arg12[%swap3A_199, %swap3A_200], %mul3A_198 {strides = array<i32>} : memref<40x144xf32, #tpu.memory_space<vmem>>, vector<16xf32>,
        %get3A_202 = arith.index_cast %add3A_121 : i32 to index
        %get3A_203 = arith.constant 160 : index
        %get3A_204 = tpu.vector_load %arg11[%get3A_202, %get3A_203] {strides = array<i32>} : memref<40x256xf32, #tpu.memory_space<vmem>>, vector<16xf32>,
        %mul3A_205 = arith.mulf %exp3A, %get3A_204 : vector<16xf32>
        %swap3A_206 = arith.index_cast %add3A_121 : i32 to index
        %swap3A_207 = arith.constant 32 : index
        %swap3A_208 = tpu.vector_load %arg12[%swap3A_206, %swap3A_207] {strides = array<i32>} : memref<40x144xf32, #tpu.memory_space<vmem>>, vector<16xf32>,
        tpu.vector_store %arg12[%swap3A_206, %swap3A_207], %mul3A_205 {strides = array<i32>} : memref<40x144xf32, #tpu.memory_space<vmem>>, vector<16xf32>,
        %get3A_209 = arith.index_cast %add3A_121 : i32 to index
        %get3A_210 = arith.constant 176 : index
        %get3A_211 = tpu.vector_load %arg11[%get3A_209, %get3A_210] {strides = array<i32>} : memref<40x256xf32, #tpu.memory_space<vmem>>, vector<16xf32>,
        %mul3A_212 = arith.mulf %exp3A, %get3A_211 : vector<16xf32>
        %swap3A_213 = arith.index_cast %add3A_121 : i32 to index
        %swap3A_214 = arith.constant 48 : index
        %swap3A_215 = tpu.vector_load %arg12[%swap3A_213, %swap3A_214] {strides = array<i32>} : memref<40x144xf32, #tpu.memory_space<vmem>>, vector<16xf32>,
        tpu.vector_store %arg12[%swap3A_213, %swap3A_214], %mul3A_212 {strides = array<i32>} : memref<40x144xf32, #tpu.memory_space<vmem>>, vector<16xf32>,
        %get3A_216 = arith.index_cast %add3A_121 : i32 to index
        %get3A_217 = arith.constant 192 : index
        %get3A_218 = tpu.vector_load %arg11[%get3A_216, %get3A_217] {strides = array<i32>} : memref<40x256xf32, #tpu.memory_space<vmem>>, vector<16xf32>,
        %mul3A_219 = arith.mulf %exp3A, %get3A_218 : vector<16xf32>
        %swap3A_220 = arith.index_cast %add3A_121 : i32 to index
        %swap3A_221 = arith.constant 64 : index
        %swap3A_222 = tpu.vector_load %arg12[%swap3A_220, %swap3A_221] {strides = array<i32>} : memref<40x144xf32, #tpu.memory_space<vmem>>, vector<16xf32>,
        tpu.vector_store %arg12[%swap3A_220, %swap3A_221], %mul3A_219 {strides = array<i32>} : memref<40x144xf32, #tpu.memory_space<vmem>>, vector<16xf32>,
        %get3A_223 = arith.index_cast %add3A_121 : i32 to index
        %get3A_224 = arith.constant 208 : index
        %get3A_225 = tpu.vector_load %arg11[%get3A_223, %get3A_224] {strides = array<i32>} : memref<40x256xf32, #tpu.memory_space<vmem>>, vector<16xf32>,
        %mul3A_226 = arith.mulf %exp3A, %get3A_225 : vector<16xf32>
        %swap3A_227 = arith.index_cast %add3A_121 : i32 to index
        %swap3A_228 = arith.constant 80 : index
        %swap3A_229 = tpu.vector_load %arg12[%swap3A_227, %swap3A_228] {strides = array<i32>} : memref<40x144xf32, #tpu.memory_space<vmem>>, vector<16xf32>,
        tpu.vector_store %arg12[%swap3A_227, %swap3A_228], %mul3A_226 {strides = array<i32>} : memref<40x144xf32, #tpu.memory_space<vmem>>, vector<16xf32>,
        %get3A_230 = arith.index_cast %add3A_121 : i32 to index
        %get3A_231 = arith.constant 224 : index
        %get3A_232 = tpu.vector_load %arg11[%get3A_230, %get3A_231] {strides = array<i32>} : memref<40x256xf32, #tpu.memory_space<vmem>>, vector<16xf32>,
        %mul3A_233 = arith.mulf %exp3A, %get3A_232 : vector<16xf32>
        %swap3A_234 = arith.index_cast %add3A_121 : i32 to index
        %swap3A_235 = arith.constant 96 : index
        %swap3A_236 = tpu.vector_load %arg12[%swap3A_234, %swap3A_235] {strides = array<i32>} : memref<40x144xf32, #tpu.memory_space<vmem>>, vector<16xf32>,
        tpu.vector_store %arg12[%swap3A_234, %swap3A_235], %mul3A_233 {strides = array<i32>} : memref<40x144xf32, #tpu.memory_space<vmem>>, vector<16xf32>,
        %get3A_237 = arith.index_cast %add3A_121 : i32 to index
        %get3A_238 = arith.constant 240 : index
        %get3A_239 = tpu.vector_load %arg11[%get3A_237, %get3A_238] {strides = array<i32>} : memref<40x256xf32, #tpu.memory_space<vmem>>, vector<16xf32>,
        %mul3A_240 = arith.mulf %exp3A, %get3A_239 : vector<16xf32>
        %swap3A_241 = arith.index_cast %add3A_121 : i32 to index
        %swap3A_242 = arith.constant 112 : index
        %swap3A_243 = tpu.vector_load %arg12[%swap3A_241, %swap3A_242] {strides = array<i32>} : memref<40x144xf32, #tpu.memory_space<vmem>>, vector<16xf32>,
        tpu.vector_store %arg12[%swap3A_241, %swap3A_242], %mul3A_240 {strides = array<i32>} : memref<40x144xf32, #tpu.memory_space<vmem>>, vector<16xf32>,
        %swap3A_244 = arith.index_cast %add3A_121 : i32 to index
        %swap3A_245 = arith.constant 128 : index
        %swap3A_246 = tpu.vector_load %arg12[%swap3A_244, %swap3A_245] {strides = array<i32>} : memref<40x144xf32, #tpu.memory_space<vmem>>, vector<16xf32>,
        tpu.vector_store %arg12[%swap3A_244, %swap3A_245], %exp3A {strides = array<i32>} : memref<40x144xf32, #tpu.memory_space<vmem>>, vector<16xf32>,
      }
      %scan3A_116 = arith.constant 40 : i32
      "tpu.region"() ({
        %run_scoped3A = tpu.sem_alloc : memref<!tpu.dma_semaphore, #tpu.memory_space<semaphore_mem>>
        %dma_start3A_117 = arith.constant 0 : i32
        %dma_start3A_118 = arith.constant 0 : i32
        %dma_start3A_119 = tpu.memref_slice %arg15[%dma_start3A_117, %dma_start3A_118] : memref<10240x144xf32, #tpu.memory_space<vmem_shared>> -> memref<10240x144xf32, #tpu.memory_space<vmem_shared>>
        tpu.enqueue_indirect_dma source(%arg12 : memref<40x144xf32, #tpu.memory_space<vmem>>) target(%dma_start3A_119 : memref<10240x144xf32, #tpu.memory_space<vmem_shared>>) offsets(%arg9 : memref<40xi32, #tpu.memory_space<vmem>>) semaphore(%run_scoped3A : memref<!tpu.dma_semaphore, #tpu.memory_space<semaphore_mem>>) {add = true}
        %dma_wait3A_120 = arith.constant 0 : i32
        %dma_wait3A_121 = arith.constant 0 : i32
        %dma_wait3A_122 = tpu.memref_slice %arg15[%dma_wait3A_120, %dma_wait3A_121] : memref<10240x144xf32, #tpu.memory_space<vmem_shared>> -> memref<10240x144xf32, #tpu.memory_space<vmem_shared>>
        tpu.wait_indirect_dma semaphore(%run_scoped3A : memref<!tpu.dma_semaphore, #tpu.memory_space<semaphore_mem>>) src(%arg12 : memref<40x144xf32, #tpu.memory_space<vmem>>) dst(%dma_wait3A_122 : memref<10240x144xf32, #tpu.memory_space<vmem_shared>>)
        tpu.yield
      }) : () -> ()
    }
    %scan3A_86 = arith.constant 250 : i32
    %barrier3A_87 = arith.constant 0 : index
    tpu.barrier barrier_id(%barrier3A_87)
    %scan3A_88 = arith.constant 0 : i32
    %scan3A_89 = arith.constant 640 : i32
    %scan3A_90 = arith.addi %scan3A_88, %scan3A_89 : i32
    %scan3A_91 = arith.constant 1 : i32
    scf.for %scan3A_93 = %scan3A_88 to %scan3A_90 step %scan3A_91  : i32 {
      %mul3A_94 = arith.constant 1 : i32
      %mul3A_95 = arith.muli %scan3A_93, %mul3A_94 : i32
      %add3A_96 = arith.constant 0 : i32
      %add3A_97 = arith.addi %add3A_96, %mul3A_95 : i32
      %mul3A_98 = arith.constant 640 : i32
      %mul3A_99 = arith.muli %arg1, %mul3A_98 : i32
      %add3A_100 = arith.addi %mul3A_99, %add3A_97 : i32
      "tpu.region"() ({
        %run_scoped3A = tpu.sem_alloc : memref<!tpu.dma_semaphore, #tpu.memory_space<semaphore_mem>>
        %dma_start3A = arith.constant 0 : i32
        %dma_start3A_101 = tpu.memref_slice %arg15[%add3A_100, %dma_start3A] : memref<10240x144xf32, #tpu.memory_space<vmem_shared>> -> memref<1x144xf32, #tpu.memory_space<vmem_shared>>
        %dma_start3A_102 = tpu.memref_squeeze %dma_start3A_101 : memref<1x144xf32, #tpu.memory_space<vmem_shared>> -> memref<144xf32, #tpu.memory_space<vmem_shared>>
        %dma_start3A_103 = arith.constant 0 : i32
        %dma_start3A_104 = tpu.memref_slice %arg15[%add3A_100, %dma_start3A_103] : memref<10240x144xf32, #tpu.memory_space<vmem_shared>> -> memref<1x144xf32, #tpu.memory_space<vmem_shared>>
        %dma_start3A_105 = tpu.memref_squeeze %dma_start3A_104 : memref<1x144xf32, #tpu.memory_space<vmem_shared>> -> memref<144xf32, #tpu.memory_space<vmem_shared>>
        tpu.enqueue_dma source(%dma_start3A_105 : memref<144xf32, #tpu.memory_space<vmem_shared>>) target(%arg14 : memref<144xf32, #tpu.memory_space<vmem>>) target_semaphore(%run_scoped3A : memref<!tpu.dma_semaphore, #tpu.memory_space<semaphore_mem>>)
        %dma_wait3A = arith.constant 0 : i32
        %dma_wait3A_106 = tpu.memref_slice %arg15[%add3A_100, %dma_wait3A] : memref<10240x144xf32, #tpu.memory_space<vmem_shared>> -> memref<1x144xf32, #tpu.memory_space<vmem_shared>>
        %dma_wait3A_107 = tpu.memref_squeeze %dma_wait3A_106 : memref<1x144xf32, #tpu.memory_space<vmem_shared>> -> memref<144xf32, #tpu.memory_space<vmem_shared>>
        %dma_wait3A_108 = arith.constant 0 : i32
        %dma_wait3A_109 = tpu.memref_slice %arg15[%add3A_100, %dma_wait3A_108] : memref<10240x144xf32, #tpu.memory_space<vmem_shared>> -> memref<1x144xf32, #tpu.memory_space<vmem_shared>>
        %dma_wait3A_110 = tpu.memref_squeeze %dma_wait3A_109 : memref<1x144xf32, #tpu.memory_space<vmem_shared>> -> memref<144xf32, #tpu.memory_space<vmem_shared>>
        tpu.wait_dma2 semaphore(%run_scoped3A : memref<!tpu.dma_semaphore, #tpu.memory_space<semaphore_mem>>) src(%dma_wait3A_110 : memref<144xf32, #tpu.memory_space<vmem_shared>>) dst(%arg14 : memref<144xf32, #tpu.memory_space<vmem>>)
        tpu.yield
      }) : () -> ()
      "tpu.region"() ({
        %run_scoped3A = tpu.sem_alloc : memref<!tpu.dma_semaphore, #tpu.memory_space<semaphore_mem>>
        %dma_start3A = arith.constant 0 : i32
        %dma_start3A_101 = tpu.memref_slice %arg7[%arg0, %add3A_100, %dma_start3A] : memref<2x10240x144xf32, #tpu.memory_space<hbm>> -> memref<1x1x144xf32, #tpu.memory_space<hbm>>
        %dma_start3A_102 = tpu.memref_squeeze %dma_start3A_101 : memref<1x1x144xf32, #tpu.memory_space<hbm>> -> memref<144xf32, #tpu.memory_space<hbm>>
        %dma_start3A_103 = arith.constant 0 : i32
        %dma_start3A_104 = tpu.memref_slice %arg7[%arg0, %add3A_100, %dma_start3A_103] : memref<2x10240x144xf32, #tpu.memory_space<hbm>> -> memref<1x1x144xf32, #tpu.memory_space<hbm>>
        %dma_start3A_105 = tpu.memref_squeeze %dma_start3A_104 : memref<1x1x144xf32, #tpu.memory_space<hbm>> -> memref<144xf32, #tpu.memory_space<hbm>>
        tpu.enqueue_dma source(%arg14 : memref<144xf32, #tpu.memory_space<vmem>>) target(%dma_start3A_105 : memref<144xf32, #tpu.memory_space<hbm>>) target_semaphore(%run_scoped3A : memref<!tpu.dma_semaphore, #tpu.memory_space<semaphore_mem>>)
        %dma_wait3A = arith.constant 0 : i32
        %dma_wait3A_106 = tpu.memref_slice %arg7[%arg0, %add3A_100, %dma_wait3A] : memref<2x10240x144xf32, #tpu.memory_space<hbm>> -> memref<1x1x144xf32, #tpu.memory_space<hbm>>
        %dma_wait3A_107 = tpu.memref_squeeze %dma_wait3A_106 : memref<1x1x144xf32, #tpu.memory_space<hbm>> -> memref<144xf32, #tpu.memory_space<hbm>>
        %dma_wait3A_108 = arith.constant 0 : i32
        %dma_wait3A_109 = tpu.memref_slice %arg7[%arg0, %add3A_100, %dma_wait3A_108] : memref<2x10240x144xf32, #tpu.memory_space<hbm>> -> memref<1x1x144xf32, #tpu.memory_space<hbm>>
        %dma_wait3A_110 = tpu.memref_squeeze %dma_wait3A_109 : memref<1x1x144xf32, #tpu.memory_space<hbm>> -> memref<144xf32, #tpu.memory_space<hbm>>
        tpu.wait_dma2 semaphore(%run_scoped3A : memref<!tpu.dma_semaphore, #tpu.memory_space<semaphore_mem>>) src(%arg14 : memref<144xf32, #tpu.memory_space<vmem>>) dst(%dma_wait3A_110 : memref<144xf32, #tpu.memory_space<hbm>>)
        tpu.yield
      }) : () -> ()
    }
    %scan3A_92 = arith.constant 640 : i32
    return
  }
}

#map = affine_map<(d0, d1) -> (0, 0)>
#map1 = affine_map<(d0, d1) -> (0)>
#map2 = affine_map<(d0, d1) -> (0, 0, 0)>
module attributes {stable_mosaic.version = 14 : i64} {
  func.func @_edge1_body(%arg0: i32, %arg1: i32, %arg2: memref<40960x128xf32, #tpu.memory_space<hbm>>, %arg3: memref<40960x256xf32, #tpu.memory_space<hbm>>, %arg4: memref<1280000xi32, #tpu.memory_space<hbm>>, %arg5: memref<1280000xi32, #tpu.memory_space<hbm>>, %arg6: memref<320000xi32, #tpu.memory_space<hbm>>, %arg7: memref<32x144xf32, #tpu.memory_space<hbm>>, %arg8: memref<4x10240x144xf32, #tpu.memory_space<hbm>>, %arg9: memref<40xi32, #tpu.memory_space<vmem>>, %arg10: memref<40xi32, #tpu.memory_space<vmem>>, %arg11: memref<40xi32, #tpu.memory_space<vmem>>, %arg12: memref<40x128xf32, #tpu.memory_space<vmem>>, %arg13: memref<40x256xf32, #tpu.memory_space<vmem>>, %arg14: memref<40x144xf32, #tpu.memory_space<vmem>>, %arg15: memref<32x144xf32, #tpu.memory_space<vmem>>, %arg16: memref<144xf32, #tpu.memory_space<vmem>>, %arg17: memref<10240x144xf32, #tpu.memory_space<vmem_shared>>, %arg18: memref<!tpu.dma_semaphore, #tpu.memory_space<semaphore_mem>>, %arg19: memref<!tpu.dma_semaphore, #tpu.memory_space<semaphore_mem>>) attributes {dimension_semantics = [#tpu.dimension_semantics<core_parallel>, #tpu.dimension_semantics<subcore_parallel>], iteration_bounds = array<i64: 2, 16>, scalar_prefetch = 0 : i64, scratch_operands = 11 : i64, tpu.core_type = #tpu.core_type<sc_vector_subcore>, window_params = [{transform_indices = #map}, {transform_indices = #map}, {transform_indices = #map1}, {transform_indices = #map1}, {transform_indices = #map1}, {transform_indices = #map}, {transform_indices = #map2}]} {
    "tpu.region"() ({
      %run_scoped3A = tpu.sem_alloc : memref<!tpu.dma_semaphore, #tpu.memory_space<semaphore_mem>>
      tpu.enqueue_dma source(%arg7 : memref<32x144xf32, #tpu.memory_space<hbm>>) target(%arg15 : memref<32x144xf32, #tpu.memory_space<vmem>>) target_semaphore(%run_scoped3A : memref<!tpu.dma_semaphore, #tpu.memory_space<semaphore_mem>>)
      tpu.wait_dma2 semaphore(%run_scoped3A : memref<!tpu.dma_semaphore, #tpu.memory_space<semaphore_mem>>) src(%arg7 : memref<32x144xf32, #tpu.memory_space<hbm>>) dst(%arg15 : memref<32x144xf32, #tpu.memory_space<vmem>>)
      tpu.yield
    }) : () -> ()
    %mul3A = arith.constant 2 : i32
    %mul3A_0 = arith.muli %arg0, %mul3A : i32
    %add3A = arith.constant 0 : i32
    %add3A_1 = arith.addi %mul3A_0, %add3A : i32
    %mul3A_2 = arith.constant 640 : i32
    %mul3A_3 = arith.muli %arg1, %mul3A_2 : i32
    %add3A_4 = arith.constant 0 : i32
    %add3A_5 = arith.addi %mul3A_3, %add3A_4 : i32
    "tpu.region"() ({
      %run_scoped3A = tpu.sem_alloc : memref<!tpu.dma_semaphore, #tpu.memory_space<semaphore_mem>>
      %dma_start3A = arith.constant 0 : i32
      %dma_start3A_93 = tpu.memref_slice %arg17[%add3A_5, %dma_start3A] : memref<10240x144xf32, #tpu.memory_space<vmem_shared>> -> memref<32x144xf32, #tpu.memory_space<vmem_shared>>
      %dma_start3A_94 = arith.constant 0 : i32
      %dma_start3A_95 = tpu.memref_slice %arg17[%add3A_5, %dma_start3A_94] : memref<10240x144xf32, #tpu.memory_space<vmem_shared>> -> memref<32x144xf32, #tpu.memory_space<vmem_shared>>
      tpu.enqueue_dma source(%arg15 : memref<32x144xf32, #tpu.memory_space<vmem>>) target(%dma_start3A_95 : memref<32x144xf32, #tpu.memory_space<vmem_shared>>) target_semaphore(%run_scoped3A : memref<!tpu.dma_semaphore, #tpu.memory_space<semaphore_mem>>)
      %dma_wait3A = arith.constant 0 : i32
      %dma_wait3A_96 = tpu.memref_slice %arg17[%add3A_5, %dma_wait3A] : memref<10240x144xf32, #tpu.memory_space<vmem_shared>> -> memref<32x144xf32, #tpu.memory_space<vmem_shared>>
      %dma_wait3A_97 = arith.constant 0 : i32
      %dma_wait3A_98 = tpu.memref_slice %arg17[%add3A_5, %dma_wait3A_97] : memref<10240x144xf32, #tpu.memory_space<vmem_shared>> -> memref<32x144xf32, #tpu.memory_space<vmem_shared>>
      tpu.wait_dma2 semaphore(%run_scoped3A : memref<!tpu.dma_semaphore, #tpu.memory_space<semaphore_mem>>) src(%arg15 : memref<32x144xf32, #tpu.memory_space<vmem>>) dst(%dma_wait3A_98 : memref<32x144xf32, #tpu.memory_space<vmem_shared>>)
      tpu.yield
    }) : () -> ()
    %mul3A_6 = arith.constant 640 : i32
    %mul3A_7 = arith.muli %arg1, %mul3A_6 : i32
    %add3A_8 = arith.constant 32 : i32
    %add3A_9 = arith.addi %mul3A_7, %add3A_8 : i32
    "tpu.region"() ({
      %run_scoped3A = tpu.sem_alloc : memref<!tpu.dma_semaphore, #tpu.memory_space<semaphore_mem>>
      %dma_start3A = arith.constant 0 : i32
      %dma_start3A_93 = tpu.memref_slice %arg17[%add3A_9, %dma_start3A] : memref<10240x144xf32, #tpu.memory_space<vmem_shared>> -> memref<32x144xf32, #tpu.memory_space<vmem_shared>>
      %dma_start3A_94 = arith.constant 0 : i32
      %dma_start3A_95 = tpu.memref_slice %arg17[%add3A_9, %dma_start3A_94] : memref<10240x144xf32, #tpu.memory_space<vmem_shared>> -> memref<32x144xf32, #tpu.memory_space<vmem_shared>>
      tpu.enqueue_dma source(%arg15 : memref<32x144xf32, #tpu.memory_space<vmem>>) target(%dma_start3A_95 : memref<32x144xf32, #tpu.memory_space<vmem_shared>>) target_semaphore(%run_scoped3A : memref<!tpu.dma_semaphore, #tpu.memory_space<semaphore_mem>>)
      %dma_wait3A = arith.constant 0 : i32
      %dma_wait3A_96 = tpu.memref_slice %arg17[%add3A_9, %dma_wait3A] : memref<10240x144xf32, #tpu.memory_space<vmem_shared>> -> memref<32x144xf32, #tpu.memory_space<vmem_shared>>
      %dma_wait3A_97 = arith.constant 0 : i32
      %dma_wait3A_98 = tpu.memref_slice %arg17[%add3A_9, %dma_wait3A_97] : memref<10240x144xf32, #tpu.memory_space<vmem_shared>> -> memref<32x144xf32, #tpu.memory_space<vmem_shared>>
      tpu.wait_dma2 semaphore(%run_scoped3A : memref<!tpu.dma_semaphore, #tpu.memory_space<semaphore_mem>>) src(%arg15 : memref<32x144xf32, #tpu.memory_space<vmem>>) dst(%dma_wait3A_98 : memref<32x144xf32, #tpu.memory_space<vmem_shared>>)
      tpu.yield
    }) : () -> ()
    %mul3A_10 = arith.constant 640 : i32
    %mul3A_11 = arith.muli %arg1, %mul3A_10 : i32
    %add3A_12 = arith.constant 64 : i32
    %add3A_13 = arith.addi %mul3A_11, %add3A_12 : i32
    "tpu.region"() ({
      %run_scoped3A = tpu.sem_alloc : memref<!tpu.dma_semaphore, #tpu.memory_space<semaphore_mem>>
      %dma_start3A = arith.constant 0 : i32
      %dma_start3A_93 = tpu.memref_slice %arg17[%add3A_13, %dma_start3A] : memref<10240x144xf32, #tpu.memory_space<vmem_shared>> -> memref<32x144xf32, #tpu.memory_space<vmem_shared>>
      %dma_start3A_94 = arith.constant 0 : i32
      %dma_start3A_95 = tpu.memref_slice %arg17[%add3A_13, %dma_start3A_94] : memref<10240x144xf32, #tpu.memory_space<vmem_shared>> -> memref<32x144xf32, #tpu.memory_space<vmem_shared>>
      tpu.enqueue_dma source(%arg15 : memref<32x144xf32, #tpu.memory_space<vmem>>) target(%dma_start3A_95 : memref<32x144xf32, #tpu.memory_space<vmem_shared>>) target_semaphore(%run_scoped3A : memref<!tpu.dma_semaphore, #tpu.memory_space<semaphore_mem>>)
      %dma_wait3A = arith.constant 0 : i32
      %dma_wait3A_96 = tpu.memref_slice %arg17[%add3A_13, %dma_wait3A] : memref<10240x144xf32, #tpu.memory_space<vmem_shared>> -> memref<32x144xf32, #tpu.memory_space<vmem_shared>>
      %dma_wait3A_97 = arith.constant 0 : i32
      %dma_wait3A_98 = tpu.memref_slice %arg17[%add3A_13, %dma_wait3A_97] : memref<10240x144xf32, #tpu.memory_space<vmem_shared>> -> memref<32x144xf32, #tpu.memory_space<vmem_shared>>
      tpu.wait_dma2 semaphore(%run_scoped3A : memref<!tpu.dma_semaphore, #tpu.memory_space<semaphore_mem>>) src(%arg15 : memref<32x144xf32, #tpu.memory_space<vmem>>) dst(%dma_wait3A_98 : memref<32x144xf32, #tpu.memory_space<vmem_shared>>)
      tpu.yield
    }) : () -> ()
    %mul3A_14 = arith.constant 640 : i32
    %mul3A_15 = arith.muli %arg1, %mul3A_14 : i32
    %add3A_16 = arith.constant 96 : i32
    %add3A_17 = arith.addi %mul3A_15, %add3A_16 : i32
    "tpu.region"() ({
      %run_scoped3A = tpu.sem_alloc : memref<!tpu.dma_semaphore, #tpu.memory_space<semaphore_mem>>
      %dma_start3A = arith.constant 0 : i32
      %dma_start3A_93 = tpu.memref_slice %arg17[%add3A_17, %dma_start3A] : memref<10240x144xf32, #tpu.memory_space<vmem_shared>> -> memref<32x144xf32, #tpu.memory_space<vmem_shared>>
      %dma_start3A_94 = arith.constant 0 : i32
      %dma_start3A_95 = tpu.memref_slice %arg17[%add3A_17, %dma_start3A_94] : memref<10240x144xf32, #tpu.memory_space<vmem_shared>> -> memref<32x144xf32, #tpu.memory_space<vmem_shared>>
      tpu.enqueue_dma source(%arg15 : memref<32x144xf32, #tpu.memory_space<vmem>>) target(%dma_start3A_95 : memref<32x144xf32, #tpu.memory_space<vmem_shared>>) target_semaphore(%run_scoped3A : memref<!tpu.dma_semaphore, #tpu.memory_space<semaphore_mem>>)
      %dma_wait3A = arith.constant 0 : i32
      %dma_wait3A_96 = tpu.memref_slice %arg17[%add3A_17, %dma_wait3A] : memref<10240x144xf32, #tpu.memory_space<vmem_shared>> -> memref<32x144xf32, #tpu.memory_space<vmem_shared>>
      %dma_wait3A_97 = arith.constant 0 : i32
      %dma_wait3A_98 = tpu.memref_slice %arg17[%add3A_17, %dma_wait3A_97] : memref<10240x144xf32, #tpu.memory_space<vmem_shared>> -> memref<32x144xf32, #tpu.memory_space<vmem_shared>>
      tpu.wait_dma2 semaphore(%run_scoped3A : memref<!tpu.dma_semaphore, #tpu.memory_space<semaphore_mem>>) src(%arg15 : memref<32x144xf32, #tpu.memory_space<vmem>>) dst(%dma_wait3A_98 : memref<32x144xf32, #tpu.memory_space<vmem_shared>>)
      tpu.yield
    }) : () -> ()
    %mul3A_18 = arith.constant 640 : i32
    %mul3A_19 = arith.muli %arg1, %mul3A_18 : i32
    %add3A_20 = arith.constant 128 : i32
    %add3A_21 = arith.addi %mul3A_19, %add3A_20 : i32
    "tpu.region"() ({
      %run_scoped3A = tpu.sem_alloc : memref<!tpu.dma_semaphore, #tpu.memory_space<semaphore_mem>>
      %dma_start3A = arith.constant 0 : i32
      %dma_start3A_93 = tpu.memref_slice %arg17[%add3A_21, %dma_start3A] : memref<10240x144xf32, #tpu.memory_space<vmem_shared>> -> memref<32x144xf32, #tpu.memory_space<vmem_shared>>
      %dma_start3A_94 = arith.constant 0 : i32
      %dma_start3A_95 = tpu.memref_slice %arg17[%add3A_21, %dma_start3A_94] : memref<10240x144xf32, #tpu.memory_space<vmem_shared>> -> memref<32x144xf32, #tpu.memory_space<vmem_shared>>
      tpu.enqueue_dma source(%arg15 : memref<32x144xf32, #tpu.memory_space<vmem>>) target(%dma_start3A_95 : memref<32x144xf32, #tpu.memory_space<vmem_shared>>) target_semaphore(%run_scoped3A : memref<!tpu.dma_semaphore, #tpu.memory_space<semaphore_mem>>)
      %dma_wait3A = arith.constant 0 : i32
      %dma_wait3A_96 = tpu.memref_slice %arg17[%add3A_21, %dma_wait3A] : memref<10240x144xf32, #tpu.memory_space<vmem_shared>> -> memref<32x144xf32, #tpu.memory_space<vmem_shared>>
      %dma_wait3A_97 = arith.constant 0 : i32
      %dma_wait3A_98 = tpu.memref_slice %arg17[%add3A_21, %dma_wait3A_97] : memref<10240x144xf32, #tpu.memory_space<vmem_shared>> -> memref<32x144xf32, #tpu.memory_space<vmem_shared>>
      tpu.wait_dma2 semaphore(%run_scoped3A : memref<!tpu.dma_semaphore, #tpu.memory_space<semaphore_mem>>) src(%arg15 : memref<32x144xf32, #tpu.memory_space<vmem>>) dst(%dma_wait3A_98 : memref<32x144xf32, #tpu.memory_space<vmem_shared>>)
      tpu.yield
    }) : () -> ()
    %mul3A_22 = arith.constant 640 : i32
    %mul3A_23 = arith.muli %arg1, %mul3A_22 : i32
    %add3A_24 = arith.constant 160 : i32
    %add3A_25 = arith.addi %mul3A_23, %add3A_24 : i32
    "tpu.region"() ({
      %run_scoped3A = tpu.sem_alloc : memref<!tpu.dma_semaphore, #tpu.memory_space<semaphore_mem>>
      %dma_start3A = arith.constant 0 : i32
      %dma_start3A_93 = tpu.memref_slice %arg17[%add3A_25, %dma_start3A] : memref<10240x144xf32, #tpu.memory_space<vmem_shared>> -> memref<32x144xf32, #tpu.memory_space<vmem_shared>>
      %dma_start3A_94 = arith.constant 0 : i32
      %dma_start3A_95 = tpu.memref_slice %arg17[%add3A_25, %dma_start3A_94] : memref<10240x144xf32, #tpu.memory_space<vmem_shared>> -> memref<32x144xf32, #tpu.memory_space<vmem_shared>>
      tpu.enqueue_dma source(%arg15 : memref<32x144xf32, #tpu.memory_space<vmem>>) target(%dma_start3A_95 : memref<32x144xf32, #tpu.memory_space<vmem_shared>>) target_semaphore(%run_scoped3A : memref<!tpu.dma_semaphore, #tpu.memory_space<semaphore_mem>>)
      %dma_wait3A = arith.constant 0 : i32
      %dma_wait3A_96 = tpu.memref_slice %arg17[%add3A_25, %dma_wait3A] : memref<10240x144xf32, #tpu.memory_space<vmem_shared>> -> memref<32x144xf32, #tpu.memory_space<vmem_shared>>
      %dma_wait3A_97 = arith.constant 0 : i32
      %dma_wait3A_98 = tpu.memref_slice %arg17[%add3A_25, %dma_wait3A_97] : memref<10240x144xf32, #tpu.memory_space<vmem_shared>> -> memref<32x144xf32, #tpu.memory_space<vmem_shared>>
      tpu.wait_dma2 semaphore(%run_scoped3A : memref<!tpu.dma_semaphore, #tpu.memory_space<semaphore_mem>>) src(%arg15 : memref<32x144xf32, #tpu.memory_space<vmem>>) dst(%dma_wait3A_98 : memref<32x144xf32, #tpu.memory_space<vmem_shared>>)
      tpu.yield
    }) : () -> ()
    %mul3A_26 = arith.constant 640 : i32
    %mul3A_27 = arith.muli %arg1, %mul3A_26 : i32
    %add3A_28 = arith.constant 192 : i32
    %add3A_29 = arith.addi %mul3A_27, %add3A_28 : i32
    "tpu.region"() ({
      %run_scoped3A = tpu.sem_alloc : memref<!tpu.dma_semaphore, #tpu.memory_space<semaphore_mem>>
      %dma_start3A = arith.constant 0 : i32
      %dma_start3A_93 = tpu.memref_slice %arg17[%add3A_29, %dma_start3A] : memref<10240x144xf32, #tpu.memory_space<vmem_shared>> -> memref<32x144xf32, #tpu.memory_space<vmem_shared>>
      %dma_start3A_94 = arith.constant 0 : i32
      %dma_start3A_95 = tpu.memref_slice %arg17[%add3A_29, %dma_start3A_94] : memref<10240x144xf32, #tpu.memory_space<vmem_shared>> -> memref<32x144xf32, #tpu.memory_space<vmem_shared>>
      tpu.enqueue_dma source(%arg15 : memref<32x144xf32, #tpu.memory_space<vmem>>) target(%dma_start3A_95 : memref<32x144xf32, #tpu.memory_space<vmem_shared>>) target_semaphore(%run_scoped3A : memref<!tpu.dma_semaphore, #tpu.memory_space<semaphore_mem>>)
      %dma_wait3A = arith.constant 0 : i32
      %dma_wait3A_96 = tpu.memref_slice %arg17[%add3A_29, %dma_wait3A] : memref<10240x144xf32, #tpu.memory_space<vmem_shared>> -> memref<32x144xf32, #tpu.memory_space<vmem_shared>>
      %dma_wait3A_97 = arith.constant 0 : i32
      %dma_wait3A_98 = tpu.memref_slice %arg17[%add3A_29, %dma_wait3A_97] : memref<10240x144xf32, #tpu.memory_space<vmem_shared>> -> memref<32x144xf32, #tpu.memory_space<vmem_shared>>
      tpu.wait_dma2 semaphore(%run_scoped3A : memref<!tpu.dma_semaphore, #tpu.memory_space<semaphore_mem>>) src(%arg15 : memref<32x144xf32, #tpu.memory_space<vmem>>) dst(%dma_wait3A_98 : memref<32x144xf32, #tpu.memory_space<vmem_shared>>)
      tpu.yield
    }) : () -> ()
    %mul3A_30 = arith.constant 640 : i32
    %mul3A_31 = arith.muli %arg1, %mul3A_30 : i32
    %add3A_32 = arith.constant 224 : i32
    %add3A_33 = arith.addi %mul3A_31, %add3A_32 : i32
    "tpu.region"() ({
      %run_scoped3A = tpu.sem_alloc : memref<!tpu.dma_semaphore, #tpu.memory_space<semaphore_mem>>
      %dma_start3A = arith.constant 0 : i32
      %dma_start3A_93 = tpu.memref_slice %arg17[%add3A_33, %dma_start3A] : memref<10240x144xf32, #tpu.memory_space<vmem_shared>> -> memref<32x144xf32, #tpu.memory_space<vmem_shared>>
      %dma_start3A_94 = arith.constant 0 : i32
      %dma_start3A_95 = tpu.memref_slice %arg17[%add3A_33, %dma_start3A_94] : memref<10240x144xf32, #tpu.memory_space<vmem_shared>> -> memref<32x144xf32, #tpu.memory_space<vmem_shared>>
      tpu.enqueue_dma source(%arg15 : memref<32x144xf32, #tpu.memory_space<vmem>>) target(%dma_start3A_95 : memref<32x144xf32, #tpu.memory_space<vmem_shared>>) target_semaphore(%run_scoped3A : memref<!tpu.dma_semaphore, #tpu.memory_space<semaphore_mem>>)
      %dma_wait3A = arith.constant 0 : i32
      %dma_wait3A_96 = tpu.memref_slice %arg17[%add3A_33, %dma_wait3A] : memref<10240x144xf32, #tpu.memory_space<vmem_shared>> -> memref<32x144xf32, #tpu.memory_space<vmem_shared>>
      %dma_wait3A_97 = arith.constant 0 : i32
      %dma_wait3A_98 = tpu.memref_slice %arg17[%add3A_33, %dma_wait3A_97] : memref<10240x144xf32, #tpu.memory_space<vmem_shared>> -> memref<32x144xf32, #tpu.memory_space<vmem_shared>>
      tpu.wait_dma2 semaphore(%run_scoped3A : memref<!tpu.dma_semaphore, #tpu.memory_space<semaphore_mem>>) src(%arg15 : memref<32x144xf32, #tpu.memory_space<vmem>>) dst(%dma_wait3A_98 : memref<32x144xf32, #tpu.memory_space<vmem_shared>>)
      tpu.yield
    }) : () -> ()
    %mul3A_34 = arith.constant 640 : i32
    %mul3A_35 = arith.muli %arg1, %mul3A_34 : i32
    %add3A_36 = arith.constant 256 : i32
    %add3A_37 = arith.addi %mul3A_35, %add3A_36 : i32
    "tpu.region"() ({
      %run_scoped3A = tpu.sem_alloc : memref<!tpu.dma_semaphore, #tpu.memory_space<semaphore_mem>>
      %dma_start3A = arith.constant 0 : i32
      %dma_start3A_93 = tpu.memref_slice %arg17[%add3A_37, %dma_start3A] : memref<10240x144xf32, #tpu.memory_space<vmem_shared>> -> memref<32x144xf32, #tpu.memory_space<vmem_shared>>
      %dma_start3A_94 = arith.constant 0 : i32
      %dma_start3A_95 = tpu.memref_slice %arg17[%add3A_37, %dma_start3A_94] : memref<10240x144xf32, #tpu.memory_space<vmem_shared>> -> memref<32x144xf32, #tpu.memory_space<vmem_shared>>
      tpu.enqueue_dma source(%arg15 : memref<32x144xf32, #tpu.memory_space<vmem>>) target(%dma_start3A_95 : memref<32x144xf32, #tpu.memory_space<vmem_shared>>) target_semaphore(%run_scoped3A : memref<!tpu.dma_semaphore, #tpu.memory_space<semaphore_mem>>)
      %dma_wait3A = arith.constant 0 : i32
      %dma_wait3A_96 = tpu.memref_slice %arg17[%add3A_37, %dma_wait3A] : memref<10240x144xf32, #tpu.memory_space<vmem_shared>> -> memref<32x144xf32, #tpu.memory_space<vmem_shared>>
      %dma_wait3A_97 = arith.constant 0 : i32
      %dma_wait3A_98 = tpu.memref_slice %arg17[%add3A_37, %dma_wait3A_97] : memref<10240x144xf32, #tpu.memory_space<vmem_shared>> -> memref<32x144xf32, #tpu.memory_space<vmem_shared>>
      tpu.wait_dma2 semaphore(%run_scoped3A : memref<!tpu.dma_semaphore, #tpu.memory_space<semaphore_mem>>) src(%arg15 : memref<32x144xf32, #tpu.memory_space<vmem>>) dst(%dma_wait3A_98 : memref<32x144xf32, #tpu.memory_space<vmem_shared>>)
      tpu.yield
    }) : () -> ()
    %mul3A_38 = arith.constant 640 : i32
    %mul3A_39 = arith.muli %arg1, %mul3A_38 : i32
    %add3A_40 = arith.constant 288 : i32
    %add3A_41 = arith.addi %mul3A_39, %add3A_40 : i32
    "tpu.region"() ({
      %run_scoped3A = tpu.sem_alloc : memref<!tpu.dma_semaphore, #tpu.memory_space<semaphore_mem>>
      %dma_start3A = arith.constant 0 : i32
      %dma_start3A_93 = tpu.memref_slice %arg17[%add3A_41, %dma_start3A] : memref<10240x144xf32, #tpu.memory_space<vmem_shared>> -> memref<32x144xf32, #tpu.memory_space<vmem_shared>>
      %dma_start3A_94 = arith.constant 0 : i32
      %dma_start3A_95 = tpu.memref_slice %arg17[%add3A_41, %dma_start3A_94] : memref<10240x144xf32, #tpu.memory_space<vmem_shared>> -> memref<32x144xf32, #tpu.memory_space<vmem_shared>>
      tpu.enqueue_dma source(%arg15 : memref<32x144xf32, #tpu.memory_space<vmem>>) target(%dma_start3A_95 : memref<32x144xf32, #tpu.memory_space<vmem_shared>>) target_semaphore(%run_scoped3A : memref<!tpu.dma_semaphore, #tpu.memory_space<semaphore_mem>>)
      %dma_wait3A = arith.constant 0 : i32
      %dma_wait3A_96 = tpu.memref_slice %arg17[%add3A_41, %dma_wait3A] : memref<10240x144xf32, #tpu.memory_space<vmem_shared>> -> memref<32x144xf32, #tpu.memory_space<vmem_shared>>
      %dma_wait3A_97 = arith.constant 0 : i32
      %dma_wait3A_98 = tpu.memref_slice %arg17[%add3A_41, %dma_wait3A_97] : memref<10240x144xf32, #tpu.memory_space<vmem_shared>> -> memref<32x144xf32, #tpu.memory_space<vmem_shared>>
      tpu.wait_dma2 semaphore(%run_scoped3A : memref<!tpu.dma_semaphore, #tpu.memory_space<semaphore_mem>>) src(%arg15 : memref<32x144xf32, #tpu.memory_space<vmem>>) dst(%dma_wait3A_98 : memref<32x144xf32, #tpu.memory_space<vmem_shared>>)
      tpu.yield
    }) : () -> ()
    %mul3A_42 = arith.constant 640 : i32
    %mul3A_43 = arith.muli %arg1, %mul3A_42 : i32
    %add3A_44 = arith.constant 320 : i32
    %add3A_45 = arith.addi %mul3A_43, %add3A_44 : i32
    "tpu.region"() ({
      %run_scoped3A = tpu.sem_alloc : memref<!tpu.dma_semaphore, #tpu.memory_space<semaphore_mem>>
      %dma_start3A = arith.constant 0 : i32
      %dma_start3A_93 = tpu.memref_slice %arg17[%add3A_45, %dma_start3A] : memref<10240x144xf32, #tpu.memory_space<vmem_shared>> -> memref<32x144xf32, #tpu.memory_space<vmem_shared>>
      %dma_start3A_94 = arith.constant 0 : i32
      %dma_start3A_95 = tpu.memref_slice %arg17[%add3A_45, %dma_start3A_94] : memref<10240x144xf32, #tpu.memory_space<vmem_shared>> -> memref<32x144xf32, #tpu.memory_space<vmem_shared>>
      tpu.enqueue_dma source(%arg15 : memref<32x144xf32, #tpu.memory_space<vmem>>) target(%dma_start3A_95 : memref<32x144xf32, #tpu.memory_space<vmem_shared>>) target_semaphore(%run_scoped3A : memref<!tpu.dma_semaphore, #tpu.memory_space<semaphore_mem>>)
      %dma_wait3A = arith.constant 0 : i32
      %dma_wait3A_96 = tpu.memref_slice %arg17[%add3A_45, %dma_wait3A] : memref<10240x144xf32, #tpu.memory_space<vmem_shared>> -> memref<32x144xf32, #tpu.memory_space<vmem_shared>>
      %dma_wait3A_97 = arith.constant 0 : i32
      %dma_wait3A_98 = tpu.memref_slice %arg17[%add3A_45, %dma_wait3A_97] : memref<10240x144xf32, #tpu.memory_space<vmem_shared>> -> memref<32x144xf32, #tpu.memory_space<vmem_shared>>
      tpu.wait_dma2 semaphore(%run_scoped3A : memref<!tpu.dma_semaphore, #tpu.memory_space<semaphore_mem>>) src(%arg15 : memref<32x144xf32, #tpu.memory_space<vmem>>) dst(%dma_wait3A_98 : memref<32x144xf32, #tpu.memory_space<vmem_shared>>)
      tpu.yield
    }) : () -> ()
    %mul3A_46 = arith.constant 640 : i32
    %mul3A_47 = arith.muli %arg1, %mul3A_46 : i32
    %add3A_48 = arith.constant 352 : i32
    %add3A_49 = arith.addi %mul3A_47, %add3A_48 : i32
    "tpu.region"() ({
      %run_scoped3A = tpu.sem_alloc : memref<!tpu.dma_semaphore, #tpu.memory_space<semaphore_mem>>
      %dma_start3A = arith.constant 0 : i32
      %dma_start3A_93 = tpu.memref_slice %arg17[%add3A_49, %dma_start3A] : memref<10240x144xf32, #tpu.memory_space<vmem_shared>> -> memref<32x144xf32, #tpu.memory_space<vmem_shared>>
      %dma_start3A_94 = arith.constant 0 : i32
      %dma_start3A_95 = tpu.memref_slice %arg17[%add3A_49, %dma_start3A_94] : memref<10240x144xf32, #tpu.memory_space<vmem_shared>> -> memref<32x144xf32, #tpu.memory_space<vmem_shared>>
      tpu.enqueue_dma source(%arg15 : memref<32x144xf32, #tpu.memory_space<vmem>>) target(%dma_start3A_95 : memref<32x144xf32, #tpu.memory_space<vmem_shared>>) target_semaphore(%run_scoped3A : memref<!tpu.dma_semaphore, #tpu.memory_space<semaphore_mem>>)
      %dma_wait3A = arith.constant 0 : i32
      %dma_wait3A_96 = tpu.memref_slice %arg17[%add3A_49, %dma_wait3A] : memref<10240x144xf32, #tpu.memory_space<vmem_shared>> -> memref<32x144xf32, #tpu.memory_space<vmem_shared>>
      %dma_wait3A_97 = arith.constant 0 : i32
      %dma_wait3A_98 = tpu.memref_slice %arg17[%add3A_49, %dma_wait3A_97] : memref<10240x144xf32, #tpu.memory_space<vmem_shared>> -> memref<32x144xf32, #tpu.memory_space<vmem_shared>>
      tpu.wait_dma2 semaphore(%run_scoped3A : memref<!tpu.dma_semaphore, #tpu.memory_space<semaphore_mem>>) src(%arg15 : memref<32x144xf32, #tpu.memory_space<vmem>>) dst(%dma_wait3A_98 : memref<32x144xf32, #tpu.memory_space<vmem_shared>>)
      tpu.yield
    }) : () -> ()
    %mul3A_50 = arith.constant 640 : i32
    %mul3A_51 = arith.muli %arg1, %mul3A_50 : i32
    %add3A_52 = arith.constant 384 : i32
    %add3A_53 = arith.addi %mul3A_51, %add3A_52 : i32
    "tpu.region"() ({
      %run_scoped3A = tpu.sem_alloc : memref<!tpu.dma_semaphore, #tpu.memory_space<semaphore_mem>>
      %dma_start3A = arith.constant 0 : i32
      %dma_start3A_93 = tpu.memref_slice %arg17[%add3A_53, %dma_start3A] : memref<10240x144xf32, #tpu.memory_space<vmem_shared>> -> memref<32x144xf32, #tpu.memory_space<vmem_shared>>
      %dma_start3A_94 = arith.constant 0 : i32
      %dma_start3A_95 = tpu.memref_slice %arg17[%add3A_53, %dma_start3A_94] : memref<10240x144xf32, #tpu.memory_space<vmem_shared>> -> memref<32x144xf32, #tpu.memory_space<vmem_shared>>
      tpu.enqueue_dma source(%arg15 : memref<32x144xf32, #tpu.memory_space<vmem>>) target(%dma_start3A_95 : memref<32x144xf32, #tpu.memory_space<vmem_shared>>) target_semaphore(%run_scoped3A : memref<!tpu.dma_semaphore, #tpu.memory_space<semaphore_mem>>)
      %dma_wait3A = arith.constant 0 : i32
      %dma_wait3A_96 = tpu.memref_slice %arg17[%add3A_53, %dma_wait3A] : memref<10240x144xf32, #tpu.memory_space<vmem_shared>> -> memref<32x144xf32, #tpu.memory_space<vmem_shared>>
      %dma_wait3A_97 = arith.constant 0 : i32
      %dma_wait3A_98 = tpu.memref_slice %arg17[%add3A_53, %dma_wait3A_97] : memref<10240x144xf32, #tpu.memory_space<vmem_shared>> -> memref<32x144xf32, #tpu.memory_space<vmem_shared>>
      tpu.wait_dma2 semaphore(%run_scoped3A : memref<!tpu.dma_semaphore, #tpu.memory_space<semaphore_mem>>) src(%arg15 : memref<32x144xf32, #tpu.memory_space<vmem>>) dst(%dma_wait3A_98 : memref<32x144xf32, #tpu.memory_space<vmem_shared>>)
      tpu.yield
    }) : () -> ()
    %mul3A_54 = arith.constant 640 : i32
    %mul3A_55 = arith.muli %arg1, %mul3A_54 : i32
    %add3A_56 = arith.constant 416 : i32
    %add3A_57 = arith.addi %mul3A_55, %add3A_56 : i32
    "tpu.region"() ({
      %run_scoped3A = tpu.sem_alloc : memref<!tpu.dma_semaphore, #tpu.memory_space<semaphore_mem>>
      %dma_start3A = arith.constant 0 : i32
      %dma_start3A_93 = tpu.memref_slice %arg17[%add3A_57, %dma_start3A] : memref<10240x144xf32, #tpu.memory_space<vmem_shared>> -> memref<32x144xf32, #tpu.memory_space<vmem_shared>>
      %dma_start3A_94 = arith.constant 0 : i32
      %dma_start3A_95 = tpu.memref_slice %arg17[%add3A_57, %dma_start3A_94] : memref<10240x144xf32, #tpu.memory_space<vmem_shared>> -> memref<32x144xf32, #tpu.memory_space<vmem_shared>>
      tpu.enqueue_dma source(%arg15 : memref<32x144xf32, #tpu.memory_space<vmem>>) target(%dma_start3A_95 : memref<32x144xf32, #tpu.memory_space<vmem_shared>>) target_semaphore(%run_scoped3A : memref<!tpu.dma_semaphore, #tpu.memory_space<semaphore_mem>>)
      %dma_wait3A = arith.constant 0 : i32
      %dma_wait3A_96 = tpu.memref_slice %arg17[%add3A_57, %dma_wait3A] : memref<10240x144xf32, #tpu.memory_space<vmem_shared>> -> memref<32x144xf32, #tpu.memory_space<vmem_shared>>
      %dma_wait3A_97 = arith.constant 0 : i32
      %dma_wait3A_98 = tpu.memref_slice %arg17[%add3A_57, %dma_wait3A_97] : memref<10240x144xf32, #tpu.memory_space<vmem_shared>> -> memref<32x144xf32, #tpu.memory_space<vmem_shared>>
      tpu.wait_dma2 semaphore(%run_scoped3A : memref<!tpu.dma_semaphore, #tpu.memory_space<semaphore_mem>>) src(%arg15 : memref<32x144xf32, #tpu.memory_space<vmem>>) dst(%dma_wait3A_98 : memref<32x144xf32, #tpu.memory_space<vmem_shared>>)
      tpu.yield
    }) : () -> ()
    %mul3A_58 = arith.constant 640 : i32
    %mul3A_59 = arith.muli %arg1, %mul3A_58 : i32
    %add3A_60 = arith.constant 448 : i32
    %add3A_61 = arith.addi %mul3A_59, %add3A_60 : i32
    "tpu.region"() ({
      %run_scoped3A = tpu.sem_alloc : memref<!tpu.dma_semaphore, #tpu.memory_space<semaphore_mem>>
      %dma_start3A = arith.constant 0 : i32
      %dma_start3A_93 = tpu.memref_slice %arg17[%add3A_61, %dma_start3A] : memref<10240x144xf32, #tpu.memory_space<vmem_shared>> -> memref<32x144xf32, #tpu.memory_space<vmem_shared>>
      %dma_start3A_94 = arith.constant 0 : i32
      %dma_start3A_95 = tpu.memref_slice %arg17[%add3A_61, %dma_start3A_94] : memref<10240x144xf32, #tpu.memory_space<vmem_shared>> -> memref<32x144xf32, #tpu.memory_space<vmem_shared>>
      tpu.enqueue_dma source(%arg15 : memref<32x144xf32, #tpu.memory_space<vmem>>) target(%dma_start3A_95 : memref<32x144xf32, #tpu.memory_space<vmem_shared>>) target_semaphore(%run_scoped3A : memref<!tpu.dma_semaphore, #tpu.memory_space<semaphore_mem>>)
      %dma_wait3A = arith.constant 0 : i32
      %dma_wait3A_96 = tpu.memref_slice %arg17[%add3A_61, %dma_wait3A] : memref<10240x144xf32, #tpu.memory_space<vmem_shared>> -> memref<32x144xf32, #tpu.memory_space<vmem_shared>>
      %dma_wait3A_97 = arith.constant 0 : i32
      %dma_wait3A_98 = tpu.memref_slice %arg17[%add3A_61, %dma_wait3A_97] : memref<10240x144xf32, #tpu.memory_space<vmem_shared>> -> memref<32x144xf32, #tpu.memory_space<vmem_shared>>
      tpu.wait_dma2 semaphore(%run_scoped3A : memref<!tpu.dma_semaphore, #tpu.memory_space<semaphore_mem>>) src(%arg15 : memref<32x144xf32, #tpu.memory_space<vmem>>) dst(%dma_wait3A_98 : memref<32x144xf32, #tpu.memory_space<vmem_shared>>)
      tpu.yield
    }) : () -> ()
    %mul3A_62 = arith.constant 640 : i32
    %mul3A_63 = arith.muli %arg1, %mul3A_62 : i32
    %add3A_64 = arith.constant 480 : i32
    %add3A_65 = arith.addi %mul3A_63, %add3A_64 : i32
    "tpu.region"() ({
      %run_scoped3A = tpu.sem_alloc : memref<!tpu.dma_semaphore, #tpu.memory_space<semaphore_mem>>
      %dma_start3A = arith.constant 0 : i32
      %dma_start3A_93 = tpu.memref_slice %arg17[%add3A_65, %dma_start3A] : memref<10240x144xf32, #tpu.memory_space<vmem_shared>> -> memref<32x144xf32, #tpu.memory_space<vmem_shared>>
      %dma_start3A_94 = arith.constant 0 : i32
      %dma_start3A_95 = tpu.memref_slice %arg17[%add3A_65, %dma_start3A_94] : memref<10240x144xf32, #tpu.memory_space<vmem_shared>> -> memref<32x144xf32, #tpu.memory_space<vmem_shared>>
      tpu.enqueue_dma source(%arg15 : memref<32x144xf32, #tpu.memory_space<vmem>>) target(%dma_start3A_95 : memref<32x144xf32, #tpu.memory_space<vmem_shared>>) target_semaphore(%run_scoped3A : memref<!tpu.dma_semaphore, #tpu.memory_space<semaphore_mem>>)
      %dma_wait3A = arith.constant 0 : i32
      %dma_wait3A_96 = tpu.memref_slice %arg17[%add3A_65, %dma_wait3A] : memref<10240x144xf32, #tpu.memory_space<vmem_shared>> -> memref<32x144xf32, #tpu.memory_space<vmem_shared>>
      %dma_wait3A_97 = arith.constant 0 : i32
      %dma_wait3A_98 = tpu.memref_slice %arg17[%add3A_65, %dma_wait3A_97] : memref<10240x144xf32, #tpu.memory_space<vmem_shared>> -> memref<32x144xf32, #tpu.memory_space<vmem_shared>>
      tpu.wait_dma2 semaphore(%run_scoped3A : memref<!tpu.dma_semaphore, #tpu.memory_space<semaphore_mem>>) src(%arg15 : memref<32x144xf32, #tpu.memory_space<vmem>>) dst(%dma_wait3A_98 : memref<32x144xf32, #tpu.memory_space<vmem_shared>>)
      tpu.yield
    }) : () -> ()
    %mul3A_66 = arith.constant 640 : i32
    %mul3A_67 = arith.muli %arg1, %mul3A_66 : i32
    %add3A_68 = arith.constant 512 : i32
    %add3A_69 = arith.addi %mul3A_67, %add3A_68 : i32
    "tpu.region"() ({
      %run_scoped3A = tpu.sem_alloc : memref<!tpu.dma_semaphore, #tpu.memory_space<semaphore_mem>>
      %dma_start3A = arith.constant 0 : i32
      %dma_start3A_93 = tpu.memref_slice %arg17[%add3A_69, %dma_start3A] : memref<10240x144xf32, #tpu.memory_space<vmem_shared>> -> memref<32x144xf32, #tpu.memory_space<vmem_shared>>
      %dma_start3A_94 = arith.constant 0 : i32
      %dma_start3A_95 = tpu.memref_slice %arg17[%add3A_69, %dma_start3A_94] : memref<10240x144xf32, #tpu.memory_space<vmem_shared>> -> memref<32x144xf32, #tpu.memory_space<vmem_shared>>
      tpu.enqueue_dma source(%arg15 : memref<32x144xf32, #tpu.memory_space<vmem>>) target(%dma_start3A_95 : memref<32x144xf32, #tpu.memory_space<vmem_shared>>) target_semaphore(%run_scoped3A : memref<!tpu.dma_semaphore, #tpu.memory_space<semaphore_mem>>)
      %dma_wait3A = arith.constant 0 : i32
      %dma_wait3A_96 = tpu.memref_slice %arg17[%add3A_69, %dma_wait3A] : memref<10240x144xf32, #tpu.memory_space<vmem_shared>> -> memref<32x144xf32, #tpu.memory_space<vmem_shared>>
      %dma_wait3A_97 = arith.constant 0 : i32
      %dma_wait3A_98 = tpu.memref_slice %arg17[%add3A_69, %dma_wait3A_97] : memref<10240x144xf32, #tpu.memory_space<vmem_shared>> -> memref<32x144xf32, #tpu.memory_space<vmem_shared>>
      tpu.wait_dma2 semaphore(%run_scoped3A : memref<!tpu.dma_semaphore, #tpu.memory_space<semaphore_mem>>) src(%arg15 : memref<32x144xf32, #tpu.memory_space<vmem>>) dst(%dma_wait3A_98 : memref<32x144xf32, #tpu.memory_space<vmem_shared>>)
      tpu.yield
    }) : () -> ()
    %mul3A_70 = arith.constant 640 : i32
    %mul3A_71 = arith.muli %arg1, %mul3A_70 : i32
    %add3A_72 = arith.constant 544 : i32
    %add3A_73 = arith.addi %mul3A_71, %add3A_72 : i32
    "tpu.region"() ({
      %run_scoped3A = tpu.sem_alloc : memref<!tpu.dma_semaphore, #tpu.memory_space<semaphore_mem>>
      %dma_start3A = arith.constant 0 : i32
      %dma_start3A_93 = tpu.memref_slice %arg17[%add3A_73, %dma_start3A] : memref<10240x144xf32, #tpu.memory_space<vmem_shared>> -> memref<32x144xf32, #tpu.memory_space<vmem_shared>>
      %dma_start3A_94 = arith.constant 0 : i32
      %dma_start3A_95 = tpu.memref_slice %arg17[%add3A_73, %dma_start3A_94] : memref<10240x144xf32, #tpu.memory_space<vmem_shared>> -> memref<32x144xf32, #tpu.memory_space<vmem_shared>>
      tpu.enqueue_dma source(%arg15 : memref<32x144xf32, #tpu.memory_space<vmem>>) target(%dma_start3A_95 : memref<32x144xf32, #tpu.memory_space<vmem_shared>>) target_semaphore(%run_scoped3A : memref<!tpu.dma_semaphore, #tpu.memory_space<semaphore_mem>>)
      %dma_wait3A = arith.constant 0 : i32
      %dma_wait3A_96 = tpu.memref_slice %arg17[%add3A_73, %dma_wait3A] : memref<10240x144xf32, #tpu.memory_space<vmem_shared>> -> memref<32x144xf32, #tpu.memory_space<vmem_shared>>
      %dma_wait3A_97 = arith.constant 0 : i32
      %dma_wait3A_98 = tpu.memref_slice %arg17[%add3A_73, %dma_wait3A_97] : memref<10240x144xf32, #tpu.memory_space<vmem_shared>> -> memref<32x144xf32, #tpu.memory_space<vmem_shared>>
      tpu.wait_dma2 semaphore(%run_scoped3A : memref<!tpu.dma_semaphore, #tpu.memory_space<semaphore_mem>>) src(%arg15 : memref<32x144xf32, #tpu.memory_space<vmem>>) dst(%dma_wait3A_98 : memref<32x144xf32, #tpu.memory_space<vmem_shared>>)
      tpu.yield
    }) : () -> ()
    %mul3A_74 = arith.constant 640 : i32
    %mul3A_75 = arith.muli %arg1, %mul3A_74 : i32
    %add3A_76 = arith.constant 576 : i32
    %add3A_77 = arith.addi %mul3A_75, %add3A_76 : i32
    "tpu.region"() ({
      %run_scoped3A = tpu.sem_alloc : memref<!tpu.dma_semaphore, #tpu.memory_space<semaphore_mem>>
      %dma_start3A = arith.constant 0 : i32
      %dma_start3A_93 = tpu.memref_slice %arg17[%add3A_77, %dma_start3A] : memref<10240x144xf32, #tpu.memory_space<vmem_shared>> -> memref<32x144xf32, #tpu.memory_space<vmem_shared>>
      %dma_start3A_94 = arith.constant 0 : i32
      %dma_start3A_95 = tpu.memref_slice %arg17[%add3A_77, %dma_start3A_94] : memref<10240x144xf32, #tpu.memory_space<vmem_shared>> -> memref<32x144xf32, #tpu.memory_space<vmem_shared>>
      tpu.enqueue_dma source(%arg15 : memref<32x144xf32, #tpu.memory_space<vmem>>) target(%dma_start3A_95 : memref<32x144xf32, #tpu.memory_space<vmem_shared>>) target_semaphore(%run_scoped3A : memref<!tpu.dma_semaphore, #tpu.memory_space<semaphore_mem>>)
      %dma_wait3A = arith.constant 0 : i32
      %dma_wait3A_96 = tpu.memref_slice %arg17[%add3A_77, %dma_wait3A] : memref<10240x144xf32, #tpu.memory_space<vmem_shared>> -> memref<32x144xf32, #tpu.memory_space<vmem_shared>>
      %dma_wait3A_97 = arith.constant 0 : i32
      %dma_wait3A_98 = tpu.memref_slice %arg17[%add3A_77, %dma_wait3A_97] : memref<10240x144xf32, #tpu.memory_space<vmem_shared>> -> memref<32x144xf32, #tpu.memory_space<vmem_shared>>
      tpu.wait_dma2 semaphore(%run_scoped3A : memref<!tpu.dma_semaphore, #tpu.memory_space<semaphore_mem>>) src(%arg15 : memref<32x144xf32, #tpu.memory_space<vmem>>) dst(%dma_wait3A_98 : memref<32x144xf32, #tpu.memory_space<vmem_shared>>)
      tpu.yield
    }) : () -> ()
    %mul3A_78 = arith.constant 640 : i32
    %mul3A_79 = arith.muli %arg1, %mul3A_78 : i32
    %add3A_80 = arith.constant 608 : i32
    %add3A_81 = arith.addi %mul3A_79, %add3A_80 : i32
    "tpu.region"() ({
      %run_scoped3A = tpu.sem_alloc : memref<!tpu.dma_semaphore, #tpu.memory_space<semaphore_mem>>
      %dma_start3A = arith.constant 0 : i32
      %dma_start3A_93 = tpu.memref_slice %arg17[%add3A_81, %dma_start3A] : memref<10240x144xf32, #tpu.memory_space<vmem_shared>> -> memref<32x144xf32, #tpu.memory_space<vmem_shared>>
      %dma_start3A_94 = arith.constant 0 : i32
      %dma_start3A_95 = tpu.memref_slice %arg17[%add3A_81, %dma_start3A_94] : memref<10240x144xf32, #tpu.memory_space<vmem_shared>> -> memref<32x144xf32, #tpu.memory_space<vmem_shared>>
      tpu.enqueue_dma source(%arg15 : memref<32x144xf32, #tpu.memory_space<vmem>>) target(%dma_start3A_95 : memref<32x144xf32, #tpu.memory_space<vmem_shared>>) target_semaphore(%run_scoped3A : memref<!tpu.dma_semaphore, #tpu.memory_space<semaphore_mem>>)
      %dma_wait3A = arith.constant 0 : i32
      %dma_wait3A_96 = tpu.memref_slice %arg17[%add3A_81, %dma_wait3A] : memref<10240x144xf32, #tpu.memory_space<vmem_shared>> -> memref<32x144xf32, #tpu.memory_space<vmem_shared>>
      %dma_wait3A_97 = arith.constant 0 : i32
      %dma_wait3A_98 = tpu.memref_slice %arg17[%add3A_81, %dma_wait3A_97] : memref<10240x144xf32, #tpu.memory_space<vmem_shared>> -> memref<32x144xf32, #tpu.memory_space<vmem_shared>>
      tpu.wait_dma2 semaphore(%run_scoped3A : memref<!tpu.dma_semaphore, #tpu.memory_space<semaphore_mem>>) src(%arg15 : memref<32x144xf32, #tpu.memory_space<vmem>>) dst(%dma_wait3A_98 : memref<32x144xf32, #tpu.memory_space<vmem_shared>>)
      tpu.yield
    }) : () -> ()
    %barrier3A = arith.constant 0 : index
    tpu.barrier barrier_id(%barrier3A)
    %scan3A = arith.constant 0 : i32
    %scan3A_82 = arith.constant 500 : i32
    %scan3A_83 = arith.addi %scan3A, %scan3A_82 : i32
    %scan3A_84 = arith.constant 1 : i32
    scf.for %scan3A_93 = %scan3A to %scan3A_83 step %scan3A_84  : i32 {
      %mul3A_94 = arith.constant 1 : i32
      %mul3A_95 = arith.muli %scan3A_93, %mul3A_94 : i32
      %add3A_96 = arith.constant 0 : i32
      %add3A_97 = arith.addi %add3A_96, %mul3A_95 : i32
      %mul3A_98 = arith.constant 20000 : i32
      %mul3A_99 = arith.muli %arg1, %mul3A_98 : i32
      %mul3A_100 = arith.constant 40 : i32
      %mul3A_101 = arith.muli %add3A_97, %mul3A_100 : i32
      %add3A_102 = arith.addi %mul3A_99, %mul3A_101 : i32
      %mul3A_103 = arith.constant 320000 : i32
      %mul3A_104 = arith.muli %add3A_1, %mul3A_103 : i32
      %add3A_105 = arith.addi %mul3A_104, %add3A_102 : i32
      "tpu.region"() ({
        %run_scoped3A = tpu.sem_alloc : memref<!tpu.dma_semaphore, #tpu.memory_space<semaphore_mem>>
        %dma_start3A_125 = tpu.memref_slice %arg5[%add3A_105] : memref<1280000xi32, #tpu.memory_space<hbm>> -> memref<40xi32, #tpu.memory_space<hbm>>
        %dma_start3A_126 = tpu.memref_slice %arg5[%add3A_105] : memref<1280000xi32, #tpu.memory_space<hbm>> -> memref<40xi32, #tpu.memory_space<hbm>>
        tpu.enqueue_dma source(%dma_start3A_126 : memref<40xi32, #tpu.memory_space<hbm>>) target(%arg11 : memref<40xi32, #tpu.memory_space<vmem>>) target_semaphore(%run_scoped3A : memref<!tpu.dma_semaphore, #tpu.memory_space<semaphore_mem>>)
        %dma_wait3A_127 = tpu.memref_slice %arg5[%add3A_105] : memref<1280000xi32, #tpu.memory_space<hbm>> -> memref<40xi32, #tpu.memory_space<hbm>>
        %dma_wait3A_128 = tpu.memref_slice %arg5[%add3A_105] : memref<1280000xi32, #tpu.memory_space<hbm>> -> memref<40xi32, #tpu.memory_space<hbm>>
        tpu.wait_dma2 semaphore(%run_scoped3A : memref<!tpu.dma_semaphore, #tpu.memory_space<semaphore_mem>>) src(%dma_wait3A_128 : memref<40xi32, #tpu.memory_space<hbm>>) dst(%arg11 : memref<40xi32, #tpu.memory_space<vmem>>)
        tpu.yield
      }) : () -> ()
      %mul3A_106 = arith.constant 320000 : i32
      %mul3A_107 = arith.muli %add3A_1, %mul3A_106 : i32
      %add3A_108 = arith.addi %mul3A_107, %add3A_102 : i32
      "tpu.region"() ({
        %run_scoped3A = tpu.sem_alloc : memref<!tpu.dma_semaphore, #tpu.memory_space<semaphore_mem>>
        %dma_start3A_125 = tpu.memref_slice %arg4[%add3A_108] : memref<1280000xi32, #tpu.memory_space<hbm>> -> memref<40xi32, #tpu.memory_space<hbm>>
        %dma_start3A_126 = tpu.memref_slice %arg4[%add3A_108] : memref<1280000xi32, #tpu.memory_space<hbm>> -> memref<40xi32, #tpu.memory_space<hbm>>
        tpu.enqueue_dma source(%dma_start3A_126 : memref<40xi32, #tpu.memory_space<hbm>>) target(%arg9 : memref<40xi32, #tpu.memory_space<vmem>>) target_semaphore(%run_scoped3A : memref<!tpu.dma_semaphore, #tpu.memory_space<semaphore_mem>>)
        %dma_wait3A_127 = tpu.memref_slice %arg4[%add3A_108] : memref<1280000xi32, #tpu.memory_space<hbm>> -> memref<40xi32, #tpu.memory_space<hbm>>
        %dma_wait3A_128 = tpu.memref_slice %arg4[%add3A_108] : memref<1280000xi32, #tpu.memory_space<hbm>> -> memref<40xi32, #tpu.memory_space<hbm>>
        tpu.wait_dma2 semaphore(%run_scoped3A : memref<!tpu.dma_semaphore, #tpu.memory_space<semaphore_mem>>) src(%dma_wait3A_128 : memref<40xi32, #tpu.memory_space<hbm>>) dst(%arg9 : memref<40xi32, #tpu.memory_space<vmem>>)
        tpu.yield
      }) : () -> ()
      "tpu.region"() ({
        %run_scoped3A = tpu.sem_alloc : memref<!tpu.dma_semaphore, #tpu.memory_space<semaphore_mem>>
        %dma_start3A_125 = tpu.memref_slice %arg6[%add3A_102] : memref<320000xi32, #tpu.memory_space<hbm>> -> memref<40xi32, #tpu.memory_space<hbm>>
        %dma_start3A_126 = tpu.memref_slice %arg6[%add3A_102] : memref<320000xi32, #tpu.memory_space<hbm>> -> memref<40xi32, #tpu.memory_space<hbm>>
        tpu.enqueue_dma source(%dma_start3A_126 : memref<40xi32, #tpu.memory_space<hbm>>) target(%arg10 : memref<40xi32, #tpu.memory_space<vmem>>) target_semaphore(%run_scoped3A : memref<!tpu.dma_semaphore, #tpu.memory_space<semaphore_mem>>)
        %dma_wait3A_127 = tpu.memref_slice %arg6[%add3A_102] : memref<320000xi32, #tpu.memory_space<hbm>> -> memref<40xi32, #tpu.memory_space<hbm>>
        %dma_wait3A_128 = tpu.memref_slice %arg6[%add3A_102] : memref<320000xi32, #tpu.memory_space<hbm>> -> memref<40xi32, #tpu.memory_space<hbm>>
        tpu.wait_dma2 semaphore(%run_scoped3A : memref<!tpu.dma_semaphore, #tpu.memory_space<semaphore_mem>>) src(%dma_wait3A_128 : memref<40xi32, #tpu.memory_space<hbm>>) dst(%arg10 : memref<40xi32, #tpu.memory_space<vmem>>)
        tpu.yield
      }) : () -> ()
      %dma_start3A = arith.constant 0 : i32
      %dma_start3A_109 = arith.constant 0 : i32
      %dma_start3A_110 = tpu.memref_slice %arg2[%dma_start3A, %dma_start3A_109] : memref<40960x128xf32, #tpu.memory_space<hbm>> -> memref<40960x128xf32, #tpu.memory_space<hbm>>
      tpu.enqueue_indirect_dma source(%dma_start3A_110 : memref<40960x128xf32, #tpu.memory_space<hbm>>) target(%arg12 : memref<40x128xf32, #tpu.memory_space<vmem>>) offsets(%arg11 : memref<40xi32, #tpu.memory_space<vmem>>) semaphore(%arg18 : memref<!tpu.dma_semaphore, #tpu.memory_space<semaphore_mem>>)
      %dma_start3A_111 = arith.constant 0 : i32
      %dma_start3A_112 = arith.constant 0 : i32
      %dma_start3A_113 = tpu.memref_slice %arg3[%dma_start3A_111, %dma_start3A_112] : memref<40960x256xf32, #tpu.memory_space<hbm>> -> memref<40960x256xf32, #tpu.memory_space<hbm>>
      tpu.enqueue_indirect_dma source(%dma_start3A_113 : memref<40960x256xf32, #tpu.memory_space<hbm>>) target(%arg13 : memref<40x256xf32, #tpu.memory_space<vmem>>) offsets(%arg9 : memref<40xi32, #tpu.memory_space<vmem>>) semaphore(%arg19 : memref<!tpu.dma_semaphore, #tpu.memory_space<semaphore_mem>>)
      %dma_wait3A = arith.constant 0 : i32
      %dma_wait3A_114 = arith.constant 0 : i32
      %dma_wait3A_115 = tpu.memref_slice %arg2[%dma_wait3A, %dma_wait3A_114] : memref<40960x128xf32, #tpu.memory_space<hbm>> -> memref<40960x128xf32, #tpu.memory_space<hbm>>
      tpu.wait_indirect_dma semaphore(%arg18 : memref<!tpu.dma_semaphore, #tpu.memory_space<semaphore_mem>>) src(%dma_wait3A_115 : memref<40960x128xf32, #tpu.memory_space<hbm>>) dst(%arg12 : memref<40x128xf32, #tpu.memory_space<vmem>>)
      %dma_wait3A_116 = arith.constant 0 : i32
      %dma_wait3A_117 = arith.constant 0 : i32
      %dma_wait3A_118 = tpu.memref_slice %arg3[%dma_wait3A_116, %dma_wait3A_117] : memref<40960x256xf32, #tpu.memory_space<hbm>> -> memref<40960x256xf32, #tpu.memory_space<hbm>>
      tpu.wait_indirect_dma semaphore(%arg19 : memref<!tpu.dma_semaphore, #tpu.memory_space<semaphore_mem>>) src(%dma_wait3A_118 : memref<40960x256xf32, #tpu.memory_space<hbm>>) dst(%arg13 : memref<40x256xf32, #tpu.memory_space<vmem>>)
      %broadcast_in_dim3A = arith.constant 0.0883883461 : f32
      %broadcast_in_dim3A_119 = vector.broadcast %broadcast_in_dim3A : f32 to vector<16xf32>
      %scan3A_120 = arith.constant 0 : i32
      %scan3A_121 = arith.constant 40 : i32
      %scan3A_122 = arith.addi %scan3A_120, %scan3A_121 : i32
      %scan3A_123 = arith.constant 1 : i32
      scf.for %scan3A_125 = %scan3A_120 to %scan3A_122 step %scan3A_123  : i32 {
        %mul3A_126 = arith.constant 1 : i32
        %mul3A_127 = arith.muli %scan3A_125, %mul3A_126 : i32
        %add3A_128 = arith.constant 0 : i32
        %add3A_129 = arith.addi %add3A_128, %mul3A_127 : i32
        %get3A = arith.index_cast %add3A_129 : i32 to index
        %get3A_130 = arith.constant 0 : index
        %get3A_131 = tpu.vector_load %arg12[%get3A, %get3A_130] {strides = array<i32>} : memref<40x128xf32, #tpu.memory_space<vmem>>, vector<16xf32>,
        %get3A_132 = arith.index_cast %add3A_129 : i32 to index
        %get3A_133 = arith.constant 0 : index
        %get3A_134 = tpu.vector_load %arg13[%get3A_132, %get3A_133] {strides = array<i32>} : memref<40x256xf32, #tpu.memory_space<vmem>>, vector<16xf32>,
        %mul3A_135 = arith.mulf %get3A_131, %get3A_134 : vector<16xf32>
        %get3A_136 = arith.index_cast %add3A_129 : i32 to index
        %get3A_137 = arith.constant 16 : index
        %get3A_138 = tpu.vector_load %arg12[%get3A_136, %get3A_137] {strides = array<i32>} : memref<40x128xf32, #tpu.memory_space<vmem>>, vector<16xf32>,
        %get3A_139 = arith.index_cast %add3A_129 : i32 to index
        %get3A_140 = arith.constant 16 : index
        %get3A_141 = tpu.vector_load %arg13[%get3A_139, %get3A_140] {strides = array<i32>} : memref<40x256xf32, #tpu.memory_space<vmem>>, vector<16xf32>,
        %mul3A_142 = arith.mulf %get3A_138, %get3A_141 : vector<16xf32>
        %add3A_143 = arith.addf %mul3A_135, %mul3A_142 : vector<16xf32>
        %get3A_144 = arith.index_cast %add3A_129 : i32 to index
        %get3A_145 = arith.constant 32 : index
        %get3A_146 = tpu.vector_load %arg12[%get3A_144, %get3A_145] {strides = array<i32>} : memref<40x128xf32, #tpu.memory_space<vmem>>, vector<16xf32>,
        %get3A_147 = arith.index_cast %add3A_129 : i32 to index
        %get3A_148 = arith.constant 32 : index
        %get3A_149 = tpu.vector_load %arg13[%get3A_147, %get3A_148] {strides = array<i32>} : memref<40x256xf32, #tpu.memory_space<vmem>>, vector<16xf32>,
        %mul3A_150 = arith.mulf %get3A_146, %get3A_149 : vector<16xf32>
        %add3A_151 = arith.addf %add3A_143, %mul3A_150 : vector<16xf32>
        %get3A_152 = arith.index_cast %add3A_129 : i32 to index
        %get3A_153 = arith.constant 48 : index
        %get3A_154 = tpu.vector_load %arg12[%get3A_152, %get3A_153] {strides = array<i32>} : memref<40x128xf32, #tpu.memory_space<vmem>>, vector<16xf32>,
        %get3A_155 = arith.index_cast %add3A_129 : i32 to index
        %get3A_156 = arith.constant 48 : index
        %get3A_157 = tpu.vector_load %arg13[%get3A_155, %get3A_156] {strides = array<i32>} : memref<40x256xf32, #tpu.memory_space<vmem>>, vector<16xf32>,
        %mul3A_158 = arith.mulf %get3A_154, %get3A_157 : vector<16xf32>
        %add3A_159 = arith.addf %add3A_151, %mul3A_158 : vector<16xf32>
        %get3A_160 = arith.index_cast %add3A_129 : i32 to index
        %get3A_161 = arith.constant 64 : index
        %get3A_162 = tpu.vector_load %arg12[%get3A_160, %get3A_161] {strides = array<i32>} : memref<40x128xf32, #tpu.memory_space<vmem>>, vector<16xf32>,
        %get3A_163 = arith.index_cast %add3A_129 : i32 to index
        %get3A_164 = arith.constant 64 : index
        %get3A_165 = tpu.vector_load %arg13[%get3A_163, %get3A_164] {strides = array<i32>} : memref<40x256xf32, #tpu.memory_space<vmem>>, vector<16xf32>,
        %mul3A_166 = arith.mulf %get3A_162, %get3A_165 : vector<16xf32>
        %add3A_167 = arith.addf %add3A_159, %mul3A_166 : vector<16xf32>
        %get3A_168 = arith.index_cast %add3A_129 : i32 to index
        %get3A_169 = arith.constant 80 : index
        %get3A_170 = tpu.vector_load %arg12[%get3A_168, %get3A_169] {strides = array<i32>} : memref<40x128xf32, #tpu.memory_space<vmem>>, vector<16xf32>,
        %get3A_171 = arith.index_cast %add3A_129 : i32 to index
        %get3A_172 = arith.constant 80 : index
        %get3A_173 = tpu.vector_load %arg13[%get3A_171, %get3A_172] {strides = array<i32>} : memref<40x256xf32, #tpu.memory_space<vmem>>, vector<16xf32>,
        %mul3A_174 = arith.mulf %get3A_170, %get3A_173 : vector<16xf32>
        %add3A_175 = arith.addf %add3A_167, %mul3A_174 : vector<16xf32>
        %get3A_176 = arith.index_cast %add3A_129 : i32 to index
        %get3A_177 = arith.constant 96 : index
        %get3A_178 = tpu.vector_load %arg12[%get3A_176, %get3A_177] {strides = array<i32>} : memref<40x128xf32, #tpu.memory_space<vmem>>, vector<16xf32>,
        %get3A_179 = arith.index_cast %add3A_129 : i32 to index
        %get3A_180 = arith.constant 96 : index
        %get3A_181 = tpu.vector_load %arg13[%get3A_179, %get3A_180] {strides = array<i32>} : memref<40x256xf32, #tpu.memory_space<vmem>>, vector<16xf32>,
        %mul3A_182 = arith.mulf %get3A_178, %get3A_181 : vector<16xf32>
        %add3A_183 = arith.addf %add3A_175, %mul3A_182 : vector<16xf32>
        %get3A_184 = arith.index_cast %add3A_129 : i32 to index
        %get3A_185 = arith.constant 112 : index
        %get3A_186 = tpu.vector_load %arg12[%get3A_184, %get3A_185] {strides = array<i32>} : memref<40x128xf32, #tpu.memory_space<vmem>>, vector<16xf32>,
        %get3A_187 = arith.index_cast %add3A_129 : i32 to index
        %get3A_188 = arith.constant 112 : index
        %get3A_189 = tpu.vector_load %arg13[%get3A_187, %get3A_188] {strides = array<i32>} : memref<40x256xf32, #tpu.memory_space<vmem>>, vector<16xf32>,
        %mul3A_190 = arith.mulf %get3A_186, %get3A_189 : vector<16xf32>
        %add3A_191 = arith.addf %add3A_183, %mul3A_190 : vector<16xf32>
        %mul3A_192 = arith.mulf %add3A_191, %broadcast_in_dim3A_119 : vector<16xf32>
        %reduce_sum3A = arith.constant true
        %reduce_sum3A_193 = vector.broadcast %reduce_sum3A : i1 to vector<16xi1>
        %reduce_sum3A_194 = tpu.scan <sum>, %mul3A_192 masked %reduce_sum3A_193 : vector<16xf32>, vector<16xi1> -> vector<16xf32>
        %reduce_sum3A_195 = vector.extract %reduce_sum3A_194[15] : f32 from vector<16xf32>
        %broadcast_in_dim3A_196 = vector.broadcast %reduce_sum3A_195 : f32 to vector<16xf32>
        %exp3A = math.exp %broadcast_in_dim3A_196 : vector<16xf32>
        %get3A_197 = arith.index_cast %add3A_129 : i32 to index
        %get3A_198 = arith.constant 128 : index
        %get3A_199 = tpu.vector_load %arg13[%get3A_197, %get3A_198] {strides = array<i32>} : memref<40x256xf32, #tpu.memory_space<vmem>>, vector<16xf32>,
        %mul3A_200 = arith.mulf %exp3A, %get3A_199 : vector<16xf32>
        %swap3A = arith.index_cast %add3A_129 : i32 to index
        %swap3A_201 = arith.constant 0 : index
        %swap3A_202 = tpu.vector_load %arg14[%swap3A, %swap3A_201] {strides = array<i32>} : memref<40x144xf32, #tpu.memory_space<vmem>>, vector<16xf32>,
        tpu.vector_store %arg14[%swap3A, %swap3A_201], %mul3A_200 {strides = array<i32>} : memref<40x144xf32, #tpu.memory_space<vmem>>, vector<16xf32>,
        %get3A_203 = arith.index_cast %add3A_129 : i32 to index
        %get3A_204 = arith.constant 144 : index
        %get3A_205 = tpu.vector_load %arg13[%get3A_203, %get3A_204] {strides = array<i32>} : memref<40x256xf32, #tpu.memory_space<vmem>>, vector<16xf32>,
        %mul3A_206 = arith.mulf %exp3A, %get3A_205 : vector<16xf32>
        %swap3A_207 = arith.index_cast %add3A_129 : i32 to index
        %swap3A_208 = arith.constant 16 : index
        %swap3A_209 = tpu.vector_load %arg14[%swap3A_207, %swap3A_208] {strides = array<i32>} : memref<40x144xf32, #tpu.memory_space<vmem>>, vector<16xf32>,
        tpu.vector_store %arg14[%swap3A_207, %swap3A_208], %mul3A_206 {strides = array<i32>} : memref<40x144xf32, #tpu.memory_space<vmem>>, vector<16xf32>,
        %get3A_210 = arith.index_cast %add3A_129 : i32 to index
        %get3A_211 = arith.constant 160 : index
        %get3A_212 = tpu.vector_load %arg13[%get3A_210, %get3A_211] {strides = array<i32>} : memref<40x256xf32, #tpu.memory_space<vmem>>, vector<16xf32>,
        %mul3A_213 = arith.mulf %exp3A, %get3A_212 : vector<16xf32>
        %swap3A_214 = arith.index_cast %add3A_129 : i32 to index
        %swap3A_215 = arith.constant 32 : index
        %swap3A_216 = tpu.vector_load %arg14[%swap3A_214, %swap3A_215] {strides = array<i32>} : memref<40x144xf32, #tpu.memory_space<vmem>>, vector<16xf32>,
        tpu.vector_store %arg14[%swap3A_214, %swap3A_215], %mul3A_213 {strides = array<i32>} : memref<40x144xf32, #tpu.memory_space<vmem>>, vector<16xf32>,
        %get3A_217 = arith.index_cast %add3A_129 : i32 to index
        %get3A_218 = arith.constant 176 : index
        %get3A_219 = tpu.vector_load %arg13[%get3A_217, %get3A_218] {strides = array<i32>} : memref<40x256xf32, #tpu.memory_space<vmem>>, vector<16xf32>,
        %mul3A_220 = arith.mulf %exp3A, %get3A_219 : vector<16xf32>
        %swap3A_221 = arith.index_cast %add3A_129 : i32 to index
        %swap3A_222 = arith.constant 48 : index
        %swap3A_223 = tpu.vector_load %arg14[%swap3A_221, %swap3A_222] {strides = array<i32>} : memref<40x144xf32, #tpu.memory_space<vmem>>, vector<16xf32>,
        tpu.vector_store %arg14[%swap3A_221, %swap3A_222], %mul3A_220 {strides = array<i32>} : memref<40x144xf32, #tpu.memory_space<vmem>>, vector<16xf32>,
        %get3A_224 = arith.index_cast %add3A_129 : i32 to index
        %get3A_225 = arith.constant 192 : index
        %get3A_226 = tpu.vector_load %arg13[%get3A_224, %get3A_225] {strides = array<i32>} : memref<40x256xf32, #tpu.memory_space<vmem>>, vector<16xf32>,
        %mul3A_227 = arith.mulf %exp3A, %get3A_226 : vector<16xf32>
        %swap3A_228 = arith.index_cast %add3A_129 : i32 to index
        %swap3A_229 = arith.constant 64 : index
        %swap3A_230 = tpu.vector_load %arg14[%swap3A_228, %swap3A_229] {strides = array<i32>} : memref<40x144xf32, #tpu.memory_space<vmem>>, vector<16xf32>,
        tpu.vector_store %arg14[%swap3A_228, %swap3A_229], %mul3A_227 {strides = array<i32>} : memref<40x144xf32, #tpu.memory_space<vmem>>, vector<16xf32>,
        %get3A_231 = arith.index_cast %add3A_129 : i32 to index
        %get3A_232 = arith.constant 208 : index
        %get3A_233 = tpu.vector_load %arg13[%get3A_231, %get3A_232] {strides = array<i32>} : memref<40x256xf32, #tpu.memory_space<vmem>>, vector<16xf32>,
        %mul3A_234 = arith.mulf %exp3A, %get3A_233 : vector<16xf32>
        %swap3A_235 = arith.index_cast %add3A_129 : i32 to index
        %swap3A_236 = arith.constant 80 : index
        %swap3A_237 = tpu.vector_load %arg14[%swap3A_235, %swap3A_236] {strides = array<i32>} : memref<40x144xf32, #tpu.memory_space<vmem>>, vector<16xf32>,
        tpu.vector_store %arg14[%swap3A_235, %swap3A_236], %mul3A_234 {strides = array<i32>} : memref<40x144xf32, #tpu.memory_space<vmem>>, vector<16xf32>,
        %get3A_238 = arith.index_cast %add3A_129 : i32 to index
        %get3A_239 = arith.constant 224 : index
        %get3A_240 = tpu.vector_load %arg13[%get3A_238, %get3A_239] {strides = array<i32>} : memref<40x256xf32, #tpu.memory_space<vmem>>, vector<16xf32>,
        %mul3A_241 = arith.mulf %exp3A, %get3A_240 : vector<16xf32>
        %swap3A_242 = arith.index_cast %add3A_129 : i32 to index
        %swap3A_243 = arith.constant 96 : index
        %swap3A_244 = tpu.vector_load %arg14[%swap3A_242, %swap3A_243] {strides = array<i32>} : memref<40x144xf32, #tpu.memory_space<vmem>>, vector<16xf32>,
        tpu.vector_store %arg14[%swap3A_242, %swap3A_243], %mul3A_241 {strides = array<i32>} : memref<40x144xf32, #tpu.memory_space<vmem>>, vector<16xf32>,
        %get3A_245 = arith.index_cast %add3A_129 : i32 to index
        %get3A_246 = arith.constant 240 : index
        %get3A_247 = tpu.vector_load %arg13[%get3A_245, %get3A_246] {strides = array<i32>} : memref<40x256xf32, #tpu.memory_space<vmem>>, vector<16xf32>,
        %mul3A_248 = arith.mulf %exp3A, %get3A_247 : vector<16xf32>
        %swap3A_249 = arith.index_cast %add3A_129 : i32 to index
        %swap3A_250 = arith.constant 112 : index
        %swap3A_251 = tpu.vector_load %arg14[%swap3A_249, %swap3A_250] {strides = array<i32>} : memref<40x144xf32, #tpu.memory_space<vmem>>, vector<16xf32>,
        tpu.vector_store %arg14[%swap3A_249, %swap3A_250], %mul3A_248 {strides = array<i32>} : memref<40x144xf32, #tpu.memory_space<vmem>>, vector<16xf32>,
        %swap3A_252 = arith.index_cast %add3A_129 : i32 to index
        %swap3A_253 = arith.constant 128 : index
        %swap3A_254 = tpu.vector_load %arg14[%swap3A_252, %swap3A_253] {strides = array<i32>} : memref<40x144xf32, #tpu.memory_space<vmem>>, vector<16xf32>,
        tpu.vector_store %arg14[%swap3A_252, %swap3A_253], %exp3A {strides = array<i32>} : memref<40x144xf32, #tpu.memory_space<vmem>>, vector<16xf32>,
      }
      %scan3A_124 = arith.constant 40 : i32
      "tpu.region"() ({
        %run_scoped3A = tpu.sem_alloc : memref<!tpu.dma_semaphore, #tpu.memory_space<semaphore_mem>>
        %dma_start3A_125 = arith.constant 0 : i32
        %dma_start3A_126 = arith.constant 0 : i32
        %dma_start3A_127 = tpu.memref_slice %arg17[%dma_start3A_125, %dma_start3A_126] : memref<10240x144xf32, #tpu.memory_space<vmem_shared>> -> memref<10240x144xf32, #tpu.memory_space<vmem_shared>>
        tpu.enqueue_indirect_dma source(%arg14 : memref<40x144xf32, #tpu.memory_space<vmem>>) target(%dma_start3A_127 : memref<10240x144xf32, #tpu.memory_space<vmem_shared>>) offsets(%arg10 : memref<40xi32, #tpu.memory_space<vmem>>) semaphore(%run_scoped3A : memref<!tpu.dma_semaphore, #tpu.memory_space<semaphore_mem>>) {add = true}
        %dma_wait3A_128 = arith.constant 0 : i32
        %dma_wait3A_129 = arith.constant 0 : i32
        %dma_wait3A_130 = tpu.memref_slice %arg17[%dma_wait3A_128, %dma_wait3A_129] : memref<10240x144xf32, #tpu.memory_space<vmem_shared>> -> memref<10240x144xf32, #tpu.memory_space<vmem_shared>>
        tpu.wait_indirect_dma semaphore(%run_scoped3A : memref<!tpu.dma_semaphore, #tpu.memory_space<semaphore_mem>>) src(%arg14 : memref<40x144xf32, #tpu.memory_space<vmem>>) dst(%dma_wait3A_130 : memref<10240x144xf32, #tpu.memory_space<vmem_shared>>)
        tpu.yield
      }) : () -> ()
    }
    %scan3A_85 = arith.constant 500 : i32
    %barrier3A_86 = arith.constant 0 : index
    tpu.barrier barrier_id(%barrier3A_86)
    %scan3A_87 = arith.constant 0 : i32
    %scan3A_88 = arith.constant 640 : i32
    %scan3A_89 = arith.addi %scan3A_87, %scan3A_88 : i32
    %scan3A_90 = arith.constant 1 : i32
    scf.for %scan3A_93 = %scan3A_87 to %scan3A_89 step %scan3A_90  : i32 {
      %mul3A_94 = arith.constant 1 : i32
      %mul3A_95 = arith.muli %scan3A_93, %mul3A_94 : i32
      %add3A_96 = arith.constant 0 : i32
      %add3A_97 = arith.addi %add3A_96, %mul3A_95 : i32
      %mul3A_98 = arith.constant 640 : i32
      %mul3A_99 = arith.muli %arg1, %mul3A_98 : i32
      %add3A_100 = arith.addi %mul3A_99, %add3A_97 : i32
      "tpu.region"() ({
        %run_scoped3A = tpu.sem_alloc : memref<!tpu.dma_semaphore, #tpu.memory_space<semaphore_mem>>
        %dma_start3A = arith.constant 0 : i32
        %dma_start3A_101 = tpu.memref_slice %arg17[%add3A_100, %dma_start3A] : memref<10240x144xf32, #tpu.memory_space<vmem_shared>> -> memref<1x144xf32, #tpu.memory_space<vmem_shared>>
        %dma_start3A_102 = tpu.memref_squeeze %dma_start3A_101 : memref<1x144xf32, #tpu.memory_space<vmem_shared>> -> memref<144xf32, #tpu.memory_space<vmem_shared>>
        %dma_start3A_103 = arith.constant 0 : i32
        %dma_start3A_104 = tpu.memref_slice %arg17[%add3A_100, %dma_start3A_103] : memref<10240x144xf32, #tpu.memory_space<vmem_shared>> -> memref<1x144xf32, #tpu.memory_space<vmem_shared>>
        %dma_start3A_105 = tpu.memref_squeeze %dma_start3A_104 : memref<1x144xf32, #tpu.memory_space<vmem_shared>> -> memref<144xf32, #tpu.memory_space<vmem_shared>>
        tpu.enqueue_dma source(%dma_start3A_105 : memref<144xf32, #tpu.memory_space<vmem_shared>>) target(%arg16 : memref<144xf32, #tpu.memory_space<vmem>>) target_semaphore(%run_scoped3A : memref<!tpu.dma_semaphore, #tpu.memory_space<semaphore_mem>>)
        %dma_wait3A = arith.constant 0 : i32
        %dma_wait3A_106 = tpu.memref_slice %arg17[%add3A_100, %dma_wait3A] : memref<10240x144xf32, #tpu.memory_space<vmem_shared>> -> memref<1x144xf32, #tpu.memory_space<vmem_shared>>
        %dma_wait3A_107 = tpu.memref_squeeze %dma_wait3A_106 : memref<1x144xf32, #tpu.memory_space<vmem_shared>> -> memref<144xf32, #tpu.memory_space<vmem_shared>>
        %dma_wait3A_108 = arith.constant 0 : i32
        %dma_wait3A_109 = tpu.memref_slice %arg17[%add3A_100, %dma_wait3A_108] : memref<10240x144xf32, #tpu.memory_space<vmem_shared>> -> memref<1x144xf32, #tpu.memory_space<vmem_shared>>
        %dma_wait3A_110 = tpu.memref_squeeze %dma_wait3A_109 : memref<1x144xf32, #tpu.memory_space<vmem_shared>> -> memref<144xf32, #tpu.memory_space<vmem_shared>>
        tpu.wait_dma2 semaphore(%run_scoped3A : memref<!tpu.dma_semaphore, #tpu.memory_space<semaphore_mem>>) src(%dma_wait3A_110 : memref<144xf32, #tpu.memory_space<vmem_shared>>) dst(%arg16 : memref<144xf32, #tpu.memory_space<vmem>>)
        tpu.yield
      }) : () -> ()
      "tpu.region"() ({
        %run_scoped3A = tpu.sem_alloc : memref<!tpu.dma_semaphore, #tpu.memory_space<semaphore_mem>>
        %dma_start3A = arith.constant 0 : i32
        %dma_start3A_101 = tpu.memref_slice %arg8[%add3A_1, %add3A_100, %dma_start3A] : memref<4x10240x144xf32, #tpu.memory_space<hbm>> -> memref<1x1x144xf32, #tpu.memory_space<hbm>>
        %dma_start3A_102 = tpu.memref_squeeze %dma_start3A_101 : memref<1x1x144xf32, #tpu.memory_space<hbm>> -> memref<144xf32, #tpu.memory_space<hbm>>
        %dma_start3A_103 = arith.constant 0 : i32
        %dma_start3A_104 = tpu.memref_slice %arg8[%add3A_1, %add3A_100, %dma_start3A_103] : memref<4x10240x144xf32, #tpu.memory_space<hbm>> -> memref<1x1x144xf32, #tpu.memory_space<hbm>>
        %dma_start3A_105 = tpu.memref_squeeze %dma_start3A_104 : memref<1x1x144xf32, #tpu.memory_space<hbm>> -> memref<144xf32, #tpu.memory_space<hbm>>
        tpu.enqueue_dma source(%arg16 : memref<144xf32, #tpu.memory_space<vmem>>) target(%dma_start3A_105 : memref<144xf32, #tpu.memory_space<hbm>>) target_semaphore(%run_scoped3A : memref<!tpu.dma_semaphore, #tpu.memory_space<semaphore_mem>>)
        %dma_wait3A = arith.constant 0 : i32
        %dma_wait3A_106 = tpu.memref_slice %arg8[%add3A_1, %add3A_100, %dma_wait3A] : memref<4x10240x144xf32, #tpu.memory_space<hbm>> -> memref<1x1x144xf32, #tpu.memory_space<hbm>>
        %dma_wait3A_107 = tpu.memref_squeeze %dma_wait3A_106 : memref<1x1x144xf32, #tpu.memory_space<hbm>> -> memref<144xf32, #tpu.memory_space<hbm>>
        %dma_wait3A_108 = arith.constant 0 : i32
        %dma_wait3A_109 = tpu.memref_slice %arg8[%add3A_1, %add3A_100, %dma_wait3A_108] : memref<4x10240x144xf32, #tpu.memory_space<hbm>> -> memref<1x1x144xf32, #tpu.memory_space<hbm>>
        %dma_wait3A_110 = tpu.memref_squeeze %dma_wait3A_109 : memref<1x1x144xf32, #tpu.memory_space<hbm>> -> memref<144xf32, #tpu.memory_space<hbm>>
        tpu.wait_dma2 semaphore(%run_scoped3A : memref<!tpu.dma_semaphore, #tpu.memory_space<semaphore_mem>>) src(%arg16 : memref<144xf32, #tpu.memory_space<vmem>>) dst(%dma_wait3A_110 : memref<144xf32, #tpu.memory_space<hbm>>)
        tpu.yield
      }) : () -> ()
    }
    %scan3A_91 = arith.constant 640 : i32
    %barrier3A_92 = arith.constant 0 : index
    tpu.barrier barrier_id(%barrier3A_92)
    return
  }
}

module attributes {stable_mosaic.version = 14 : i64} {
  func.func @_proj1_kernel(%arg0: i32, %arg1: memref<1024x128xf32, #tpu.memory_space<vmem>>, %arg2: memref<128x2048xf32, #tpu.memory_space<vmem>>, %arg3: memref<1x2048xf32, #tpu.memory_space<vmem>>, %arg4: memref<4096x128xf32, #tpu.memory_space<vmem>>, %arg5: memref<4096x256xf32, #tpu.memory_space<vmem>>, %arg6: memref<1024x512xf32, #tpu.memory_space<vmem>>) attributes {dimension_semantics = [#tpu.dimension_semantics<arbitrary>], iteration_bounds = array<i64: 10>, scalar_prefetch = 0 : i64, scratch_operands = 0 : i64, tpu.core_type = #tpu.core_type<tc>, window_params = [{transform_indices = @transform_0, window_bounds = array<i64: 1024, 128>}, {pipeline_mode = #tpu.pipeline_mode<synchronous>, transform_indices = @transform_1, window_bounds = array<i64: 128, 2048>}, {pipeline_mode = #tpu.pipeline_mode<synchronous>, transform_indices = @transform_2, window_bounds = array<i64: 1, 2048>}, {transform_indices = @transform_3, window_bounds = array<i64: 4096, 128>}, {transform_indices = @transform_4, window_bounds = array<i64: 4096, 256>}, {transform_indices = @transform_5, window_bounds = array<i64: 1024, 512>}]} {
    %get3A = arith.constant 0 : index
    %get3A_0 = arith.constant 0 : index
    %get3A_1 = vector.load %arg1[%get3A, %get3A_0] : memref<1024x128xf32, #tpu.memory_space<vmem>>, vector<1024x128xf32>
    %get3A_2 = arith.constant 0 : index
    %get3A_3 = arith.constant 0 : index
    %get3A_4 = vector.load %arg2[%get3A_2, %get3A_3] : memref<128x2048xf32, #tpu.memory_space<vmem>>, vector<128x2048xf32>
    %dot_general3A = arith.constant dense<0.000000e+00> : vector<1024x2048xf32>
    %dot_general3A_5 = tpu.matmul %get3A_1, %get3A_4, %dot_general3A {dimension_numbers = #tpu.dot_dimension_numbers<[1], [0], [0], [1], [0, 0, 1, 1], [], []>, transpose_lhs_hint = false} : vector<1024x128xf32>, vector<128x2048xf32>, vector<1024x2048xf32> -> vector<1024x2048xf32>
    %get3A_6 = arith.constant 0 : index
    %get3A_7 = arith.constant 0 : index
    %get3A_8 = vector.load %arg3[%get3A_6, %get3A_7] : memref<1x2048xf32, #tpu.memory_space<vmem>>, vector<1x2048xf32>
    %add3A = vector.broadcast %get3A_8 : vector<1x2048xf32> to vector<1024x2048xf32>
    %add3A_9 = arith.addf %dot_general3A_5, %add3A : vector<1024x2048xf32>
    %slice3A = vector.extract_strided_slice %add3A_9 {offsets = [0, 0], sizes = [1024, 128], strides = [1, 1]} : vector<1024x2048xf32> to vector<1024x128xf32>
    %slice3A_10 = vector.extract_strided_slice %add3A_9 {offsets = [0, 384], sizes = [1024, 128], strides = [1, 1]} : vector<1024x2048xf32> to vector<1024x128xf32>
    %slice3A_11 = vector.extract_strided_slice %add3A_9 {offsets = [0, 768], sizes = [1024, 128], strides = [1, 1]} : vector<1024x2048xf32> to vector<1024x128xf32>
    %slice3A_12 = vector.extract_strided_slice %add3A_9 {offsets = [0, 1152], sizes = [1024, 128], strides = [1, 1]} : vector<1024x2048xf32> to vector<1024x128xf32>
    %stack3A = vector.shape_cast %slice3A : vector<1024x128xf32> to vector<1024x1x128xf32>
    %stack3A_13 = vector.shape_cast %slice3A_10 : vector<1024x128xf32> to vector<1024x1x128xf32>
    %stack3A_14 = vector.shape_cast %slice3A_11 : vector<1024x128xf32> to vector<1024x1x128xf32>
    %stack3A_15 = vector.shape_cast %slice3A_12 : vector<1024x128xf32> to vector<1024x1x128xf32>
    %stack3A_16 = tpu.concatenate %stack3A, %stack3A_13, %stack3A_14, %stack3A_15 in 1 : vector<1024x1x128xf32>, vector<1024x1x128xf32>, vector<1024x1x128xf32>, vector<1024x1x128xf32> -> vector<1024x4x128xf32>
    %reshape3A = vector.shape_cast %stack3A_16 : vector<1024x4x128xf32> to vector<4096x128xf32>
    %swap3A = arith.constant 0 : index
    %swap3A_17 = arith.constant 0 : index
    %swap3A_18 = vector.load %arg4[%swap3A, %swap3A_17] : memref<4096x128xf32, #tpu.memory_space<vmem>>, vector<4096x128xf32>
    tpu.vector_store %arg4[%swap3A, %swap3A_17], %reshape3A {strides = array<i32>} : memref<4096x128xf32, #tpu.memory_space<vmem>>, vector<4096x128xf32>,
    %slice3A_19 = vector.extract_strided_slice %add3A_9 {offsets = [0, 128], sizes = [1024, 256], strides = [1, 1]} : vector<1024x2048xf32> to vector<1024x256xf32>
    %slice3A_20 = vector.extract_strided_slice %add3A_9 {offsets = [0, 512], sizes = [1024, 256], strides = [1, 1]} : vector<1024x2048xf32> to vector<1024x256xf32>
    %slice3A_21 = vector.extract_strided_slice %add3A_9 {offsets = [0, 896], sizes = [1024, 256], strides = [1, 1]} : vector<1024x2048xf32> to vector<1024x256xf32>
    %slice3A_22 = vector.extract_strided_slice %add3A_9 {offsets = [0, 1280], sizes = [1024, 256], strides = [1, 1]} : vector<1024x2048xf32> to vector<1024x256xf32>
    %stack3A_23 = vector.shape_cast %slice3A_19 : vector<1024x256xf32> to vector<1024x1x256xf32>
    %stack3A_24 = vector.shape_cast %slice3A_20 : vector<1024x256xf32> to vector<1024x1x256xf32>
    %stack3A_25 = vector.shape_cast %slice3A_21 : vector<1024x256xf32> to vector<1024x1x256xf32>
    %stack3A_26 = vector.shape_cast %slice3A_22 : vector<1024x256xf32> to vector<1024x1x256xf32>
    %stack3A_27 = tpu.concatenate %stack3A_23, %stack3A_24, %stack3A_25, %stack3A_26 in 1 : vector<1024x1x256xf32>, vector<1024x1x256xf32>, vector<1024x1x256xf32>, vector<1024x1x256xf32> -> vector<1024x4x256xf32>
    %reshape3A_28 = vector.shape_cast %stack3A_27 : vector<1024x4x256xf32> to vector<4096x256xf32>
    %swap3A_29 = arith.constant 0 : index
    %swap3A_30 = arith.constant 0 : index
    %swap3A_31 = vector.load %arg5[%swap3A_29, %swap3A_30] : memref<4096x256xf32, #tpu.memory_space<vmem>>, vector<4096x256xf32>
    tpu.vector_store %arg5[%swap3A_29, %swap3A_30], %reshape3A_28 {strides = array<i32>} : memref<4096x256xf32, #tpu.memory_space<vmem>>, vector<4096x256xf32>,
    %slice3A_32 = vector.extract_strided_slice %add3A_9 {offsets = [0, 1536], sizes = [1024, 512], strides = [1, 1]} : vector<1024x2048xf32> to vector<1024x512xf32>
    %swap3A_33 = arith.constant 0 : index
    %swap3A_34 = arith.constant 0 : index
    %swap3A_35 = vector.load %arg6[%swap3A_33, %swap3A_34] : memref<1024x512xf32, #tpu.memory_space<vmem>>, vector<1024x512xf32>
    tpu.vector_store %arg6[%swap3A_33, %swap3A_34], %slice3A_32 {strides = array<i32>} : memref<1024x512xf32, #tpu.memory_space<vmem>>, vector<1024x512xf32>,
    return
  }
  func.func @transform_0(%arg0: i32) -> (i32, i32) {
    %c0_i32 = arith.constant 0 : i32
    %c0_i32_0 = arith.constant 0 : i32
    return %arg0, %c0_i32 : i32, i32
  }
  func.func @transform_1(%arg0: i32) -> (i32, i32) {
    %c0_i32 = arith.constant 0 : i32
    %c0_i32_0 = arith.constant 0 : i32
    %c0_i32_1 = arith.constant 0 : i32
    return %c0_i32, %c0_i32_0 : i32, i32
  }
  func.func @transform_2(%arg0: i32) -> (i32, i32) {
    %c0_i32 = arith.constant 0 : i32
    %c0_i32_0 = arith.constant 0 : i32
    %c0_i32_1 = arith.constant 0 : i32
    return %c0_i32, %c0_i32_0 : i32, i32
  }
  func.func @transform_3(%arg0: i32) -> (i32, i32) {
    %c0_i32 = arith.constant 0 : i32
    %c0_i32_0 = arith.constant 0 : i32
    return %arg0, %c0_i32 : i32, i32
  }
  func.func @transform_4(%arg0: i32) -> (i32, i32) {
    %c0_i32 = arith.constant 0 : i32
    %c0_i32_0 = arith.constant 0 : i32
    return %arg0, %c0_i32 : i32, i32
  }
  func.func @transform_5(%arg0: i32) -> (i32, i32) {
    %c0_i32 = arith.constant 0 : i32
    %c0_i32_0 = arith.constant 0 : i32
    return %arg0, %c0_i32 : i32, i32
  }
}

module attributes {stable_mosaic.version = 14 : i64} {
  func.func @_ep1_proj2_kernel(%arg0: i32, %arg1: memref<4x1024x144xf32, #tpu.memory_space<vmem>>, %arg2: memref<1024x512xf32, #tpu.memory_space<vmem>>, %arg3: memref<512x512xf32, #tpu.memory_space<vmem>>, %arg4: memref<1x512xf32, #tpu.memory_space<vmem>>, %arg5: memref<1024x128xf32, #tpu.memory_space<vmem>>, %arg6: memref<1024x256xf32, #tpu.memory_space<vmem>>, %arg7: memref<1024x128xf32, #tpu.memory_space<vmem>>) attributes {dimension_semantics = [#tpu.dimension_semantics<arbitrary>], iteration_bounds = array<i64: 10>, scalar_prefetch = 0 : i64, scratch_operands = 0 : i64, tpu.core_type = #tpu.core_type<tc>, window_params = [{transform_indices = @transform_0, window_bounds = array<i64: 4, 1024, 144>}, {transform_indices = @transform_1, window_bounds = array<i64: 1024, 512>}, {pipeline_mode = #tpu.pipeline_mode<synchronous>, transform_indices = @transform_2, window_bounds = array<i64: 512, 512>}, {pipeline_mode = #tpu.pipeline_mode<synchronous>, transform_indices = @transform_3, window_bounds = array<i64: 1, 512>}, {transform_indices = @transform_4, window_bounds = array<i64: 1024, 128>}, {transform_indices = @transform_5, window_bounds = array<i64: 1024, 256>}, {transform_indices = @transform_6, window_bounds = array<i64: 1024, 128>}]} {
    %get3A = arith.constant 0 : index
    %get3A_0 = arith.constant 0 : index
    %get3A_1 = arith.constant 0 : index
    %get3A_2 = vector.load %arg1[%get3A, %get3A_0, %get3A_1] : memref<4x1024x144xf32, #tpu.memory_space<vmem>>, vector<1x1024x128xf32>
    %get3A_3 = vector.shape_cast %get3A_2 : vector<1x1024x128xf32> to vector<1024x128xf32>
    %get3A_4 = arith.constant 0 : index
    %get3A_5 = arith.constant 0 : index
    %get3A_6 = arith.constant 128 : index
    %get3A_7 = vector.load %arg1[%get3A_4, %get3A_5, %get3A_6] : memref<4x1024x144xf32, #tpu.memory_space<vmem>>, vector<1x1024x1xf32>
    %get3A_8 = vector.shape_cast %get3A_7 : vector<1x1024x1xf32> to vector<1024x1xf32>
    %add3A = arith.constant 1.000000e-16 : f32
    %add3A_9 = vector.broadcast %add3A : f32 to vector<1024x1xf32>
    %add3A_10 = arith.addf %get3A_8, %add3A_9 : vector<1024x1xf32>
    %div3A = vector.broadcast %add3A_10 : vector<1024x1xf32> to vector<1024x128xf32>
    %div3A_11 = arith.divf %get3A_3, %div3A : vector<1024x128xf32>
    %get3A_12 = arith.constant 1 : index
    %get3A_13 = arith.constant 0 : index
    %get3A_14 = arith.constant 0 : index
    %get3A_15 = vector.load %arg1[%get3A_12, %get3A_13, %get3A_14] : memref<4x1024x144xf32, #tpu.memory_space<vmem>>, vector<1x1024x128xf32>
    %get3A_16 = vector.shape_cast %get3A_15 : vector<1x1024x128xf32> to vector<1024x128xf32>
    %get3A_17 = arith.constant 1 : index
    %get3A_18 = arith.constant 0 : index
    %get3A_19 = arith.constant 128 : index
    %get3A_20 = vector.load %arg1[%get3A_17, %get3A_18, %get3A_19] : memref<4x1024x144xf32, #tpu.memory_space<vmem>>, vector<1x1024x1xf32>
    %get3A_21 = vector.shape_cast %get3A_20 : vector<1x1024x1xf32> to vector<1024x1xf32>
    %add3A_22 = arith.constant 1.000000e-16 : f32
    %add3A_23 = vector.broadcast %add3A_22 : f32 to vector<1024x1xf32>
    %add3A_24 = arith.addf %get3A_21, %add3A_23 : vector<1024x1xf32>
    %div3A_25 = vector.broadcast %add3A_24 : vector<1024x1xf32> to vector<1024x128xf32>
    %div3A_26 = arith.divf %get3A_16, %div3A_25 : vector<1024x128xf32>
    %get3A_27 = arith.constant 2 : index
    %get3A_28 = arith.constant 0 : index
    %get3A_29 = arith.constant 0 : index
    %get3A_30 = vector.load %arg1[%get3A_27, %get3A_28, %get3A_29] : memref<4x1024x144xf32, #tpu.memory_space<vmem>>, vector<1x1024x128xf32>
    %get3A_31 = vector.shape_cast %get3A_30 : vector<1x1024x128xf32> to vector<1024x128xf32>
    %get3A_32 = arith.constant 2 : index
    %get3A_33 = arith.constant 0 : index
    %get3A_34 = arith.constant 128 : index
    %get3A_35 = vector.load %arg1[%get3A_32, %get3A_33, %get3A_34] : memref<4x1024x144xf32, #tpu.memory_space<vmem>>, vector<1x1024x1xf32>
    %get3A_36 = vector.shape_cast %get3A_35 : vector<1x1024x1xf32> to vector<1024x1xf32>
    %add3A_37 = arith.constant 1.000000e-16 : f32
    %add3A_38 = vector.broadcast %add3A_37 : f32 to vector<1024x1xf32>
    %add3A_39 = arith.addf %get3A_36, %add3A_38 : vector<1024x1xf32>
    %div3A_40 = vector.broadcast %add3A_39 : vector<1024x1xf32> to vector<1024x128xf32>
    %div3A_41 = arith.divf %get3A_31, %div3A_40 : vector<1024x128xf32>
    %get3A_42 = arith.constant 3 : index
    %get3A_43 = arith.constant 0 : index
    %get3A_44 = arith.constant 0 : index
    %get3A_45 = vector.load %arg1[%get3A_42, %get3A_43, %get3A_44] : memref<4x1024x144xf32, #tpu.memory_space<vmem>>, vector<1x1024x128xf32>
    %get3A_46 = vector.shape_cast %get3A_45 : vector<1x1024x128xf32> to vector<1024x128xf32>
    %get3A_47 = arith.constant 3 : index
    %get3A_48 = arith.constant 0 : index
    %get3A_49 = arith.constant 128 : index
    %get3A_50 = vector.load %arg1[%get3A_47, %get3A_48, %get3A_49] : memref<4x1024x144xf32, #tpu.memory_space<vmem>>, vector<1x1024x1xf32>
    %get3A_51 = vector.shape_cast %get3A_50 : vector<1x1024x1xf32> to vector<1024x1xf32>
    %add3A_52 = arith.constant 1.000000e-16 : f32
    %add3A_53 = vector.broadcast %add3A_52 : f32 to vector<1024x1xf32>
    %add3A_54 = arith.addf %get3A_51, %add3A_53 : vector<1024x1xf32>
    %div3A_55 = vector.broadcast %add3A_54 : vector<1024x1xf32> to vector<1024x128xf32>
    %div3A_56 = arith.divf %get3A_46, %div3A_55 : vector<1024x128xf32>
    %concatenate3A = tpu.concatenate %div3A_11, %div3A_26, %div3A_41, %div3A_56 in 1 : vector<1024x128xf32>, vector<1024x128xf32>, vector<1024x128xf32>, vector<1024x128xf32> -> vector<1024x512xf32>
    %get3A_57 = arith.constant 0 : index
    %get3A_58 = arith.constant 0 : index
    %get3A_59 = vector.load %arg2[%get3A_57, %get3A_58] : memref<1024x512xf32, #tpu.memory_space<vmem>>, vector<1024x512xf32>
    %add3A_60 = arith.addf %concatenate3A, %get3A_59 : vector<1024x512xf32>
    %max3A = arith.constant 0.000000e+00 : f32
    %max3A_61 = vector.broadcast %max3A : f32 to vector<1024x512xf32>
    %max3A_62 = arith.maximumf %add3A_60, %max3A_61 : vector<1024x512xf32>
    %get3A_63 = arith.constant 0 : index
    %get3A_64 = arith.constant 0 : index
    %get3A_65 = vector.load %arg3[%get3A_63, %get3A_64] : memref<512x512xf32, #tpu.memory_space<vmem>>, vector<512x512xf32>
    %dot_general3A = arith.constant dense<0.000000e+00> : vector<1024x512xf32>
    %dot_general3A_66 = tpu.matmul %max3A_62, %get3A_65, %dot_general3A {dimension_numbers = #tpu.dot_dimension_numbers<[1], [0], [0], [1], [0, 0, 1, 1], [], []>, transpose_lhs_hint = false} : vector<1024x512xf32>, vector<512x512xf32>, vector<1024x512xf32> -> vector<1024x512xf32>
    %get3A_67 = arith.constant 0 : index
    %get3A_68 = arith.constant 0 : index
    %get3A_69 = vector.load %arg4[%get3A_67, %get3A_68] : memref<1x512xf32, #tpu.memory_space<vmem>>, vector<1x512xf32>
    %add3A_70 = vector.broadcast %get3A_69 : vector<1x512xf32> to vector<1024x512xf32>
    %add3A_71 = arith.addf %dot_general3A_66, %add3A_70 : vector<1024x512xf32>
    %slice3A = vector.extract_strided_slice %add3A_71 {offsets = [0, 0], sizes = [1024, 128], strides = [1, 1]} : vector<1024x512xf32> to vector<1024x128xf32>
    %swap3A = arith.constant 0 : index
    %swap3A_72 = arith.constant 0 : index
    %swap3A_73 = vector.load %arg5[%swap3A, %swap3A_72] : memref<1024x128xf32, #tpu.memory_space<vmem>>, vector<1024x128xf32>
    tpu.vector_store %arg5[%swap3A, %swap3A_72], %slice3A {strides = array<i32>} : memref<1024x128xf32, #tpu.memory_space<vmem>>, vector<1024x128xf32>,
    %slice3A_74 = vector.extract_strided_slice %add3A_71 {offsets = [0, 128], sizes = [1024, 256], strides = [1, 1]} : vector<1024x512xf32> to vector<1024x256xf32>
    %swap3A_75 = arith.constant 0 : index
    %swap3A_76 = arith.constant 0 : index
    %swap3A_77 = vector.load %arg6[%swap3A_75, %swap3A_76] : memref<1024x256xf32, #tpu.memory_space<vmem>>, vector<1024x256xf32>
    tpu.vector_store %arg6[%swap3A_75, %swap3A_76], %slice3A_74 {strides = array<i32>} : memref<1024x256xf32, #tpu.memory_space<vmem>>, vector<1024x256xf32>,
    %slice3A_78 = vector.extract_strided_slice %add3A_71 {offsets = [0, 384], sizes = [1024, 128], strides = [1, 1]} : vector<1024x512xf32> to vector<1024x128xf32>
    %swap3A_79 = arith.constant 0 : index
    %swap3A_80 = arith.constant 0 : index
    %swap3A_81 = vector.load %arg7[%swap3A_79, %swap3A_80] : memref<1024x128xf32, #tpu.memory_space<vmem>>, vector<1024x128xf32>
    tpu.vector_store %arg7[%swap3A_79, %swap3A_80], %slice3A_78 {strides = array<i32>} : memref<1024x128xf32, #tpu.memory_space<vmem>>, vector<1024x128xf32>,
    return
  }
  func.func @transform_0(%arg0: i32) -> (i32, i32, i32) {
    %c0_i32 = arith.constant 0 : i32
    %c0_i32_0 = arith.constant 0 : i32
    %c0_i32_1 = arith.constant 0 : i32
    return %c0_i32, %arg0, %c0_i32_0 : i32, i32, i32
  }
  func.func @transform_1(%arg0: i32) -> (i32, i32) {
    %c0_i32 = arith.constant 0 : i32
    %c0_i32_0 = arith.constant 0 : i32
    return %arg0, %c0_i32 : i32, i32
  }
  func.func @transform_2(%arg0: i32) -> (i32, i32) {
    %c0_i32 = arith.constant 0 : i32
    %c0_i32_0 = arith.constant 0 : i32
    %c0_i32_1 = arith.constant 0 : i32
    return %c0_i32, %c0_i32_0 : i32, i32
  }
  func.func @transform_3(%arg0: i32) -> (i32, i32) {
    %c0_i32 = arith.constant 0 : i32
    %c0_i32_0 = arith.constant 0 : i32
    %c0_i32_1 = arith.constant 0 : i32
    return %c0_i32, %c0_i32_0 : i32, i32
  }
  func.func @transform_4(%arg0: i32) -> (i32, i32) {
    %c0_i32 = arith.constant 0 : i32
    %c0_i32_0 = arith.constant 0 : i32
    return %arg0, %c0_i32 : i32, i32
  }
  func.func @transform_5(%arg0: i32) -> (i32, i32) {
    %c0_i32 = arith.constant 0 : i32
    %c0_i32_0 = arith.constant 0 : i32
    return %arg0, %c0_i32 : i32, i32
  }
  func.func @transform_6(%arg0: i32) -> (i32, i32) {
    %c0_i32 = arith.constant 0 : i32
    %c0_i32_0 = arith.constant 0 : i32
    return %arg0, %c0_i32 : i32, i32
  }
}

module attributes {stable_mosaic.version = 14 : i64} {
  func.func @_ep2_kernel(%arg0: i32, %arg1: memref<2x1024x144xf32, #tpu.memory_space<vmem>>, %arg2: memref<1024x128xf32, #tpu.memory_space<vmem>>, %arg3: memref<1024x128xf32, #tpu.memory_space<vmem>>) attributes {dimension_semantics = [#tpu.dimension_semantics<arbitrary>], iteration_bounds = array<i64: 10>, scalar_prefetch = 0 : i64, scratch_operands = 0 : i64, tpu.core_type = #tpu.core_type<tc>, window_params = [{transform_indices = @transform_0, window_bounds = array<i64: 2, 1024, 144>}, {transform_indices = @transform_1, window_bounds = array<i64: 1024, 128>}, {transform_indices = @transform_2, window_bounds = array<i64: 1024, 128>}]} {
    %get3A = arith.constant 0 : index
    %get3A_0 = arith.constant 0 : index
    %get3A_1 = arith.constant 0 : index
    %get3A_2 = vector.load %arg1[%get3A, %get3A_0, %get3A_1] : memref<2x1024x144xf32, #tpu.memory_space<vmem>>, vector<1x1024x128xf32>
    %get3A_3 = vector.shape_cast %get3A_2 : vector<1x1024x128xf32> to vector<1024x128xf32>
    %get3A_4 = arith.constant 1 : index
    %get3A_5 = arith.constant 0 : index
    %get3A_6 = arith.constant 0 : index
    %get3A_7 = vector.load %arg1[%get3A_4, %get3A_5, %get3A_6] : memref<2x1024x144xf32, #tpu.memory_space<vmem>>, vector<1x1024x128xf32>
    %get3A_8 = vector.shape_cast %get3A_7 : vector<1x1024x128xf32> to vector<1024x128xf32>
    %add3A = arith.addf %get3A_3, %get3A_8 : vector<1024x128xf32>
    %get3A_9 = arith.constant 0 : index
    %get3A_10 = arith.constant 0 : index
    %get3A_11 = arith.constant 128 : index
    %get3A_12 = vector.load %arg1[%get3A_9, %get3A_10, %get3A_11] : memref<2x1024x144xf32, #tpu.memory_space<vmem>>, vector<1x1024x1xf32>
    %get3A_13 = vector.shape_cast %get3A_12 : vector<1x1024x1xf32> to vector<1024x1xf32>
    %get3A_14 = arith.constant 1 : index
    %get3A_15 = arith.constant 0 : index
    %get3A_16 = arith.constant 128 : index
    %get3A_17 = vector.load %arg1[%get3A_14, %get3A_15, %get3A_16] : memref<2x1024x144xf32, #tpu.memory_space<vmem>>, vector<1x1024x1xf32>
    %get3A_18 = vector.shape_cast %get3A_17 : vector<1x1024x1xf32> to vector<1024x1xf32>
    %add3A_19 = arith.addf %get3A_13, %get3A_18 : vector<1024x1xf32>
    %add3A_20 = arith.constant 1.000000e-16 : f32
    %add3A_21 = vector.broadcast %add3A_20 : f32 to vector<1024x1xf32>
    %add3A_22 = arith.addf %add3A_19, %add3A_21 : vector<1024x1xf32>
    %div3A = vector.broadcast %add3A_22 : vector<1024x1xf32> to vector<1024x128xf32>
    %div3A_23 = arith.divf %add3A, %div3A : vector<1024x128xf32>
    %get3A_24 = arith.constant 0 : index
    %get3A_25 = arith.constant 0 : index
    %get3A_26 = vector.load %arg2[%get3A_24, %get3A_25] : memref<1024x128xf32, #tpu.memory_space<vmem>>, vector<1024x128xf32>
    %add3A_27 = arith.addf %div3A_23, %get3A_26 : vector<1024x128xf32>
    %swap3A = arith.constant 0 : index
    %swap3A_28 = arith.constant 0 : index
    %swap3A_29 = vector.load %arg3[%swap3A, %swap3A_28] : memref<1024x128xf32, #tpu.memory_space<vmem>>, vector<1024x128xf32>
    tpu.vector_store %arg3[%swap3A, %swap3A_28], %add3A_27 {strides = array<i32>} : memref<1024x128xf32, #tpu.memory_space<vmem>>, vector<1024x128xf32>,
    return
  }
  func.func @transform_0(%arg0: i32) -> (i32, i32, i32) {
    %c0_i32 = arith.constant 0 : i32
    %c0_i32_0 = arith.constant 0 : i32
    %c0_i32_1 = arith.constant 0 : i32
    return %c0_i32, %arg0, %c0_i32_0 : i32, i32, i32
  }
  func.func @transform_1(%arg0: i32) -> (i32, i32) {
    %c0_i32 = arith.constant 0 : i32
    %c0_i32_0 = arith.constant 0 : i32
    return %arg0, %c0_i32 : i32, i32
  }
  func.func @transform_2(%arg0: i32) -> (i32, i32) {
    %c0_i32 = arith.constant 0 : i32
    %c0_i32_0 = arith.constant 0 : i32
    return %arg0, %c0_i32 : i32, i32
  }
}

</mosaic_0001>

<sc_bundles>
// kernel: kernel.10.cloned.1.call-start
scs
__scs_entry_jumppad:
0x0: {  	(pc) =	sbr.rel $0x88, $3  }
0x1: {  	(tag) =	ssettag $0x0;
	lr =	simm.s32 $0x1  }
0x2: {  	[smem:$0x3F8F] =	sst lr;
	_ =	strace $0xD0000000  }
0x3: {  	_ = 	snop  }
0x4: {  	_ = 	snop  }
0x5: {  	_ = 	snop  }
0x6: {  	_ = 	snop  }
0x7: {  	_ = 	snop  }
__scs_overlays_trampoline_lowered:
0x8: {  	[smem:$0x3F9E] =	sst s0  }
0x9: {  	[smem:$0x3F9F] =	sst s1  }
0xa: {  	[smem:$0x3FA0] =	sst s2  }
0xb: {  	[smem:$0x3FA1] =	sst s3  }
0xc: {  	[smem:$0x3FA2] =	sst s4  }
0xd: {  	[smem:$0x3FA3] =	sst s5  }
0xe: {  	[smem:$0x3FA4] =	sst s6  }
0xf: {  	[smem:$0x3FA5] =	sst s7  }
0x10: {  	[smem:$0x3FA6] =	sst s8  }
0x11: {  	[smem:$0x3FA7] =	sst s9;
	s0 =	simm.s32 @!p0 $0x0  }
0x12: {  	s1 =	sld [smem:$0x3F8D];
	s0 =	simm.s32 @p0 $0x1  }
0x13: {  	[smem:$0x3FA8] =	sst s0;
	s0 =	simm.s32 @!p1 $0x0  }
0x14: {  	s2 =	sld [smem:$0x3F8C];
	s0 =	simm.s32 @p1 $0x1  }
0x15: {  	[smem:$0x3FA9] =	sst s0;
	s0 =	simm.s32 @!p2 $0x0  }
0x16: {  	s3 =	sld [smem:$0x3FDB];
	s0 =	simm.s32 @p2 $0x1  }
0x17: {  	s4 =	simm.s32 $0x1BF5;
	[smem:$0x3FAB] =	sst s0  }
0x18: {  	s0 =	sld [smem:$0x3F8E];
	_ =	swait.ge [sflag:s4], $0x0  }
0x19: {  	s7 =	sld [smem:$0x3F8F]  }
0x1a: {  	s8 =	sadd.s32 $0xFFFFE003, lr  }
0x1b: {  	s9 =	sadd.s32 $0xFFFFFEF7, lr;
	s5 =	simm.s32 $0xFFFFFFFF;
	p2 =	slt.u32 s8, $0xFFFFF086  }
0x1c: {  	p1 =	slt.u32 s9, $0xF7A;
	s5 =	simm.s32 @!p2 $0x0  }
0x1d: {  	s5 =	simm.s32 @p1 $0x1;
	p0 =	seq.s32 s7, s2  }
0x1e: {  	s7 =	smul.u32 @!p0 $0xF7A, s2;
	p2 =	seq.s32 @!p0 s5, $0x0  }
0x1f: {  	s9 =	smul.u32 $0xF7A, s1;
	s8 =	simm.s32 @!p0 $0x1BF5;
	p2 =	por !p2, p0  }
0x20: {  	[sflag:s8] =	ssyncset.s32 @!p0 $0xFFFFF086;
	s6 =	sadd.s32 @!p0 s3, s7;
	s7 =	simm.s32 @!p0 $0x108  }
0x21: {  	s3 =	sadd.s32 s3, s9;
	s6 =	sadd.s32 @!p0 $0x88, s6;
	s7 =	simm.s32 @p2 $0x1082  }
0x22: {  	[simem:s7], [sflag:s8] =	dma.local @!p0 [hbm:s6], $0xF7A  }
0x23: {  	s9 =	sor.u32 $0xD0000000, s2;
	s6 =	simm.s32 $0x108;
	_ =	swait.ge @!p0 [sflag:s8], $0x0  }
0x24: {  	s3 =	sadd.s32 $0x88, s3;
	s6 =	simm.s32 @!p1 $0x1082;
	[sflag:s4] =	ssyncset.s32 $0xFFFFF086  }
0x25: {  	[simem:s6], [sflag:s4] =	dma.local [hbm:s3], $0xF7A  }
0x26: {  	[smem:$0x3F8F] =	sst s1;
	(tag) =	ssettag s2;
	_ =	strace s9  }
0x27: {  	s1 =	sld [smem:$0x3F9F]  }
0x28: {  	s2 =	sld [smem:$0x3FA0]  }
0x29: {  	s4 =	sld [smem:$0x3FA2]  }
0x2a: {  	p0 =	seq.s32 s5, $0x0;
	s5 =	sld [smem:$0x3FA3]  }
0x2b: {  	s6 =	sld [smem:$0x3FA4]  }
0x2c: {  	s7 =	sld [smem:$0x3FA5]  }
0x2d: {  	s3 =	simm.s32 $0x108;
	s8 =	sld [smem:$0x3FA6]  }
0x2e: {  	s3 =	simm.s32 @!p0 $0x1082;
	s9 =	sld [smem:$0x3FA7]  }
0x2f: {  	lr =	sadd.s32 s0, s3;
	s0 =	sld [smem:$0x3F9E]  }
0x30: {  	s3 =	sld [smem:$0x3FA1]  }
0x31: {  	[smem:$0x3FAA] =	sst s10  }
0x32: {  	s10 =	sld [smem:$0x3FA8];
	_ =	sdelay $0x3  }
0x33: {  	p0 =	seq.s32 s10, $0x1;
	s10 =	sld [smem:$0x3FAA];
	_ =	sdelay $0x3  }
0x34: {  	[smem:$0x3FAA] =	sst s10  }
0x35: {  	s10 =	sld [smem:$0x3FA9];
	_ =	sdelay $0x3  }
0x36: {  	p1 =	seq.s32 s10, $0x1;
	s10 =	sld [smem:$0x3FAA];
	_ =	sdelay $0x3  }
0x37: {  	[smem:$0x3FAA] =	sst s10  }
0x38: {  	s10 =	sld [smem:$0x3FAB]  }
0x39: {  	_ = 	snop;
	(pc) =	sbr.ind lr, $3  }
0x3a: {  	_ = 	snop  }
0x3b: {  	_ = 	snop  }
0x3c: {  	p2 =	seq.s32 s10, $0x1;
	s10 =	sld [smem:$0x3FAA]  }
0x3d: {  	_ =	shalt  }
0x3e: {  	_ =	shalt  }
0x3f: {  	_ =	shalt  }
0x40: {  	_ =	shalt  }
0x41: {  	_ =	shalt  }
0x42: {  	_ =	shalt  }
0x43: {  	_ =	shalt  }
0x44: {  	_ =	shalt  }
0x45: {  	_ =	shalt  }
0x46: {  	_ =	shalt  }
0x47: {  	_ =	shalt  }
0x48: {  	_ =	shalt  }
0x49: {  	_ =	shalt  }
0x4a: {  	_ =	shalt  }
0x4b: {  	_ =	shalt  }
0x4c: {  	_ =	shalt  }
0x4d: {  	_ =	shalt  }
0x4e: {  	_ =	shalt  }
0x4f: {  	_ =	shalt  }
0x50: {  	_ =	shalt  }
0x51: {  	_ =	shalt  }
0x52: {  	_ =	shalt  }
0x53: {  	_ =	shalt  }
0x54: {  	_ =	shalt  }
0x55: {  	_ =	shalt  }
0x56: {  	_ =	shalt  }
0x57: {  	_ =	shalt  }
0x58: {  	_ =	shalt  }
0x59: {  	_ =	shalt  }
0x5a: {  	_ =	shalt  }
0x5b: {  	_ =	shalt  }
0x5c: {  	_ =	shalt  }
0x5d: {  	_ =	shalt  }
0x5e: {  	_ =	shalt  }
0x5f: {  	_ =	shalt  }
0x60: {  	_ =	shalt  }
0x61: {  	_ =	shalt  }
0x62: {  	_ =	shalt  }
0x63: {  	_ =	shalt  }
0x64: {  	_ =	shalt  }
0x65: {  	_ =	shalt  }
0x66: {  	_ =	shalt  }
0x67: {  	_ =	shalt  }
0x68: {  	_ =	shalt  }
0x69: {  	_ =	shalt  }
0x6a: {  	_ =	shalt  }
0x6b: {  	_ =	shalt  }
0x6c: {  	_ =	shalt  }
0x6d: {  	_ =	shalt  }
0x6e: {  	_ =	shalt  }
0x6f: {  	_ =	shalt  }
0x70: {  	_ =	shalt  }
0x71: {  	_ =	shalt  }
0x72: {  	_ =	shalt  }
0x73: {  	_ =	shalt  }
0x74: {  	_ =	shalt  }
0x75: {  	_ =	shalt  }
0x76: {  	_ =	shalt  }
0x77: {  	_ =	shalt  }
0x78: {  	_ =	shalt  }
0x79: {  	_ =	shalt  }
0x7a: {  	_ =	shalt  }
0x7b: {  	_ =	shalt  }
0x7c: {  	_ =	shalt  }
0x7d: {  	_ =	shalt  }
0x7e: {  	_ =	shalt  }
0x7f: {  	_ =	shalt  }
0x80: {  	_ =	shalt  }
0x81: {  	_ =	shalt  }
0x82: {  	_ =	shalt  }
0x83: {  	_ =	shalt  }
0x84: {  	_ =	shalt  }
0x85: {  	_ =	shalt  }
0x86: {  	_ =	shalt  }
0x87: {  	_ =	shalt  }
.Lfunc_end0:
.L_simem_size_0:
called_computation.2_lowered:
.L_overlay_start_0:
0x88: {  	s2 =	sld [smem:$0x3FD9]  }
0x89: {  	s3 =	sld [smem:$0x3FFE];
	_ =	sdelay $0x1  }
0x8a: {  	s1 =	srdreg.scid  }
0x8b: {  	s0 =	sand.u32 $0x1, s1  }
0x8c: {  	s16 =	sshll.u32 s0, $0xA;
	s2 =	sadd.s32 s3, s2  }
0x8d: {  	s2 =	sadd.s32 s2, s16  }
0x8e: {  	[smem:$0x3FB6] =	sst s2  }
0x8f: {  	_ = 	snop  }
0x90: {  	(tm) =	ssettm $0x1  }
0x91: {  	s17 =	sld [smem:$0x3FFB];
	_ =	sdelay $0x3  }
0x92: {  	_ =	strace s17  }
0x93: {  	s2 =	sld [smem:$0x3FFC];
	_ =	sdelay $0x3  }
0x94: {  	_ =	strace s2  }
0x95: {  	s2 =	sld [smem:$0x3FFD];
	_ =	sdelay $0x3  }
0x96: {  	_ =	strace s2  }
0x97: {  	_ =	strace $0x8FFFFFFF  }
0x98: {  	s18 =	sld [smem:$0x3FDB];
	_ =	sdelay $0x1  }
0x99: {  	s19 =	simm.s32 $_scs_section_size  }
0x9a: {  	s4 =	simm.s32 $_size__tile_overlayer_lowered;
	s5 =	simm.s32 $_tile_overlayer_lowered  }
0x9b: {  	s22 =	simm.s32 $0x1BFF;
	s21 =	sshll.u32 s5, $0x1;
	s2 =	sadd.s32 s19, s18  }
0x9c: {  	s6 =	simm.s32 $0x0;
	s20 =	sshll.u32 s4, $0x1;
	s4 =	sadd.s32 s21, s2  }
0x9d: {  	[timem:s6], [sflag:s22] =	dma.local [hbm:s4], s20  }
0x9e: {  	_ =	swait.ge [sflag:s22], s20  }
0x9f: {  	s3 =	ssub.s32 $0x0, s20;
	[sflag:s22] =	ssyncset.done $0x0  }
0xa0: {  	[sflag:s22] =	ssyncadd.s32 s3;
	_ =	sdelay $0x1  }
0xa1: {  	s23 =	simm.s32 $0x1B8B  }
0xa2: {  	_ =	swait.ge [sflag:s23], $0x1  }
0xa3: {  	[sflag:s23] =	ssyncset.done $0x0  }
0xa4: {  	s25 =	simm.s32 $0x1B8E;
	s24 =	sld [smem:$0x3FFE];
	[sflag:s23] =	ssyncadd.s32 $0xFFFFFFFF  }
0xa5: {  	s26 =	simm.s32 $execute0_lowered;
	[smem:$0x3FD2] =	sst s25  }
0xa6: {  	s4 =	sshll.u32 s26, $0x1;
	_ =	strace $0x8000004C;
	[dreg:$0x1] =	wrdreg $0xFFFFFFFF  }
0xa7: {  	s28 =	simm.s32 $_size_execute0_lowered;
	s2 =	sadd.s32 s2, s4;
	[dreg:$0x0] =	wrdreg $0x0  }
0xa8: {  	s4 =	sshll.u32 s28, $0x1;
	[dreg:$0x2] =	wrdreg s2  }
0xa9: {  	[dreg:$0x3] =	wrdreg s4  }
0xaa: {  	[dreg:$0x4] =	wrdreg $0xC0  }
0xab: {  	_ =	task [dreg:s6], $0x5FFFF  }
0xac: {  	[dreg:$0x1] =	wrdreg $0xFFFFFFFF  }
0xad: {  	[dreg:$0x0] =	wrdreg $0x60  }
0xae: {  	[dreg:$0x2] =	wrdreg s24  }
0xaf: {  	[dreg:$0x3] =	wrdreg $0x65600  }
0xb0: {  	[dreg:$0x4] =	wrdreg $0x9  }
0xb1: {  	_ =	task.clear_ibuf [dreg:s6], $0x5FFFF;
	_ =	strace $0x9000004C  }
0xb2: {  	s29 =	simm.s32 $0x9;
	_ =	strace $0x8000004E  }
0xb3: {  	_ =	swait.ge [sflag:s29], $0x1  }
0xb4: {  	[sflag:s29] =	ssyncadd.s32 $0xFFFFFFFF  }
0xb5: {  	_ =	strace $0x9000004E  }
0xb6: {  	_ =	sfence  }
0xb7: {  	s30 =	sld [smem:$0x0];
	_ =	sdelay $0x2  }
0xb8: {  	s31 =	sshll.u32 s1, $0xD;
	s1 =	sshrl.u32 s1, $0x2  }
0xb9: {  	s3 =	sand.u32 $0x4000, s31;
	s1 =	sadd.s32 s1, s30  }
0xba: {  	s0 =	sor.u32 s3, s0;
	s1 =	sshll.u32 s1, $0x11  }
0xbb: {  	s0 =	sor.u32 s1, s0  }
0xbc: {  	s0 =	sadd.s32 $0x8F2B, s0  }
0xbd: {  	[sflag:s0] =	ssyncadd.remote.s32 $0x1  }
0xbe: {  	_ =	sfence.sel $0xFFFF  }
0xbf: {  	[dreg:$0x0] =	wrdreg $0xFFFFFFFF;
	(pc) =	sbr.abs _section_cstart, $3  }
0xc0: {  	[dreg:$0x1] =	wrdreg $0xFFFFFFFF  }
0xc1: {  	_ =	task.clear_ibuf [dreg:s6], $0x2FFFF;
	_ =	strace $0x9FFFFFFF  }
0xc2: {  	(tm) =	ssettm $0x7FFFFFFF  }
0xc3: {  	_ =	shalt  }
tec
execute0_lowered:
.L_overlay_start_1:
0x0: {  	(tag) =	ssettag $0x1  }
0x1: {  	s0 =	rddreg [dreg:$0x0]  }
0x2: {  	s1 =	rddreg [dreg:$0x1];
	s11 =	stileid.u32  }
0x3: {  	s2 =	srdreg.scid;
	s3 =	simm.s32 $0x0;
	s7 =	smul.u32 $0x16800, s11  }
0x4: {  	s2 =	sand.u32 $0x1, s2;
	[smem:$0x7FF] =	sst s3;
	s9 =	smul.u32 $0x5A000, s11  }
0x5: {  	s4 =	sadd.s32 $0x1A00, s0;
	s5 =	sadd.s32 $0x29A00, s0;
	s10 =	sadd.s32 $0x1600, s0  }
0x6: {  	s6 =	smul.u32 $0x168000, s2;
	_ =	strace $0x8000004D;
	s9 =	sshrl.u32 s9, $0x2  }
0x7: {  	[dreg:$0x3] =	wrdreg s10;
	s12 =	ssub.s32 $0x2, s2;
	s9 =	sadd.s32 s9, s1  }
0x8: {  	s2 =	sshll.u32 s2, $0x4;
	s13 =	sshrl.u32 s12, $0x1;
	s14 =	sadd.s32 $0x1200, s9  }
0x9: {  	s2 =	sor.u32 s11, s2;
	s15 =	sadd.s32 $0x2400, s9;
	[dreg:$0x4] =	wrdreg s14  }
0xa: {  	s11 =	simm.s32 $0x28;
	s16 =	sadd.s32 $0x3600, s9;
	[dreg:$0x5] =	wrdreg s15  }
0xb: {  	s7 =	sadd.s32 s7, s6;
	s17 =	sadd.s32 $0x4800, s9;
	[dreg:$0x6] =	wrdreg s16  }
0xc: {  	s6 =	sadd.s32 $0x3C1600, s0;
	s18 =	sadd.s32 $0x5A00, s9;
	[dreg:$0x7] =	wrdreg s17  }
0xd: {  	s10 =	smul.u32 $0x2710, s2;
	s19 =	sadd.s32 $0x6C00, s9;
	[dreg:$0x8] =	wrdreg s18  }
0xe: {  	s2 =	simm.s32 $0x52D0;
	s20 =	sadd.s32 $0x7E00, s9;
	[dreg:$0x9] =	wrdreg s19  }
0xf: {  	s8 =	sshrl.u32 s7, $0x3;
	s21 =	sadd.s32 $0x9000, s9;
	[dreg:$0xa] =	wrdreg s20  }
0x10: {  	s7 =	sadd.s32 $0x3CB400, s0;
	s22 =	sadd.s32 $0xA200, s9;
	[dreg:$0xb] =	wrdreg s21  }
0x11: {  	s23 =	sadd.s32 $0xB400, s9;
	s24 =	sadd.s32 $0xC600, s9;
	[dreg:$0xc] =	wrdreg s22  }
0x12: {  	s25 =	sadd.s32 $0xD800, s9;
	s26 =	sadd.s32 $0xEA00, s9;
	[dreg:$0xd] =	wrdreg s23  }
0x13: {  	s28 =	sadd.s32 $0x10E00, s9;
	s29 =	sadd.s32 $0x12000, s9;
	[dreg:$0xe] =	wrdreg s24  }
0x14: {  	s30 =	sadd.s32 $0x13200, s9;
	s31 =	sadd.s32 $0x14400, s9;
	[dreg:$0xf] =	wrdreg s25  }
0x15: {  	s0 =	sadd.s32 s8, s0;
	s8 =	ssub.s32 s12, s13;
	[dreg:$0x10] =	wrdreg s26  }
0x16: {  	s26 =	sadd.s32 $0xFC00, s9;
	s12 =	simm.s32 $0x50;
	s13 =	simm.s32 $0x1450  }
0x17: {  	s14 =	simm.s32 $0x1;
	s15 =	simm.s32 $0x2;
	s16 =	simm.s32 $0x3C50  }
0x18: {  	s17 =	simm.s32 $0x64D0;
	s18 =	simm.s32 $0x0;
	s24 =	smax.u32 s8, $0x1  }
0x19: {  	s25 =	sadd.s32 $0x79A00, s0;
	s0 =	sadd.s32 $0x15600, s9;
	s8 =	simm.s32 $0x3  }
.LBB2_1:
0x1a: {  	s19 =	rddreg [dreg:$0x3]  }
0x1b: {  	[tilespmem:s2], [sflag:$0x3] =	stream.linear.gather [hbm4b:s19+s3], $0x1200, $0x38;
	[tilespmem:$0x1CD60] =	vst v63  }
0x1c: {  	_ =	swait.ge [sflag:s8], $0x1200  }
0x1d: {  	[sflag:s8] =	ssyncset.done $0x0  }
0x1e: {  	[sflag:s8] =	ssyncadd.s32 $0xFFFFEE00  }
0x1f: {  	[spmem:s9] =	stream.linear.scatter [tilespmem:s2], [sflag:$0x3], $0x1200, $0x38;
	[tilespmem:$0x1CD60] =	vst v63  }
0x20: {  	_ =	swait.ge [sflag:s8], $0x1200  }
0x21: {  	[sflag:s8] =	ssyncset.done $0x0  }
0x22: {  	s23 =	rddreg [dreg:$0x4];
	[sflag:s8] =	ssyncadd.s32 $0xFFFFEE00  }
0x23: {  	[spmem:s23] =	stream.linear.scatter [tilespmem:s2], [sflag:$0x3], $0x1200, $0x38;
	[tilespmem:$0x1CD60] =	vst v63  }
0x24: {  	_ =	swait.ge [sflag:s8], $0x1200  }
0x25: {  	[sflag:s8] =	ssyncset.done $0x0  }
0x26: {  	s20 =	rddreg [dreg:$0x5];
	[sflag:s8] =	ssyncadd.s32 $0xFFFFEE00  }
0x27: {  	[spmem:s20] =	stream.linear.scatter [tilespmem:s2], [sflag:$0x3], $0x1200, $0x38;
	[tilespmem:$0x1CD60] =	vst v63  }
0x28: {  	_ =	swait.ge [sflag:s8], $0x1200  }
0x29: {  	[sflag:s8] =	ssyncset.done $0x0  }
0x2a: {  	s21 =	rddreg [dreg:$0x6];
	[sflag:s8] =	ssyncadd.s32 $0xFFFFEE00  }
0x2b: {  	[spmem:s21] =	stream.linear.scatter [tilespmem:s2], [sflag:$0x3], $0x1200, $0x38;
	[tilespmem:$0x1CD60] =	vst v63  }
0x2c: {  	_ =	swait.ge [sflag:s8], $0x1200  }
0x2d: {  	[sflag:s8] =	ssyncset.done $0x0  }
0x2e: {  	s22 =	rddreg [dreg:$0x7];
	[sflag:s8] =	ssyncadd.s32 $0xFFFFEE00  }
0x2f: {  	[spmem:s22] =	stream.linear.scatter [tilespmem:s2], [sflag:$0x3], $0x1200, $0x38;
	[tilespmem:$0x1CD60] =	vst v63  }
0x30: {  	_ =	swait.ge [sflag:s8], $0x1200  }
0x31: {  	[sflag:s8] =	ssyncset.done $0x0  }
0x32: {  	s23 =	rddreg [dreg:$0x8];
	[sflag:s8] =	ssyncadd.s32 $0xFFFFEE00  }
0x33: {  	[spmem:s23] =	stream.linear.scatter [tilespmem:s2], [sflag:$0x3], $0x1200, $0x38;
	[tilespmem:$0x1CD60] =	vst v63  }
0x34: {  	_ =	swait.ge [sflag:s8], $0x1200  }
0x35: {  	[sflag:s8] =	ssyncset.done $0x0  }
0x36: {  	s20 =	rddreg [dreg:$0x9];
	[sflag:s8] =	ssyncadd.s32 $0xFFFFEE00  }
0x37: {  	[spmem:s20] =	stream.linear.scatter [tilespmem:s2], [sflag:$0x3], $0x1200, $0x38;
	[tilespmem:$0x1CD60] =	vst v63  }
0x38: {  	_ =	swait.ge [sflag:s8], $0x1200  }
0x39: {  	[sflag:s8] =	ssyncset.done $0x0  }
0x3a: {  	s21 =	rddreg [dreg:$0xa];
	[sflag:s8] =	ssyncadd.s32 $0xFFFFEE00  }
0x3b: {  	[spmem:s21] =	stream.linear.scatter [tilespmem:s2], [sflag:$0x3], $0x1200, $0x38;
	[tilespmem:$0x1CD60] =	vst v63  }
0x3c: {  	_ =	swait.ge [sflag:s8], $0x1200  }
0x3d: {  	[sflag:s8] =	ssyncset.done $0x0  }
0x3e: {  	s22 =	rddreg [dreg:$0xb];
	[sflag:s8] =	ssyncadd.s32 $0xFFFFEE00  }
0x3f: {  	[spmem:s22] =	stream.linear.scatter [tilespmem:s2], [sflag:$0x3], $0x1200, $0x38;
	[tilespmem:$0x1CD60] =	vst v63  }
0x40: {  	_ =	swait.ge [sflag:s8], $0x1200  }
0x41: {  	[sflag:s8] =	ssyncset.done $0x0  }
0x42: {  	s23 =	rddreg [dreg:$0xc];
	[sflag:s8] =	ssyncadd.s32 $0xFFFFEE00  }
0x43: {  	[spmem:s23] =	stream.linear.scatter [tilespmem:s2], [sflag:$0x3], $0x1200, $0x38;
	[tilespmem:$0x1CD60] =	vst v63  }
0x44: {  	_ =	swait.ge [sflag:s8], $0x1200  }
0x45: {  	[sflag:s8] =	ssyncset.done $0x0  }
0x46: {  	s20 =	rddreg [dreg:$0xd];
	[sflag:s8] =	ssyncadd.s32 $0xFFFFEE00  }
0x47: {  	[spmem:s20] =	stream.linear.scatter [tilespmem:s2], [sflag:$0x3], $0x1200, $0x38;
	[tilespmem:$0x1CD60] =	vst v63  }
0x48: {  	_ =	swait.ge [sflag:s8], $0x1200  }
0x49: {  	[sflag:s8] =	ssyncset.done $0x0  }
0x4a: {  	s21 =	rddreg [dreg:$0xe];
	[sflag:s8] =	ssyncadd.s32 $0xFFFFEE00  }
0x4b: {  	[spmem:s21] =	stream.linear.scatter [tilespmem:s2], [sflag:$0x3], $0x1200, $0x38;
	[tilespmem:$0x1CD60] =	vst v63  }
0x4c: {  	_ =	swait.ge [sflag:s8], $0x1200  }
0x4d: {  	[sflag:s8] =	ssyncset.done $0x0  }
0x4e: {  	s22 =	rddreg [dreg:$0xf];
	[sflag:s8] =	ssyncadd.s32 $0xFFFFEE00  }
0x4f: {  	[spmem:s22] =	stream.linear.scatter [tilespmem:s2], [sflag:$0x3], $0x1200, $0x38;
	[tilespmem:$0x1CD60] =	vst v63  }
0x50: {  	_ =	swait.ge [sflag:s8], $0x1200  }
0x51: {  	[sflag:s8] =	ssyncset.done $0x0  }
0x52: {  	s23 =	rddreg [dreg:$0x10];
	[sflag:s8] =	ssyncadd.s32 $0xFFFFEE00  }
0x53: {  	[spmem:s23] =	stream.linear.scatter [tilespmem:s2], [sflag:$0x3], $0x1200, $0x38;
	[tilespmem:$0x1CD60] =	vst v63  }
0x54: {  	_ =	swait.ge [sflag:s8], $0x1200  }
0x55: {  	[sflag:s8] =	ssyncset.done $0x0  }
0x56: {  	[sflag:s8] =	ssyncadd.s32 $0xFFFFEE00  }
0x57: {  	[spmem:s26] =	stream.linear.scatter [tilespmem:s2], [sflag:$0x3], $0x1200, $0x38;
	[tilespmem:$0x1CD60] =	vst v63  }
0x58: {  	_ =	swait.ge [sflag:s8], $0x1200  }
0x59: {  	[sflag:s8] =	ssyncset.done $0x0  }
0x5a: {  	[sflag:s8] =	ssyncadd.s32 $0xFFFFEE00  }
0x5b: {  	[spmem:s28] =	stream.linear.scatter [tilespmem:s2], [sflag:$0x3], $0x1200, $0x38;
	[tilespmem:$0x1CD60] =	vst v63  }
0x5c: {  	_ =	swait.ge [sflag:s8], $0x1200  }
0x5d: {  	[sflag:s8] =	ssyncset.done $0x0  }
0x5e: {  	[sflag:s8] =	ssyncadd.s32 $0xFFFFEE00  }
0x5f: {  	[spmem:s29] =	stream.linear.scatter [tilespmem:s2], [sflag:$0x3], $0x1200, $0x38;
	[tilespmem:$0x1CD60] =	vst v63  }
0x60: {  	_ =	swait.ge [sflag:s8], $0x1200  }
0x61: {  	[sflag:s8] =	ssyncset.done $0x0  }
0x62: {  	[sflag:s8] =	ssyncadd.s32 $0xFFFFEE00  }
0x63: {  	[spmem:s30] =	stream.linear.scatter [tilespmem:s2], [sflag:$0x3], $0x1200, $0x38;
	[tilespmem:$0x1CD60] =	vst v63  }
0x64: {  	_ =	swait.ge [sflag:s8], $0x1200  }
0x65: {  	[sflag:s8] =	ssyncset.done $0x0  }
0x66: {  	[sflag:s8] =	ssyncadd.s32 $0xFFFFEE00  }
0x67: {  	[spmem:s31] =	stream.linear.scatter [tilespmem:s2], [sflag:$0x3], $0x1200, $0x38;
	[tilespmem:$0x1CD60] =	vst v63  }
0x68: {  	_ =	swait.ge [sflag:s8], $0x1200  }
0x69: {  	[sflag:s8] =	ssyncset.done $0x0  }
0x6a: {  	[sflag:s8] =	ssyncadd.s32 $0xFFFFEE00  }
0x6b: {  	[spmem:s0] =	stream.linear.scatter [tilespmem:s2], [sflag:$0x3], $0x1200, $0x38;
	[tilespmem:$0x1CD60] =	vst v63  }
0x6c: {  	_ =	swait.ge [sflag:s8], $0x1200  }
0x6d: {  	[sflag:s8] =	ssyncset.done $0x0  }
0x6e: {  	[sflag:s8] =	ssyncadd.s32 $0xFFFFEE00  }
0x6f: {  	s19 =	simm.s32 $0x0;
	[bflag:$0x0] =	sbarrier.arrive $0xFFFF  }
.LBB2_2:
0x70: {  	s20 =	smul.u32 $0x28, s19;
	_ =	sdelay $0x1  }
0x71: {  	s20 =	sadd.s32 s10, s20  }
0x72: {  	s20 =	sshrl.u32 s20, $0x3  }
0x73: {  	s22 =	simm.s32 $0x0;
	s21 =	sadd.s32 s6, s20  }
0x74: {  	[tilespmem:s22], [sflag:$0x3] =	stream.linear.gather [hbm4b:s21+s22], $0x28, $0x38;
	[tilespmem:$0x1CD60] =	vst v63  }
0x75: {  	_ =	swait.ge [sflag:s8], $0x28  }
0x76: {  	[sflag:s8] =	ssyncset.done $0x0  }
0x77: {  	s20 =	sadd.s32 s7, s20;
	[sflag:s8] =	ssyncadd.s32 $0xFFFFFFD8  }
0x78: {  	[tilespmem:s11], [sflag:$0x3] =	stream.linear.gather [hbm4b:s20+s22], $0x28, $0x38;
	[tilespmem:$0x1CD60] =	vst v63  }
0x79: {  	_ =	swait.ge [sflag:s8], $0x28  }
0x7a: {  	[sflag:s8] =	ssyncset.done $0x0  }
0x7b: {  	[sflag:s8] =	ssyncadd.s32 $0xFFFFFFD8  }
0x7c: {  	[tilespmem:s12], [sflag:$0x1] =	stream.indirect.gather [hbm4b:s4+s11], $0x80, s11, s11, $0xb8;
	[tilespmem:$0x1CD60] =	vst v63  }
0x7d: {  	_ = 	snop  }
0x7e: {  	[tilespmem:s13], [sflag:$0x2] =	stream.indirect.gather [hbm4b:s5+s11], $0x100, s22, s11, $0xb8;
	[tilespmem:$0x1CD60] =	vst v63  }
0x7f: {  	_ =	swait.ge [sflag:s14], $0x1400  }
0x80: {  	[sflag:s14] =	ssyncset.done $0x0  }
0x81: {  	[sflag:s14] =	ssyncadd.s32 $0xFFFFEC00  }
0x82: {  	_ =	swait.ge [sflag:s15], $0x2800  }
0x83: {  	[sflag:s15] =	ssyncset.done $0x0  }
0x84: {  	s22 =	simm.s32 $0x14D0;
	[sflag:s15] =	ssyncadd.s32 $0xFFFFD800  }
0x85: {  	s23 =	simm.s32 $0x0;
	v0 =	vld [tilespmem:s22+$0xFFFFFF80]  }
0x86: {  	v1 =	vld [tilespmem:s23+$0x50]  }
0x87: {  	v2 =	vld [tilespmem:s23+$0x60]  }
0x88: {  	v3 =	vld [tilespmem:s22+$0xFFFFFF90]  }
0x89: {  	v4 =	vld [tilespmem:s23+$0x70]  }
0x8a: {  	v5 =	vld [tilespmem:s22+$0xFFFFFFA0]  }
0x8b: {  	v6 =	vld [tilespmem:s22+$0xFFFFFFB0]  }
0x8c: {  	v7 =	vld [tilespmem:s23+$0x80]  }
0x8d: {  	v8 =	vld [tilespmem:s22+$0xFFFFFFC0];
	v0 =	vmul.f32 v0, v1;
	v1 =	vmul.f32 v3, v2  }
0x8e: {  	v2 =	vld [tilespmem:s23+$0x90]  }
0x8f: {  	v3 =	vld [tilespmem:s22+$0xFFFFFFD0];
	v0 =	vadd.f32 v1, v0;
	v1 =	vmul.f32 v5, v4  }
0x90: {  	v4 =	vld [tilespmem:s23+$0xA0]  }
0x91: {  	v62 =	vld [tilespmem:s23+$0xB0];
	v0 =	vadd.f32 v1, v0;
	v1 =	vmul.f32 v6, v7  }
0x92: {  	v5 =	vld [tilespmem:s22+$0xFFFFFFE0]  }
0x93: {  	v63 =	vld [tilespmem:s22+$0xFFFFFFF0];
	v0 =	vadd.f32 v1, v0;
	v1 =	vmul.f32 v8, v2  }
0x94: {  	v2 =	vld [tilespmem:s23+$0xC0]  }
0x95: {  	v0 =	vadd.f32 v1, v0;
	v1 =	vmul.f32 v3, v4;
	_ =	sdelay $0x1  }
0x96: {  	v0 =	vadd.f32 v1, v0;
	v1 =	vmul.f32 v5, v62;
	_ =	sdelay $0x1  }
0x97: {  	v0 =	vadd.f32 v1, v0;
	v1 =	vmul.f32 v63, v2;
	_ =	sdelay $0x1  }
0x98: {  	v0 =	vadd.f32 v1, v0;
	_ =	sdelay $0x1  }
0x99: {  	v0 =	vmul.f32 $8.838834610e-02, v0;
	_ =	sdelay $0x1  }
0x9a: {  	(xrf2) =	vadd.scan.msk.f32 $0xffff, v0;
	_ =	sdelay $0x9  }
0x9b: {  	v0, _, _ =	vpop (xrf2)  }
0x9c: {  	v0 =	vmul.f32 $1.442695020e+00, v0;
	_ =	sdelay $0x1  }
0x9d: {  	v0 =	vbroadcast v0, $0xF;
	_ =	sdelay $0x1  }
0x9e: {  	(erf) = vpow2.f32 v0;
	_ =	sdelay $0x4  }
0x9f: {  	v0 =	vld [tilespmem:s22+$0x0];
	_ =	sdelay $0x3  }
0xa0: {  	v1 =	vpop (erf)  }
0xa1: {  	v0 =	vmul.f32 v1, v0  }
0xa2: {  	s20 =	simm.s32 $0x3C90  }
0xa3: {  	[tilespmem:s20+$0xFFFFFFC0] =	vst v0  }
0xa4: {  	v0 =	vld [tilespmem:s22+$0x10];
	_ =	sdelay $0x4  }
0xa5: {  	v0 =	vmul.f32 v1, v0;
	_ =	sdelay $0x1  }
0xa6: {  	[tilespmem:s20+$0xFFFFFFD0] =	vst v0  }
0xa7: {  	v0 =	vld [tilespmem:s22+$0x20];
	_ =	sdelay $0x4  }
0xa8: {  	v0 =	vmul.f32 v1, v0;
	_ =	sdelay $0x1  }
0xa9: {  	[tilespmem:s20+$0xFFFFFFE0] =	vst v0  }
0xaa: {  	v0 =	vld [tilespmem:s22+$0x30];
	_ =	sdelay $0x4  }
0xab: {  	v0 =	vmul.f32 v1, v0;
	_ =	sdelay $0x1  }
0xac: {  	[tilespmem:s20+$0xFFFFFFF0] =	vst v0  }
0xad: {  	v0 =	vld [tilespmem:s22+$0x40];
	_ =	sdelay $0x4  }
0xae: {  	v0 =	vmul.f32 v0, v1;
	_ =	sdelay $0x1  }
0xaf: {  	[tilespmem:s20+$0x0] =	vst v0  }
0xb0: {  	v0 =	vld [tilespmem:s22+$0x50];
	_ =	sdelay $0x4  }
0xb1: {  	v0 =	vmul.f32 v0, v1;
	_ =	sdelay $0x1  }
0xb2: {  	[tilespmem:s20+$0x10] =	vst v0  }
0xb3: {  	v0 =	vld [tilespmem:s22+$0x60];
	_ =	sdelay $0x4  }
0xb4: {  	v0 =	vmul.f32 v0, v1;
	_ =	sdelay $0x1  }
0xb5: {  	[tilespmem:s20+$0x20] =	vst v0  }
0xb6: {  	v0 =	vld [tilespmem:s22+$0x70];
	_ =	sdelay $0x4  }
0xb7: {  	v0 =	vmul.f32 v0, v1  }
0xb8: {  	[tilespmem:s20+$0x40] =	vst v1  }
0xb9: {  	s21 =	simm.s32 $0x15D0;
	[tilespmem:s20+$0x30] =	vst v0  }
0xba: {  	v0 =	vld [tilespmem:s21+$0xFFFFFFB0]  }
0xbb: {  	s23 =	simm.s32 $0x80;
	v1 =	vld [tilespmem:s21+$0xFFFFFF80]  }
0xbc: {  	v2 =	vld [tilespmem:s23+$0x50]  }
0xbd: {  	s22 =	simm.s32 $0x400;
	v3 =	vld [tilespmem:s23+$0x60]  }
.LBB2_3:
0xbe: {  	p0 =	sne.s32 s22, $0x4E00;
	v4 =	vld [tilespmem:s21+$0xFFFFFF90]  }
0xbf: {  	v5 =	vld [tilespmem:s23+$0x70]  }
0xc0: {  	v6 =	vld [tilespmem:s21+$0xFFFFFFA0]  }
0xc1: {  	v7 =	vld [tilespmem:s23+$0x80]  }
0xc2: {  	v8 =	vld [tilespmem:s21+$0xFFFFFFC0]  }
0xc3: {  	v1 =	vmul.f32 v1, v2;
	v2 =	vmul.f32 v4, v3;
	v3 =	vld [tilespmem:s23+$0x90]  }
0xc4: {  	v4 =	vld [tilespmem:s21+$0xFFFFFFD0]  }
0xc5: {  	v1 =	vadd.f32 v2, v1;
	v2 =	vmul.f32 v6, v5;
	v5 =	vld [tilespmem:s23+$0xA0]  }
0xc6: {  	v6 =	vld [tilespmem:s21+$0xFFFFFFE0]  }
0xc7: {  	v0 =	vmul.f32 v0, v7;
	v1 =	vadd.f32 v2, v1;
	v2 =	vld [tilespmem:s23+$0xB0]  }
0xc8: {  	v7 =	vld [tilespmem:s21+$0x0]  }
0xc9: {  	v0 =	vadd.f32 v0, v1;
	v1 =	vmul.f32 v8, v3;
	v3 =	vld [tilespmem:s23+$0xC0]  }
0xca: {  	v8 =	vld [tilespmem:s21+$0xFFFFFFF0]  }
0xcb: {  	v0 =	vadd.f32 v1, v0;
	v1 =	vmul.f32 v4, v5;
	_ =	sdelay $0x1  }
0xcc: {  	v0 =	vadd.f32 v1, v0;
	v1 =	vmul.f32 v6, v2;
	_ =	sdelay $0x1  }
0xcd: {  	v0 =	vadd.f32 v1, v0;
	v1 =	vmul.f32 v8, v3;
	_ =	sdelay $0x1  }
0xce: {  	v0 =	vadd.f32 v1, v0;
	_ =	sdelay $0x1  }
0xcf: {  	v0 =	vmul.f32 $8.838834610e-02, v0;
	_ =	sdelay $0x1  }
0xd0: {  	(xrf2) =	vadd.scan.msk.f32 $0xffff, v0;
	_ =	sdelay $0x9  }
0xd1: {  	v0, _, _ =	vpop (xrf2)  }
0xd2: {  	v0 =	vmul.f32 $1.442695020e+00, v0;
	_ =	sdelay $0x1  }
0xd3: {  	v0 =	vbroadcast v0, $0xF;
	_ =	sdelay $0x1  }
0xd4: {  	(erf) = vpow2.f32 v0;
	_ =	sdelay $0x8  }
0xd5: {  	v0 =	vpop (erf)  }
0xd6: {  	v1 =	vmul.f32 v0, v7  }
0xd7: {  	s20 =	sadd.s32 $0x90, s20  }
0xd8: {  	[tilespmem:s20+$0xFFFFFFC0] =	vst v1  }
0xd9: {  	v1 =	vld [tilespmem:s21+$0x10];
	_ =	sdelay $0x4  }
0xda: {  	v1 =	vmul.f32 v0, v1;
	_ =	sdelay $0x1  }
0xdb: {  	[tilespmem:s20+$0xFFFFFFD0] =	vst v1  }
0xdc: {  	v1 =	vld [tilespmem:s21+$0x20];
	_ =	sdelay $0x4  }
0xdd: {  	v1 =	vmul.f32 v0, v1;
	_ =	sdelay $0x1  }
0xde: {  	[tilespmem:s20+$0xFFFFFFE0] =	vst v1  }
0xdf: {  	v1 =	vld [tilespmem:s21+$0x30];
	_ =	sdelay $0x4  }
0xe0: {  	v1 =	vmul.f32 v0, v1;
	_ =	sdelay $0x1  }
0xe1: {  	[tilespmem:s20+$0xFFFFFFF0] =	vst v1  }
0xe2: {  	v1 =	vld [tilespmem:s21+$0x40];
	_ =	sdelay $0x4  }
0xe3: {  	v1 =	vmul.f32 v1, v0;
	_ =	sdelay $0x1  }
0xe4: {  	[tilespmem:s20+$0x0] =	vst v1  }
0xe5: {  	v1 =	vld [tilespmem:s21+$0x50];
	_ =	sdelay $0x4  }
0xe6: {  	v1 =	vmul.f32 v1, v0;
	_ =	sdelay $0x1  }
0xe7: {  	[tilespmem:s20+$0x10] =	vst v1  }
0xe8: {  	v1 =	vld [tilespmem:s21+$0x60];
	_ =	sdelay $0x4  }
0xe9: {  	v1 =	vmul.f32 v1, v0;
	_ =	sdelay $0x1  }
0xea: {  	[tilespmem:s20+$0x20] =	vst v1  }
0xeb: {  	v1 =	vld [tilespmem:s21+$0x70];
	[tilespmem:s20+$0x40] =	vst v0;
	_ =	sdelay $0x4  }
0xec: {  	v0 =	vmul.f32 v1, v0;
	_ =	sdelay $0x1  }
.Ltmp0:
0xed: {  	s21 =	sadd.s32 $0x100, s21;
	[tilespmem:s20+$0x30] =	vst v0;
	(pc) =	sbr.rel @p0 .LBB2_3-.Ltmp0, $4  }
0xee: {  	v0 =	vld [tilespmem:s21+$0xFFFFFFB0]  }
0xef: {  	s23 =	sshra.s32 s22, $0x2;
	v1 =	vld [tilespmem:s21+$0xFFFFFF80]  }
0xf0: {  	v2 =	vld [tilespmem:s23+$0x50]  }
0xf1: {  	s22 =	sadd.s32 $0x200, s22;
	v3 =	vld [tilespmem:s23+$0x60]  }
0xf2: {  	v4 =	vld [tilespmem:s21+$0xFFFFFF90]  }
0xf3: {  	v5 =	vld [tilespmem:s23+$0x70]  }
0xf4: {  	v6 =	vld [tilespmem:s21+$0xFFFFFFA0];
	_ =	sdelay $0x1  }
0xf5: {  	v7 =	vld [tilespmem:s23+$0x80]  }
0xf6: {  	v8 =	vld [tilespmem:s21+$0xFFFFFFC0];
	v1 =	vmul.f32 v1, v2;
	v49 =	vmul.f32 v4, v3  }
0xf7: {  	v50 =	vld [tilespmem:s23+$0x90]  }
0xf8: {  	v51 =	vld [tilespmem:s21+$0xFFFFFFD0];
	v52 =	vmul.f32 v6, v5;
	v1 =	vadd.f32 v49, v1  }
0xf9: {  	v53 =	vld [tilespmem:s23+$0xA0]  }
0xfa: {  	v54 =	vld [tilespmem:s21+$0xFFFFFFE0];
	v0 =	vmul.f32 v0, v7;
	v1 =	vadd.f32 v52, v1  }
0xfb: {  	v55 =	vld [tilespmem:s23+$0xB0]  }
0xfc: {  	v57 =	vld [tilespmem:s23+$0xC0];
	v56 =	vmul.f32 v8, v50;
	v0 =	vadd.f32 v0, v1  }
0xfd: {  	v58 =	vld [tilespmem:s21+$0xFFFFFFF0]  }
0xfe: {  	v59 =	vmul.f32 v51, v53;
	v0 =	vadd.f32 v56, v0;
	_ =	sdelay $0x1  }
0xff: {  	v60 =	vmul.f32 v54, v55;
	v0 =	vadd.f32 v59, v0;
	_ =	sdelay $0x1  }
0x100: {  	v61 =	vmul.f32 v58, v57;
	v0 =	vadd.f32 v60, v0;
	_ =	sdelay $0x1  }
0x101: {  	v0 =	vadd.f32 v61, v0;
	_ =	sdelay $0x1  }
0x102: {  	v0 =	vmul.f32 $8.838834610e-02, v0;
	_ =	sdelay $0x1  }
0x103: {  	(xrf2) =	vadd.scan.msk.f32 $0xffff, v0;
	_ =	sdelay $0x9  }
0x104: {  	v0, _, _ =	vpop (xrf2)  }
0x105: {  	v0 =	vmul.f32 $1.442695020e+00, v0;
	_ =	sdelay $0x1  }
0x106: {  	v0 =	vbroadcast v0, $0xF;
	_ =	sdelay $0x1  }
0x107: {  	(erf) = vpow2.f32 v0;
	_ =	sdelay $0x4  }
0x108: {  	v62 =	vld [tilespmem:s21+$0x0];
	_ =	sdelay $0x3  }
0x109: {  	v63 =	vpop (erf)  }
0x10a: {  	v0 =	vmul.f32 v63, v62  }
0x10b: {  	s20 =	sadd.s32 $0x90, s20  }
0x10c: {  	[tilespmem:s20+$0xFFFFFFC0] =	vst v0  }
0x10d: {  	v0 =	vld [tilespmem:s21+$0x10];
	_ =	sdelay $0x4  }
0x10e: {  	v0 =	vmul.f32 v63, v0;
	_ =	sdelay $0x1  }
0x10f: {  	[tilespmem:s20+$0xFFFFFFD0] =	vst v0  }
0x110: {  	v0 =	vld [tilespmem:s21+$0x20];
	_ =	sdelay $0x4  }
0x111: {  	v0 =	vmul.f32 v63, v0;
	_ =	sdelay $0x1  }
0x112: {  	[tilespmem:s20+$0xFFFFFFE0] =	vst v0  }
0x113: {  	v0 =	vld [tilespmem:s21+$0x30];
	_ =	sdelay $0x4  }
0x114: {  	v0 =	vmul.f32 v63, v0;
	_ =	sdelay $0x1  }
0x115: {  	[tilespmem:s20+$0xFFFFFFF0] =	vst v0  }
0x116: {  	v0 =	vld [tilespmem:s21+$0x40];
	_ =	sdelay $0x4  }
0x117: {  	v0 =	vmul.f32 v0, v63;
	_ =	sdelay $0x1  }
0x118: {  	[tilespmem:s20+$0x0] =	vst v0  }
0x119: {  	v0 =	vld [tilespmem:s21+$0x50];
	_ =	sdelay $0x4  }
0x11a: {  	v0 =	vmul.f32 v0, v63;
	_ =	sdelay $0x1  }
0x11b: {  	[tilespmem:s20+$0x10] =	vst v0  }
0x11c: {  	v0 =	vld [tilespmem:s21+$0x60];
	_ =	sdelay $0x4  }
0x11d: {  	v0 =	vmul.f32 v0, v63;
	_ =	sdelay $0x1  }
0x11e: {  	[tilespmem:s20+$0x20] =	vst v0  }
0x11f: {  	v0 =	vld [tilespmem:s21+$0x70];
	_ =	sdelay $0x4  }
0x120: {  	s19 =	sadd.s32 $0x1, s19;
	v0 =	vmul.f32 v0, v63  }
0x121: {  	p0 =	sne.s32 s19, $0xFA;
	[tilespmem:s20+$0x40] =	vst v63  }
.Ltmp1:
0x122: {  	[tilespmem:s20+$0x30] =	vst v0;
	(pc) =	sbr.rel @p0 .LBB2_2-.Ltmp1, $4  }
0x123: {  	[spmem:s1] =	stream.indirect.scatter.add.f32 [tilespmem:s16], [sflag:$0x3], $0x90, s11, s11, $0xb8;
	[tilespmem:$0x1CD60] =	vst v63  }
0x124: {  	_ =	swait.ge [sflag:s8], $0x1680  }
0x125: {  	[sflag:s8] =	ssyncset.done $0x0  }
0x126: {  	[sflag:s8] =	ssyncadd.s32 $0xFFFFE980  }
0x127: {  	[bflag:$0x0] =	sbarrier.arrive $0xFFFF  }
0x128: {  	[tilespmem:s17], [sflag:$0x3] =	stream.linear.gather [spmem:s9], $0x90, $0x38;
	[tilespmem:$0x1CD60] =	vst v63  }
0x129: {  	_ =	swait.ge [sflag:s8], $0x90  }
0x12a: {  	[sflag:s8] =	ssyncset.done $0x0  }
0x12b: {  	s19 =	sadd.s32 $0x0, s25;
	[sflag:s8] =	ssyncadd.s32 $0xFFFFFF70  }
0x12c: {  	[hbm4b:s19+s3] =	stream.linear.scatter [tilespmem:s17], [sflag:$0x3], $0x90, $0x38;
	[tilespmem:$0x1CD60] =	vst v63  }
0x12d: {  	_ =	swait.ge [sflag:s8], $0x90  }
0x12e: {  	s20 =	smov.u32 s9;
	s19 =	simm.s32 $0x12;
	[sflag:s8] =	ssyncset.done $0x0  }
.LBB2_6:
0x12f: {  	p0 =	sne.s32 s19, $0x2CEE;
	[sflag:s8] =	ssyncadd.s32 $0xFFFFFF70;
	s20 =	sadd.s32 $0x90, s20  }
0x130: {  	[tilespmem:s17], [sflag:$0x3] =	stream.linear.gather [spmem:s20], $0x90, $0x38;
	[tilespmem:$0x1CD60] =	vst v63  }
0x131: {  	s21 =	smov.u32 s19;
	s19 =	sadd.s32 $0x12, s19;
	_ =	swait.ge [sflag:s8], $0x90  }
.Ltmp2:
0x132: {  	[sflag:s8] =	ssyncset.done $0x0;
	(pc) =	sbr.rel @p0 .LBB2_6-.Ltmp2, $4  }
0x133: {  	s21 =	sadd.s32 s21, s25;
	[sflag:s8] =	ssyncadd.s32 $0xFFFFFF70  }
0x134: {  	[hbm4b:s21+s3] =	stream.linear.scatter [tilespmem:s17], [sflag:$0x3], $0x90, $0x38;
	[tilespmem:$0x1CD60] =	vst v63  }
0x135: {  	_ =	swait.ge [sflag:s8], $0x90  }
0x136: {  	[sflag:s8] =	ssyncset.done $0x0  }
0x137: {  	s18 =	sadd.s32 $0x1, s18  }
0x138: {  	p0 =	sne.s32 s18, s24  }
.Ltmp3:
0x139: {  	_ = 	snop;
	(pc) =	sbr.rel @p0 .LBB2_1-.Ltmp3, $2  }
0x13a: {  	_ =	sdelay $0x2  }
0x13b: {  	[sflag:s8] =	ssyncadd.s32 $0xFFFFFF70  }
0x13c: {  	_ =	sfence.sel $0x180000  }
0x13d: {  	[bflag:$0x0] =	sbarrier.arrive $0xFFFF  }
0x13e: {  	_ =	strace $0x9000004D  }
0x13f: {  	s0 =	stileid.u32;
	[bflag:$0x2] =	sbarrier.arrive $0xFFFF  }
0x140: {  	p0 =	sne.s32 s0, $0x0;
	s0 =	rddreg [dreg:$0x2]  }
0x141: {  	s0 =	sadd.s32 @!p0 $0x100000, s0  }
0x142: {  	[sflag:s0] =	ssyncadd.tile.s32 @!p0 $0x1;
	_ =	shalt  }
.Lfunc_end2:
_tile_overlayer_lowered:
.L_overlay_start_2:
0x143: {  	(tag) =	ssettag $0x2  }
0x144: {  	s0 =	rddreg [dreg:$0x0];
	s2 =	stileid.u32  }
0x145: {  	s1 =	rddreg [dreg:$0x1];
	p0 =	sne.s32 s2, $0x0  }
0x146: {  	s3 =	rddreg [dreg:$0x2];
	[bflag:$0x3] =	sbarrier.arrive $0xFFFF;
	s2 =	simm.s32 @!p0 $0x1C03  }
0x147: {  	[timem:s3], [sflag:s2] =	dma.local @!p0 [hbm:s0], s1  }
0x148: {  	s0 =	simm.s32 @!p0 $0x3  }
0x149: {  	_ =	swait.ge @!p0 [sflag:s0], s1  }
0x14a: {  	s1 =	ssub.s32 @!p0 $0x0, s1;
	[sflag:s0] =	ssyncset.done @!p0 $0x0  }
0x14b: {  	[sflag:s0] =	ssyncadd.s32 @!p0 s1  }
0x14c: {  	[bflag:$0x3] =	sbarrier.arrive $0xFFFF  }
0x14d: {  	_ =	shalt  }

// kernel: kernel.7.cloned.1.call-start
scs
__scs_entry_jumppad:
0x0: {  	(pc) =	sbr.rel $0x88, $3  }
0x1: {  	(tag) =	ssettag $0x0;
	lr =	simm.s32 $0x1  }
0x2: {  	[smem:$0x3F8F] =	sst lr;
	_ =	strace $0xD0000000  }
0x3: {  	_ = 	snop  }
0x4: {  	_ = 	snop  }
0x5: {  	_ = 	snop  }
0x6: {  	_ = 	snop  }
0x7: {  	_ = 	snop  }
__scs_overlays_trampoline_lowered:
0x8: {  	[smem:$0x3F9E] =	sst s0  }
0x9: {  	[smem:$0x3F9F] =	sst s1  }
0xa: {  	[smem:$0x3FA0] =	sst s2  }
0xb: {  	[smem:$0x3FA1] =	sst s3  }
0xc: {  	[smem:$0x3FA2] =	sst s4  }
0xd: {  	[smem:$0x3FA3] =	sst s5  }
0xe: {  	[smem:$0x3FA4] =	sst s6  }
0xf: {  	[smem:$0x3FA5] =	sst s7  }
0x10: {  	[smem:$0x3FA6] =	sst s8  }
0x11: {  	[smem:$0x3FA7] =	sst s9;
	s0 =	simm.s32 @!p0 $0x0  }
0x12: {  	s1 =	sld [smem:$0x3F8D];
	s0 =	simm.s32 @p0 $0x1  }
0x13: {  	[smem:$0x3FA8] =	sst s0;
	s0 =	simm.s32 @!p1 $0x0  }
0x14: {  	s2 =	sld [smem:$0x3F8C];
	s0 =	simm.s32 @p1 $0x1  }
0x15: {  	[smem:$0x3FA9] =	sst s0;
	s0 =	simm.s32 @!p2 $0x0  }
0x16: {  	s3 =	sld [smem:$0x3FDB];
	s0 =	simm.s32 @p2 $0x1  }
0x17: {  	s4 =	simm.s32 $0x1BF5;
	[smem:$0x3FAB] =	sst s0  }
0x18: {  	s0 =	sld [smem:$0x3F8E];
	_ =	swait.ge [sflag:s4], $0x0  }
0x19: {  	s7 =	sld [smem:$0x3F8F]  }
0x1a: {  	s8 =	sadd.s32 $0xFFFFE003, lr  }
0x1b: {  	s9 =	sadd.s32 $0xFFFFFEF7, lr;
	s5 =	simm.s32 $0xFFFFFFFF;
	p2 =	slt.u32 s8, $0xFFFFF086  }
0x1c: {  	p1 =	slt.u32 s9, $0xF7A;
	s5 =	simm.s32 @!p2 $0x0  }
0x1d: {  	s5 =	simm.s32 @p1 $0x1;
	p0 =	seq.s32 s7, s2  }
0x1e: {  	s7 =	smul.u32 @!p0 $0xF7A, s2;
	p2 =	seq.s32 @!p0 s5, $0x0  }
0x1f: {  	s9 =	smul.u32 $0xF7A, s1;
	s8 =	simm.s32 @!p0 $0x1BF5;
	p2 =	por !p2, p0  }
0x20: {  	[sflag:s8] =	ssyncset.s32 @!p0 $0xFFFFF086;
	s6 =	sadd.s32 @!p0 s3, s7;
	s7 =	simm.s32 @!p0 $0x108  }
0x21: {  	s3 =	sadd.s32 s3, s9;
	s6 =	sadd.s32 @!p0 $0x88, s6;
	s7 =	simm.s32 @p2 $0x1082  }
0x22: {  	[simem:s7], [sflag:s8] =	dma.local @!p0 [hbm:s6], $0xF7A  }
0x23: {  	s9 =	sor.u32 $0xD0000000, s2;
	s6 =	simm.s32 $0x108;
	_ =	swait.ge @!p0 [sflag:s8], $0x0  }
0x24: {  	s3 =	sadd.s32 $0x88, s3;
	s6 =	simm.s32 @!p1 $0x1082;
	[sflag:s4] =	ssyncset.s32 $0xFFFFF086  }
0x25: {  	[simem:s6], [sflag:s4] =	dma.local [hbm:s3], $0xF7A  }
0x26: {  	[smem:$0x3F8F] =	sst s1;
	(tag) =	ssettag s2;
	_ =	strace s9  }
0x27: {  	s1 =	sld [smem:$0x3F9F]  }
0x28: {  	s2 =	sld [smem:$0x3FA0]  }
0x29: {  	s4 =	sld [smem:$0x3FA2]  }
0x2a: {  	p0 =	seq.s32 s5, $0x0;
	s5 =	sld [smem:$0x3FA3]  }
0x2b: {  	s6 =	sld [smem:$0x3FA4]  }
0x2c: {  	s7 =	sld [smem:$0x3FA5]  }
0x2d: {  	s3 =	simm.s32 $0x108;
	s8 =	sld [smem:$0x3FA6]  }
0x2e: {  	s3 =	simm.s32 @!p0 $0x1082;
	s9 =	sld [smem:$0x3FA7]  }
0x2f: {  	lr =	sadd.s32 s0, s3;
	s0 =	sld [smem:$0x3F9E]  }
0x30: {  	s3 =	sld [smem:$0x3FA1]  }
0x31: {  	[smem:$0x3FAA] =	sst s10  }
0x32: {  	s10 =	sld [smem:$0x3FA8];
	_ =	sdelay $0x3  }
0x33: {  	p0 =	seq.s32 s10, $0x1;
	s10 =	sld [smem:$0x3FAA];
	_ =	sdelay $0x3  }
0x34: {  	[smem:$0x3FAA] =	sst s10  }
0x35: {  	s10 =	sld [smem:$0x3FA9];
	_ =	sdelay $0x3  }
0x36: {  	p1 =	seq.s32 s10, $0x1;
	s10 =	sld [smem:$0x3FAA];
	_ =	sdelay $0x3  }
0x37: {  	[smem:$0x3FAA] =	sst s10  }
0x38: {  	s10 =	sld [smem:$0x3FAB]  }
0x39: {  	_ = 	snop;
	(pc) =	sbr.ind lr, $3  }
0x3a: {  	_ = 	snop  }
0x3b: {  	_ = 	snop  }
0x3c: {  	p2 =	seq.s32 s10, $0x1;
	s10 =	sld [smem:$0x3FAA]  }
0x3d: {  	_ =	shalt  }
0x3e: {  	_ =	shalt  }
0x3f: {  	_ =	shalt  }
0x40: {  	_ =	shalt  }
0x41: {  	_ =	shalt  }
0x42: {  	_ =	shalt  }
0x43: {  	_ =	shalt  }
0x44: {  	_ =	shalt  }
0x45: {  	_ =	shalt  }
0x46: {  	_ =	shalt  }
0x47: {  	_ =	shalt  }
0x48: {  	_ =	shalt  }
0x49: {  	_ =	shalt  }
0x4a: {  	_ =	shalt  }
0x4b: {  	_ =	shalt  }
0x4c: {  	_ =	shalt  }
0x4d: {  	_ =	shalt  }
0x4e: {  	_ =	shalt  }
0x4f: {  	_ =	shalt  }
0x50: {  	_ =	shalt  }
0x51: {  	_ =	shalt  }
0x52: {  	_ =	shalt  }
0x53: {  	_ =	shalt  }
0x54: {  	_ =	shalt  }
0x55: {  	_ =	shalt  }
0x56: {  	_ =	shalt  }
0x57: {  	_ =	shalt  }
0x58: {  	_ =	shalt  }
0x59: {  	_ =	shalt  }
0x5a: {  	_ =	shalt  }
0x5b: {  	_ =	shalt  }
0x5c: {  	_ =	shalt  }
0x5d: {  	_ =	shalt  }
0x5e: {  	_ =	shalt  }
0x5f: {  	_ =	shalt  }
0x60: {  	_ =	shalt  }
0x61: {  	_ =	shalt  }
0x62: {  	_ =	shalt  }
0x63: {  	_ =	shalt  }
0x64: {  	_ =	shalt  }
0x65: {  	_ =	shalt  }
0x66: {  	_ =	shalt  }
0x67: {  	_ =	shalt  }
0x68: {  	_ =	shalt  }
0x69: {  	_ =	shalt  }
0x6a: {  	_ =	shalt  }
0x6b: {  	_ =	shalt  }
0x6c: {  	_ =	shalt  }
0x6d: {  	_ =	shalt  }
0x6e: {  	_ =	shalt  }
0x6f: {  	_ =	shalt  }
0x70: {  	_ =	shalt  }
0x71: {  	_ =	shalt  }
0x72: {  	_ =	shalt  }
0x73: {  	_ =	shalt  }
0x74: {  	_ =	shalt  }
0x75: {  	_ =	shalt  }
0x76: {  	_ =	shalt  }
0x77: {  	_ =	shalt  }
0x78: {  	_ =	shalt  }
0x79: {  	_ =	shalt  }
0x7a: {  	_ =	shalt  }
0x7b: {  	_ =	shalt  }
0x7c: {  	_ =	shalt  }
0x7d: {  	_ =	shalt  }
0x7e: {  	_ =	shalt  }
0x7f: {  	_ =	shalt  }
0x80: {  	_ =	shalt  }
0x81: {  	_ =	shalt  }
0x82: {  	_ =	shalt  }
0x83: {  	_ =	shalt  }
0x84: {  	_ =	shalt  }
0x85: {  	_ =	shalt  }
0x86: {  	_ =	shalt  }
0x87: {  	_ =	shalt  }
.Lfunc_end0:
.L_simem_size_0:
called_computation.1_lowered:
.L_overlay_start_0:
0x88: {  	s2 =	sld [smem:$0x3FD9]  }
0x89: {  	s3 =	sld [smem:$0x3FFE];
	_ =	sdelay $0x1  }
0x8a: {  	s1 =	srdreg.scid  }
0x8b: {  	s0 =	sand.u32 $0x1, s1  }
0x8c: {  	s17 =	sshll.u32 s0, $0xA;
	s2 =	sadd.s32 s3, s2  }
0x8d: {  	s2 =	sadd.s32 s2, s17  }
0x8e: {  	[smem:$0x3FB6] =	sst s2  }
0x8f: {  	_ = 	snop  }
0x90: {  	s2 =	sld [smem:$0x3FD0];
	(tm) =	ssettm $0x1  }
0x91: {  	s18 =	sld [smem:$0x3FFB];
	_ =	sdelay $0x3  }
0x92: {  	_ =	strace s18  }
0x93: {  	s3 =	sld [smem:$0x3FFC];
	_ =	sdelay $0x3  }
0x94: {  	_ =	strace s3  }
0x95: {  	s3 =	sld [smem:$0x3FFD];
	_ =	sdelay $0x3  }
0x96: {  	_ =	strace s3  }
0x97: {  	_ =	strace $0x8FFFFFFF  }
0x98: {  	s19 =	sld [smem:$0x3FDB];
	_ =	sdelay $0x1  }
0x99: {  	s4 =	simm.s32 $_scs_section_size  }
0x9a: {  	s5 =	simm.s32 $_size__tile_overlayer_lowered;
	s6 =	simm.s32 $_tile_overlayer_lowered  }
0x9b: {  	s22 =	simm.s32 $0x1BFF;
	s21 =	sshll.u32 s6, $0x1;
	s3 =	sadd.s32 s4, s19  }
0x9c: {  	s7 =	simm.s32 $0x0;
	s20 =	sshll.u32 s5, $0x1;
	s5 =	sadd.s32 s21, s3  }
0x9d: {  	[timem:s7], [sflag:s22] =	dma.local [hbm:s5], s20  }
0x9e: {  	_ =	swait.ge [sflag:s22], s20  }
0x9f: {  	s4 =	ssub.s32 $0x0, s20;
	[sflag:s22] =	ssyncset.done $0x0  }
0xa0: {  	[sflag:s22] =	ssyncadd.s32 s4;
	_ =	sdelay $0x1  }
0xa1: {  	s23 =	simm.s32 $0x1B8B  }
0xa2: {  	_ =	swait.ge [sflag:s23], $0x1  }
0xa3: {  	[sflag:s23] =	ssyncset.done $0x0  }
0xa4: {  	s25 =	simm.s32 $0x1B8E;
	s24 =	sld [smem:$0x3FFE];
	[sflag:s23] =	ssyncadd.s32 $0xFFFFFFFF  }
0xa5: {  	s26 =	simm.s32 $execute0_lowered;
	[smem:$0x3FD2] =	sst s25  }
0xa6: {  	s5 =	sshll.u32 s26, $0x1;
	_ =	strace $0x80000049;
	[dreg:$0x1] =	wrdreg $0xFFFFFFFF  }
0xa7: {  	s28 =	simm.s32 $_size_execute0_lowered;
	s3 =	sadd.s32 s3, s5;
	[dreg:$0x0] =	wrdreg $0x0  }
0xa8: {  	s5 =	sshll.u32 s28, $0x1;
	[dreg:$0x2] =	wrdreg s3  }
0xa9: {  	[dreg:$0x3] =	wrdreg s5  }
0xaa: {  	[dreg:$0x4] =	wrdreg $0xC0  }
0xab: {  	_ =	task [dreg:s7], $0x5FFFF  }
0xac: {  	[dreg:$0x1] =	wrdreg $0xFFFFFFFF  }
0xad: {  	[dreg:$0x0] =	wrdreg $0x60  }
0xae: {  	[dreg:$0x2] =	wrdreg s24  }
0xaf: {  	[dreg:$0x3] =	wrdreg s2  }
0xb0: {  	[dreg:$0x4] =	wrdreg $0x65880  }
0xb1: {  	[dreg:$0x5] =	wrdreg $0x9  }
0xb2: {  	_ =	task.clear_ibuf [dreg:s7], $0x6FFFF;
	_ =	strace $0x90000049  }
0xb3: {  	s29 =	simm.s32 $0x9;
	_ =	strace $0x8000004B  }
0xb4: {  	_ =	swait.ge [sflag:s29], $0x1  }
0xb5: {  	[sflag:s29] =	ssyncadd.s32 $0xFFFFFFFF  }
0xb6: {  	_ =	strace $0x9000004B  }
0xb7: {  	_ =	sfence  }
0xb8: {  	s30 =	sld [smem:$0x0];
	_ =	sdelay $0x2  }
0xb9: {  	s31 =	sshll.u32 s1, $0xD;
	s1 =	sshrl.u32 s1, $0x2  }
0xba: {  	s3 =	sand.u32 $0x4000, s31;
	s1 =	sadd.s32 s1, s30  }
0xbb: {  	s0 =	sor.u32 s3, s0;
	s1 =	sshll.u32 s1, $0x11  }
0xbc: {  	s0 =	sor.u32 s1, s0  }
0xbd: {  	s0 =	sadd.s32 $0x8F2B, s0  }
0xbe: {  	[sflag:s0] =	ssyncadd.remote.s32 $0x1  }
0xbf: {  	_ =	sfence.sel $0xFFFF  }
0xc0: {  	[dreg:$0x0] =	wrdreg $0xFFFFFFFF;
	(pc) =	sbr.abs _section_cstart, $3  }
0xc1: {  	[dreg:$0x1] =	wrdreg $0xFFFFFFFF  }
0xc2: {  	_ =	task.clear_ibuf [dreg:s7], $0x2FFFF;
	_ =	strace $0x9FFFFFFF  }
0xc3: {  	(tm) =	ssettm $0x7FFFFFFF  }
tec
execute0_lowered:
.L_overlay_start_1:
0x0: {  	(tag) =	ssettag $0x1  }
0x1: {  	s0 =	rddreg [dreg:$0x0];
	s13 =	stileid.u32  }
0x2: {  	s4 =	srdreg.scid;
	s10 =	smul.u32 $0x16800, s13  }
0x3: {  	s1 =	rddreg [dreg:$0x1];
	s4 =	sand.u32 $0x1, s4;
	s11 =	smul.u32 $0x5A000, s13  }
0x4: {  	s2 =	rddreg [dreg:$0x2];
	s3 =	simm.s32 $0x0;
	s9 =	smul.u32 $0x2D0000, s4  }
0x5: {  	[smem:$0x7FF] =	sst s3;
	s26 =	sshrl.u32 s11, $0x2  }
0x6: {  	s12 =	sadd.s32 $0x1600, s0;
	s9 =	sadd.s32 s10, s9;
	s10 =	sadd.s32 s26, s2  }
0x7: {  	_ =	strace $0x8000004A;
	[dreg:$0x4] =	wrdreg s12;
	s12 =	sadd.s32 $0x1200, s10  }
0x8: {  	s14 =	sadd.s32 $0x2400, s10;
	[dreg:$0x5] =	wrdreg s12  }
0x9: {  	s15 =	sadd.s32 $0x3600, s10;
	[dreg:$0x6] =	wrdreg s14  }
0xa: {  	s5 =	sadd.s32 $0x141600, s0;
	s16 =	sadd.s32 $0x4800, s10;
	[dreg:$0x7] =	wrdreg s15  }
0xb: {  	s6 =	sadd.s32 $0x3D5200, s0;
	s17 =	sadd.s32 $0x5A00, s10;
	[dreg:$0x8] =	wrdreg s16  }
0xc: {  	s7 =	sadd.s32 $0x281600, s0;
	s18 =	sadd.s32 $0x6C00, s10;
	[dreg:$0x9] =	wrdreg s17  }
0xd: {  	s8 =	sadd.s32 $0x3CB400, s0;
	s19 =	sadd.s32 $0x7E00, s10;
	[dreg:$0xa] =	wrdreg s18  }
0xe: {  	s25 =	ssub.s32 $0x2, s4;
	s20 =	sadd.s32 $0x9000, s10;
	[dreg:$0xb] =	wrdreg s19  }
0xf: {  	s28 =	sshrl.u32 s25, $0x1;
	s21 =	sadd.s32 $0xA200, s10;
	[dreg:$0xc] =	wrdreg s20  }
0x10: {  	s11 =	simm.s32 $0x52F8;
	s22 =	sadd.s32 $0xB400, s10;
	[dreg:$0xd] =	wrdreg s21  }
0x11: {  	s29 =	ssub.s32 s25, s28;
	s23 =	sadd.s32 $0xC600, s10;
	[dreg:$0xe] =	wrdreg s22  }
0x12: {  	s9 =	sshrl.u32 s9, $0x3;
	s24 =	sadd.s32 $0xD800, s10;
	[dreg:$0xf] =	wrdreg s23  }
0x13: {  	s25 =	smax.u32 s29, $0x1;
	s26 =	sadd.s32 $0xEA00, s10;
	[dreg:$0x10] =	wrdreg s24  }
0x14: {  	s28 =	sadd.s32 $0xFC00, s10;
	s29 =	sadd.s32 $0x10E00, s10;
	[dreg:$0x11] =	wrdreg s25  }
0x15: {  	s30 =	sadd.s32 $0x12000, s10;
	s31 =	sadd.s32 $0x13200, s10;
	[dreg:$0x12] =	wrdreg s26  }
0x16: {  	s0 =	sadd.s32 s9, s0;
	s23 =	smul.u32 $0x9C400, s4;
	[dreg:$0x13] =	wrdreg s28  }
0x17: {  	[dreg:$0x14] =	wrdreg s29;
	s4 =	sadd.s32 $0x15600, s10;
	s9 =	smul.u32 $0x4E20, s13  }
0x18: {  	s12 =	simm.s32 $0x3;
	s13 =	simm.s32 $0x50;
	s14 =	simm.s32 $0x28  }
0x19: {  	s15 =	simm.s32 $0x78;
	s16 =	simm.s32 $0x1478;
	s17 =	simm.s32 $0x1  }
0x1a: {  	s18 =	simm.s32 $0x2;
	s19 =	simm.s32 $0x3C78;
	s20 =	simm.s32 $0x64F8  }
0x1b: {  	s21 =	simm.s32 $0x0;
	s25 =	sadd.s32 $0x1A00, s0;
	s0 =	sadd.s32 $0x14400, s10  }
.LBB2_1:
0x1c: {  	s22 =	rddreg [dreg:$0x4]  }
0x1d: {  	[tilespmem:s11], [sflag:$0x3] =	stream.linear.gather [hbm4b:s22+s3], $0x1200, $0x38;
	[tilespmem:$0x1CD88] =	vst v63  }
0x1e: {  	_ =	swait.ge [sflag:s12], $0x1200  }
0x1f: {  	[sflag:s12] =	ssyncset.done $0x0  }
0x20: {  	[sflag:s12] =	ssyncadd.s32 $0xFFFFEE00  }
0x21: {  	[spmem:s10] =	stream.linear.scatter [tilespmem:s11], [sflag:$0x3], $0x1200, $0x38;
	[tilespmem:$0x1CD88] =	vst v63  }
0x22: {  	_ =	swait.ge [sflag:s12], $0x1200  }
0x23: {  	[sflag:s12] =	ssyncset.done $0x0  }
0x24: {  	s26 =	rddreg [dreg:$0x5];
	[sflag:s12] =	ssyncadd.s32 $0xFFFFEE00  }
0x25: {  	[spmem:s26] =	stream.linear.scatter [tilespmem:s11], [sflag:$0x3], $0x1200, $0x38;
	[tilespmem:$0x1CD88] =	vst v63  }
0x26: {  	_ =	swait.ge [sflag:s12], $0x1200  }
0x27: {  	[sflag:s12] =	ssyncset.done $0x0  }
0x28: {  	s28 =	rddreg [dreg:$0x6];
	[sflag:s12] =	ssyncadd.s32 $0xFFFFEE00  }
0x29: {  	[spmem:s28] =	stream.linear.scatter [tilespmem:s11], [sflag:$0x3], $0x1200, $0x38;
	[tilespmem:$0x1CD88] =	vst v63  }
0x2a: {  	_ =	swait.ge [sflag:s12], $0x1200  }
0x2b: {  	[sflag:s12] =	ssyncset.done $0x0  }
0x2c: {  	s29 =	rddreg [dreg:$0x7];
	[sflag:s12] =	ssyncadd.s32 $0xFFFFEE00  }
0x2d: {  	[spmem:s29] =	stream.linear.scatter [tilespmem:s11], [sflag:$0x3], $0x1200, $0x38;
	[tilespmem:$0x1CD88] =	vst v63  }
0x2e: {  	_ =	swait.ge [sflag:s12], $0x1200  }
0x2f: {  	[sflag:s12] =	ssyncset.done $0x0  }
0x30: {  	s24 =	rddreg [dreg:$0x8];
	[sflag:s12] =	ssyncadd.s32 $0xFFFFEE00  }
0x31: {  	[spmem:s24] =	stream.linear.scatter [tilespmem:s11], [sflag:$0x3], $0x1200, $0x38;
	[tilespmem:$0x1CD88] =	vst v63  }
0x32: {  	_ =	swait.ge [sflag:s12], $0x1200  }
0x33: {  	[sflag:s12] =	ssyncset.done $0x0  }
0x34: {  	s26 =	rddreg [dreg:$0x9];
	[sflag:s12] =	ssyncadd.s32 $0xFFFFEE00  }
0x35: {  	[spmem:s26] =	stream.linear.scatter [tilespmem:s11], [sflag:$0x3], $0x1200, $0x38;
	[tilespmem:$0x1CD88] =	vst v63  }
0x36: {  	_ =	swait.ge [sflag:s12], $0x1200  }
0x37: {  	[sflag:s12] =	ssyncset.done $0x0  }
0x38: {  	s28 =	rddreg [dreg:$0xa];
	[sflag:s12] =	ssyncadd.s32 $0xFFFFEE00  }
0x39: {  	[spmem:s28] =	stream.linear.scatter [tilespmem:s11], [sflag:$0x3], $0x1200, $0x38;
	[tilespmem:$0x1CD88] =	vst v63  }
0x3a: {  	_ =	swait.ge [sflag:s12], $0x1200  }
0x3b: {  	[sflag:s12] =	ssyncset.done $0x0  }
0x3c: {  	s29 =	rddreg [dreg:$0xb];
	[sflag:s12] =	ssyncadd.s32 $0xFFFFEE00  }
0x3d: {  	[spmem:s29] =	stream.linear.scatter [tilespmem:s11], [sflag:$0x3], $0x1200, $0x38;
	[tilespmem:$0x1CD88] =	vst v63  }
0x3e: {  	_ =	swait.ge [sflag:s12], $0x1200  }
0x3f: {  	[sflag:s12] =	ssyncset.done $0x0  }
0x40: {  	s24 =	rddreg [dreg:$0xc];
	[sflag:s12] =	ssyncadd.s32 $0xFFFFEE00  }
0x41: {  	[spmem:s24] =	stream.linear.scatter [tilespmem:s11], [sflag:$0x3], $0x1200, $0x38;
	[tilespmem:$0x1CD88] =	vst v63  }
0x42: {  	_ =	swait.ge [sflag:s12], $0x1200  }
0x43: {  	[sflag:s12] =	ssyncset.done $0x0  }
0x44: {  	s26 =	rddreg [dreg:$0xd];
	[sflag:s12] =	ssyncadd.s32 $0xFFFFEE00  }
0x45: {  	[spmem:s26] =	stream.linear.scatter [tilespmem:s11], [sflag:$0x3], $0x1200, $0x38;
	[tilespmem:$0x1CD88] =	vst v63  }
0x46: {  	_ =	swait.ge [sflag:s12], $0x1200  }
0x47: {  	[sflag:s12] =	ssyncset.done $0x0  }
0x48: {  	s28 =	rddreg [dreg:$0xe];
	[sflag:s12] =	ssyncadd.s32 $0xFFFFEE00  }
0x49: {  	[spmem:s28] =	stream.linear.scatter [tilespmem:s11], [sflag:$0x3], $0x1200, $0x38;
	[tilespmem:$0x1CD88] =	vst v63  }
0x4a: {  	_ =	swait.ge [sflag:s12], $0x1200  }
0x4b: {  	[sflag:s12] =	ssyncset.done $0x0  }
0x4c: {  	s29 =	rddreg [dreg:$0xf];
	[sflag:s12] =	ssyncadd.s32 $0xFFFFEE00  }
0x4d: {  	[spmem:s29] =	stream.linear.scatter [tilespmem:s11], [sflag:$0x3], $0x1200, $0x38;
	[tilespmem:$0x1CD88] =	vst v63  }
0x4e: {  	_ =	swait.ge [sflag:s12], $0x1200  }
0x4f: {  	[sflag:s12] =	ssyncset.done $0x0  }
0x50: {  	s24 =	rddreg [dreg:$0x10];
	[sflag:s12] =	ssyncadd.s32 $0xFFFFEE00  }
0x51: {  	[spmem:s24] =	stream.linear.scatter [tilespmem:s11], [sflag:$0x3], $0x1200, $0x38;
	[tilespmem:$0x1CD88] =	vst v63  }
0x52: {  	_ =	swait.ge [sflag:s12], $0x1200  }
0x53: {  	[sflag:s12] =	ssyncset.done $0x0  }
0x54: {  	s26 =	rddreg [dreg:$0x12];
	[sflag:s12] =	ssyncadd.s32 $0xFFFFEE00  }
0x55: {  	[spmem:s26] =	stream.linear.scatter [tilespmem:s11], [sflag:$0x3], $0x1200, $0x38;
	[tilespmem:$0x1CD88] =	vst v63  }
0x56: {  	_ =	swait.ge [sflag:s12], $0x1200  }
0x57: {  	[sflag:s12] =	ssyncset.done $0x0  }
0x58: {  	s28 =	rddreg [dreg:$0x13];
	[sflag:s12] =	ssyncadd.s32 $0xFFFFEE00  }
0x59: {  	[spmem:s28] =	stream.linear.scatter [tilespmem:s11], [sflag:$0x3], $0x1200, $0x38;
	[tilespmem:$0x1CD88] =	vst v63  }
0x5a: {  	_ =	swait.ge [sflag:s12], $0x1200  }
0x5b: {  	[sflag:s12] =	ssyncset.done $0x0  }
0x5c: {  	s29 =	rddreg [dreg:$0x14];
	[sflag:s12] =	ssyncadd.s32 $0xFFFFEE00  }
0x5d: {  	[spmem:s29] =	stream.linear.scatter [tilespmem:s11], [sflag:$0x3], $0x1200, $0x38;
	[tilespmem:$0x1CD88] =	vst v63  }
0x5e: {  	_ =	swait.ge [sflag:s12], $0x1200  }
0x5f: {  	[sflag:s12] =	ssyncset.done $0x0  }
0x60: {  	[sflag:s12] =	ssyncadd.s32 $0xFFFFEE00  }
0x61: {  	[spmem:s30] =	stream.linear.scatter [tilespmem:s11], [sflag:$0x3], $0x1200, $0x38;
	[tilespmem:$0x1CD88] =	vst v63  }
0x62: {  	_ =	swait.ge [sflag:s12], $0x1200  }
0x63: {  	[sflag:s12] =	ssyncset.done $0x0  }
0x64: {  	[sflag:s12] =	ssyncadd.s32 $0xFFFFEE00  }
0x65: {  	[spmem:s31] =	stream.linear.scatter [tilespmem:s11], [sflag:$0x3], $0x1200, $0x38;
	[tilespmem:$0x1CD88] =	vst v63  }
0x66: {  	_ =	swait.ge [sflag:s12], $0x1200  }
0x67: {  	[sflag:s12] =	ssyncset.done $0x0  }
0x68: {  	[sflag:s12] =	ssyncadd.s32 $0xFFFFEE00  }
0x69: {  	[spmem:s0] =	stream.linear.scatter [tilespmem:s11], [sflag:$0x3], $0x1200, $0x38;
	[tilespmem:$0x1CD88] =	vst v63  }
0x6a: {  	_ =	swait.ge [sflag:s12], $0x1200  }
0x6b: {  	[sflag:s12] =	ssyncset.done $0x0  }
0x6c: {  	[sflag:s12] =	ssyncadd.s32 $0xFFFFEE00  }
0x6d: {  	[spmem:s4] =	stream.linear.scatter [tilespmem:s11], [sflag:$0x3], $0x1200, $0x38;
	[tilespmem:$0x1CD88] =	vst v63  }
0x6e: {  	_ =	swait.ge [sflag:s12], $0x1200  }
0x6f: {  	[sflag:s12] =	ssyncset.done $0x0  }
0x70: {  	[sflag:s12] =	ssyncadd.s32 $0xFFFFEE00  }
0x71: {  	s22 =	simm.s32 $0x0;
	[bflag:$0x0] =	sbarrier.arrive $0xFFFF  }
.LBB2_2:
0x72: {  	s24 =	smul.u32 $0x28, s22;
	_ =	sdelay $0x1  }
0x73: {  	s24 =	sadd.s32 s9, s24  }
0x74: {  	s26 =	sadd.s32 s23, s24  }
0x75: {  	s26 =	sshrl.u32 s26, $0x3  }
0x76: {  	s29 =	simm.s32 $0x0;
	s28 =	sadd.s32 s6, s26  }
0x77: {  	[tilespmem:s13], [sflag:$0x3] =	stream.linear.gather [hbm4b:s28+s29], $0x28, $0x38;
	[tilespmem:$0x1CD88] =	vst v63  }
0x78: {  	_ =	swait.ge [sflag:s12], $0x28  }
0x79: {  	[sflag:s12] =	ssyncset.done $0x0  }
0x7a: {  	s26 =	sadd.s32 s1, s26;
	[sflag:s12] =	ssyncadd.s32 $0xFFFFFFD8  }
0x7b: {  	[tilespmem:s29], [sflag:$0x3] =	stream.linear.gather [hbm4b:s26+s29], $0x28, $0x38;
	[tilespmem:$0x1CD88] =	vst v63  }
0x7c: {  	_ =	swait.ge [sflag:s12], $0x28  }
0x7d: {  	s24 =	sshrl.u32 s24, $0x3;
	[sflag:s12] =	ssyncset.done $0x0  }
0x7e: {  	s24 =	sadd.s32 s8, s24;
	[sflag:s12] =	ssyncadd.s32 $0xFFFFFFD8  }
0x7f: {  	[tilespmem:s14], [sflag:$0x3] =	stream.linear.gather [hbm4b:s24+s29], $0x28, $0x38;
	[tilespmem:$0x1CD88] =	vst v63  }
0x80: {  	_ =	swait.ge [sflag:s12], $0x28  }
0x81: {  	[sflag:s12] =	ssyncset.done $0x0  }
0x82: {  	[sflag:s12] =	ssyncadd.s32 $0xFFFFFFD8  }
0x83: {  	[tilespmem:s15], [sflag:$0x1] =	stream.indirect.gather [hbm4b:s5+s14], $0x80, s13, s14, $0xb8;
	[tilespmem:$0x1CD88] =	vst v63  }
0x84: {  	_ = 	snop  }
0x85: {  	[tilespmem:s16], [sflag:$0x2] =	stream.indirect.gather [hbm4b:s7+s14], $0x100, s29, s14, $0xb8;
	[tilespmem:$0x1CD88] =	vst v63  }
0x86: {  	_ =	swait.ge [sflag:s17], $0x1400  }
0x87: {  	[sflag:s17] =	ssyncset.done $0x0  }
0x88: {  	[sflag:s17] =	ssyncadd.s32 $0xFFFFEC00  }
0x89: {  	_ =	swait.ge [sflag:s18], $0x2800  }
0x8a: {  	[sflag:s18] =	ssyncset.done $0x0  }
0x8b: {  	s26 =	simm.s32 $0x14F8;
	[sflag:s18] =	ssyncadd.s32 $0xFFFFD800  }
0x8c: {  	s24 =	simm.s32 $0x0;
	v0 =	vld [tilespmem:s26+$0xFFFFFF80]  }
0x8d: {  	v1 =	vld [tilespmem:s24+$0x78]  }
0x8e: {  	v2 =	vld [tilespmem:s24+$0x88]  }
0x8f: {  	v3 =	vld [tilespmem:s26+$0xFFFFFF90]  }
0x90: {  	v4 =	vld [tilespmem:s24+$0x98]  }
0x91: {  	v5 =	vld [tilespmem:s26+$0xFFFFFFA0]  }
0x92: {  	v6 =	vld [tilespmem:s26+$0xFFFFFFB0]  }
0x93: {  	v7 =	vld [tilespmem:s24+$0xA8]  }
0x94: {  	v8 =	vld [tilespmem:s26+$0xFFFFFFC0];
	v0 =	vmul.f32 v0, v1;
	v1 =	vmul.f32 v3, v2  }
0x95: {  	v2 =	vld [tilespmem:s24+$0xB8]  }
0x96: {  	v3 =	vld [tilespmem:s26+$0xFFFFFFD0];
	v0 =	vadd.f32 v1, v0;
	v1 =	vmul.f32 v5, v4  }
0x97: {  	v4 =	vld [tilespmem:s24+$0xC8]  }
0x98: {  	v62 =	vld [tilespmem:s24+$0xD8];
	v0 =	vadd.f32 v1, v0;
	v1 =	vmul.f32 v6, v7  }
0x99: {  	v5 =	vld [tilespmem:s26+$0xFFFFFFE0]  }
0x9a: {  	v63 =	vld [tilespmem:s26+$0xFFFFFFF0];
	v0 =	vadd.f32 v1, v0;
	v1 =	vmul.f32 v8, v2  }
0x9b: {  	v2 =	vld [tilespmem:s24+$0xE8]  }
0x9c: {  	v0 =	vadd.f32 v1, v0;
	v1 =	vmul.f32 v3, v4;
	_ =	sdelay $0x1  }
0x9d: {  	v0 =	vadd.f32 v1, v0;
	v1 =	vmul.f32 v5, v62;
	_ =	sdelay $0x1  }
0x9e: {  	v0 =	vadd.f32 v1, v0;
	v1 =	vmul.f32 v63, v2;
	_ =	sdelay $0x1  }
0x9f: {  	v0 =	vadd.f32 v1, v0;
	_ =	sdelay $0x1  }
0xa0: {  	v0 =	vmul.f32 $8.838834610e-02, v0;
	_ =	sdelay $0x1  }
0xa1: {  	(xrf2) =	vadd.scan.msk.f32 $0xffff, v0;
	_ =	sdelay $0x9  }
0xa2: {  	v0, _, _ =	vpop (xrf2)  }
0xa3: {  	v0 =	vmul.f32 $1.442695020e+00, v0;
	_ =	sdelay $0x1  }
0xa4: {  	v0 =	vbroadcast v0, $0xF;
	_ =	sdelay $0x1  }
0xa5: {  	(erf) = vpow2.f32 v0;
	_ =	sdelay $0x4  }
0xa6: {  	v0 =	vld [tilespmem:s26+$0x0];
	_ =	sdelay $0x3  }
0xa7: {  	v1 =	vpop (erf)  }
0xa8: {  	v0 =	vmul.f32 v1, v0  }
0xa9: {  	s24 =	simm.s32 $0x3CB8  }
0xaa: {  	[tilespmem:s24+$0xFFFFFFC0] =	vst v0  }
0xab: {  	v0 =	vld [tilespmem:s26+$0x10];
	_ =	sdelay $0x4  }
0xac: {  	v0 =	vmul.f32 v1, v0;
	_ =	sdelay $0x1  }
0xad: {  	[tilespmem:s24+$0xFFFFFFD0] =	vst v0  }
0xae: {  	v0 =	vld [tilespmem:s26+$0x20];
	_ =	sdelay $0x4  }
0xaf: {  	v0 =	vmul.f32 v1, v0;
	_ =	sdelay $0x1  }
0xb0: {  	[tilespmem:s24+$0xFFFFFFE0] =	vst v0  }
0xb1: {  	v0 =	vld [tilespmem:s26+$0x30];
	_ =	sdelay $0x4  }
0xb2: {  	v0 =	vmul.f32 v1, v0;
	_ =	sdelay $0x1  }
0xb3: {  	[tilespmem:s24+$0xFFFFFFF0] =	vst v0  }
0xb4: {  	v0 =	vld [tilespmem:s26+$0x40];
	_ =	sdelay $0x4  }
0xb5: {  	v0 =	vmul.f32 v0, v1;
	_ =	sdelay $0x1  }
0xb6: {  	[tilespmem:s24+$0x0] =	vst v0  }
0xb7: {  	v0 =	vld [tilespmem:s26+$0x50];
	_ =	sdelay $0x4  }
0xb8: {  	v0 =	vmul.f32 v0, v1;
	_ =	sdelay $0x1  }
0xb9: {  	[tilespmem:s24+$0x10] =	vst v0  }
0xba: {  	v0 =	vld [tilespmem:s26+$0x60];
	_ =	sdelay $0x4  }
0xbb: {  	v0 =	vmul.f32 v0, v1;
	_ =	sdelay $0x1  }
0xbc: {  	[tilespmem:s24+$0x20] =	vst v0  }
0xbd: {  	v0 =	vld [tilespmem:s26+$0x70];
	_ =	sdelay $0x4  }
0xbe: {  	v0 =	vmul.f32 v0, v1  }
0xbf: {  	[tilespmem:s24+$0x40] =	vst v1  }
0xc0: {  	s26 =	simm.s32 $0x15F8;
	[tilespmem:s24+$0x30] =	vst v0  }
0xc1: {  	v0 =	vld [tilespmem:s26+$0xFFFFFFB0]  }
0xc2: {  	s29 =	simm.s32 $0x80;
	v1 =	vld [tilespmem:s26+$0xFFFFFF80]  }
0xc3: {  	v2 =	vld [tilespmem:s29+$0x78]  }
0xc4: {  	s28 =	simm.s32 $0x400;
	v3 =	vld [tilespmem:s29+$0x88]  }
.LBB2_3:
0xc5: {  	p0 =	sne.s32 s28, $0x4E00;
	v4 =	vld [tilespmem:s26+$0xFFFFFF90]  }
0xc6: {  	v5 =	vld [tilespmem:s29+$0x98]  }
0xc7: {  	v6 =	vld [tilespmem:s26+$0xFFFFFFA0]  }
0xc8: {  	v7 =	vld [tilespmem:s29+$0xA8]  }
0xc9: {  	v8 =	vld [tilespmem:s26+$0xFFFFFFC0]  }
0xca: {  	v1 =	vmul.f32 v1, v2;
	v2 =	vmul.f32 v4, v3;
	v3 =	vld [tilespmem:s29+$0xB8]  }
0xcb: {  	v4 =	vld [tilespmem:s26+$0xFFFFFFD0]  }
0xcc: {  	v1 =	vadd.f32 v2, v1;
	v2 =	vmul.f32 v6, v5;
	v5 =	vld [tilespmem:s29+$0xC8]  }
0xcd: {  	v6 =	vld [tilespmem:s26+$0xFFFFFFE0]  }
0xce: {  	v0 =	vmul.f32 v0, v7;
	v1 =	vadd.f32 v2, v1;
	v2 =	vld [tilespmem:s29+$0xD8]  }
0xcf: {  	v7 =	vld [tilespmem:s26+$0x0]  }
0xd0: {  	v0 =	vadd.f32 v0, v1;
	v1 =	vmul.f32 v8, v3;
	v3 =	vld [tilespmem:s29+$0xE8]  }
0xd1: {  	v8 =	vld [tilespmem:s26+$0xFFFFFFF0]  }
0xd2: {  	v0 =	vadd.f32 v1, v0;
	v1 =	vmul.f32 v4, v5;
	_ =	sdelay $0x1  }
0xd3: {  	v0 =	vadd.f32 v1, v0;
	v1 =	vmul.f32 v6, v2;
	_ =	sdelay $0x1  }
0xd4: {  	v0 =	vadd.f32 v1, v0;
	v1 =	vmul.f32 v8, v3;
	_ =	sdelay $0x1  }
0xd5: {  	v0 =	vadd.f32 v1, v0;
	_ =	sdelay $0x1  }
0xd6: {  	v0 =	vmul.f32 $8.838834610e-02, v0;
	_ =	sdelay $0x1  }
0xd7: {  	(xrf2) =	vadd.scan.msk.f32 $0xffff, v0;
	_ =	sdelay $0x9  }
0xd8: {  	v0, _, _ =	vpop (xrf2)  }
0xd9: {  	v0 =	vmul.f32 $1.442695020e+00, v0;
	_ =	sdelay $0x1  }
0xda: {  	v0 =	vbroadcast v0, $0xF;
	_ =	sdelay $0x1  }
0xdb: {  	(erf) = vpow2.f32 v0;
	_ =	sdelay $0x8  }
0xdc: {  	v0 =	vpop (erf)  }
0xdd: {  	v1 =	vmul.f32 v0, v7  }
0xde: {  	s24 =	sadd.s32 $0x90, s24  }
0xdf: {  	[tilespmem:s24+$0xFFFFFFC0] =	vst v1  }
0xe0: {  	v1 =	vld [tilespmem:s26+$0x10];
	_ =	sdelay $0x4  }
0xe1: {  	v1 =	vmul.f32 v0, v1;
	_ =	sdelay $0x1  }
0xe2: {  	[tilespmem:s24+$0xFFFFFFD0] =	vst v1  }
0xe3: {  	v1 =	vld [tilespmem:s26+$0x20];
	_ =	sdelay $0x4  }
0xe4: {  	v1 =	vmul.f32 v0, v1;
	_ =	sdelay $0x1  }
0xe5: {  	[tilespmem:s24+$0xFFFFFFE0] =	vst v1  }
0xe6: {  	v1 =	vld [tilespmem:s26+$0x30];
	_ =	sdelay $0x4  }
0xe7: {  	v1 =	vmul.f32 v0, v1;
	_ =	sdelay $0x1  }
0xe8: {  	[tilespmem:s24+$0xFFFFFFF0] =	vst v1  }
0xe9: {  	v1 =	vld [tilespmem:s26+$0x40];
	_ =	sdelay $0x4  }
0xea: {  	v1 =	vmul.f32 v1, v0;
	_ =	sdelay $0x1  }
0xeb: {  	[tilespmem:s24+$0x0] =	vst v1  }
0xec: {  	v1 =	vld [tilespmem:s26+$0x50];
	_ =	sdelay $0x4  }
0xed: {  	v1 =	vmul.f32 v1, v0;
	_ =	sdelay $0x1  }
0xee: {  	[tilespmem:s24+$0x10] =	vst v1  }
0xef: {  	v1 =	vld [tilespmem:s26+$0x60];
	_ =	sdelay $0x4  }
0xf0: {  	v1 =	vmul.f32 v1, v0;
	_ =	sdelay $0x1  }
0xf1: {  	[tilespmem:s24+$0x20] =	vst v1  }
0xf2: {  	v1 =	vld [tilespmem:s26+$0x70];
	[tilespmem:s24+$0x40] =	vst v0;
	_ =	sdelay $0x4  }
0xf3: {  	v0 =	vmul.f32 v1, v0;
	_ =	sdelay $0x1  }
.Ltmp0:
0xf4: {  	s26 =	sadd.s32 $0x100, s26;
	[tilespmem:s24+$0x30] =	vst v0;
	(pc) =	sbr.rel @p0 .LBB2_3-.Ltmp0, $4  }
0xf5: {  	v0 =	vld [tilespmem:s26+$0xFFFFFFB0]  }
0xf6: {  	s29 =	sshra.s32 s28, $0x2;
	v1 =	vld [tilespmem:s26+$0xFFFFFF80]  }
0xf7: {  	v2 =	vld [tilespmem:s29+$0x78]  }
0xf8: {  	s28 =	sadd.s32 $0x200, s28;
	v3 =	vld [tilespmem:s29+$0x88]  }
0xf9: {  	v4 =	vld [tilespmem:s26+$0xFFFFFF90]  }
0xfa: {  	v5 =	vld [tilespmem:s29+$0x98]  }
0xfb: {  	v6 =	vld [tilespmem:s26+$0xFFFFFFA0];
	_ =	sdelay $0x1  }
0xfc: {  	v7 =	vld [tilespmem:s29+$0xA8]  }
0xfd: {  	v8 =	vld [tilespmem:s26+$0xFFFFFFC0];
	v1 =	vmul.f32 v1, v2;
	v49 =	vmul.f32 v4, v3  }
0xfe: {  	v50 =	vld [tilespmem:s29+$0xB8]  }
0xff: {  	v51 =	vld [tilespmem:s26+$0xFFFFFFD0];
	v52 =	vmul.f32 v6, v5;
	v1 =	vadd.f32 v49, v1  }
0x100: {  	v53 =	vld [tilespmem:s29+$0xC8]  }
0x101: {  	v54 =	vld [tilespmem:s26+$0xFFFFFFE0];
	v0 =	vmul.f32 v0, v7;
	v1 =	vadd.f32 v52, v1  }
0x102: {  	v55 =	vld [tilespmem:s29+$0xD8]  }
0x103: {  	v57 =	vld [tilespmem:s29+$0xE8];
	v56 =	vmul.f32 v8, v50;
	v0 =	vadd.f32 v0, v1  }
0x104: {  	v58 =	vld [tilespmem:s26+$0xFFFFFFF0]  }
0x105: {  	v59 =	vmul.f32 v51, v53;
	v0 =	vadd.f32 v56, v0;
	_ =	sdelay $0x1  }
0x106: {  	v60 =	vmul.f32 v54, v55;
	v0 =	vadd.f32 v59, v0;
	_ =	sdelay $0x1  }
0x107: {  	v61 =	vmul.f32 v58, v57;
	v0 =	vadd.f32 v60, v0;
	_ =	sdelay $0x1  }
0x108: {  	v0 =	vadd.f32 v61, v0;
	_ =	sdelay $0x1  }
0x109: {  	v0 =	vmul.f32 $8.838834610e-02, v0;
	_ =	sdelay $0x1  }
0x10a: {  	(xrf2) =	vadd.scan.msk.f32 $0xffff, v0;
	_ =	sdelay $0x9  }
0x10b: {  	v0, _, _ =	vpop (xrf2)  }
0x10c: {  	v0 =	vmul.f32 $1.442695020e+00, v0;
	_ =	sdelay $0x1  }
0x10d: {  	v0 =	vbroadcast v0, $0xF;
	_ =	sdelay $0x1  }
0x10e: {  	(erf) = vpow2.f32 v0;
	_ =	sdelay $0x4  }
0x10f: {  	v62 =	vld [tilespmem:s26+$0x0];
	_ =	sdelay $0x3  }
0x110: {  	v63 =	vpop (erf)  }
0x111: {  	v0 =	vmul.f32 v63, v62  }
0x112: {  	s24 =	sadd.s32 $0x90, s24  }
0x113: {  	[tilespmem:s24+$0xFFFFFFC0] =	vst v0  }
0x114: {  	v0 =	vld [tilespmem:s26+$0x10];
	_ =	sdelay $0x4  }
0x115: {  	v0 =	vmul.f32 v63, v0;
	_ =	sdelay $0x1  }
0x116: {  	[tilespmem:s24+$0xFFFFFFD0] =	vst v0  }
0x117: {  	v0 =	vld [tilespmem:s26+$0x20];
	_ =	sdelay $0x4  }
0x118: {  	v0 =	vmul.f32 v63, v0;
	_ =	sdelay $0x1  }
0x119: {  	[tilespmem:s24+$0xFFFFFFE0] =	vst v0  }
0x11a: {  	v0 =	vld [tilespmem:s26+$0x30];
	_ =	sdelay $0x4  }
0x11b: {  	v0 =	vmul.f32 v63, v0;
	_ =	sdelay $0x1  }
0x11c: {  	[tilespmem:s24+$0xFFFFFFF0] =	vst v0  }
0x11d: {  	v0 =	vld [tilespmem:s26+$0x40];
	_ =	sdelay $0x4  }
0x11e: {  	v0 =	vmul.f32 v0, v63;
	_ =	sdelay $0x1  }
0x11f: {  	[tilespmem:s24+$0x0] =	vst v0  }
0x120: {  	v0 =	vld [tilespmem:s26+$0x50];
	_ =	sdelay $0x4  }
0x121: {  	v0 =	vmul.f32 v0, v63;
	_ =	sdelay $0x1  }
0x122: {  	[tilespmem:s24+$0x10] =	vst v0  }
0x123: {  	v0 =	vld [tilespmem:s26+$0x60];
	_ =	sdelay $0x4  }
0x124: {  	v0 =	vmul.f32 v0, v63;
	_ =	sdelay $0x1  }
0x125: {  	[tilespmem:s24+$0x20] =	vst v0  }
0x126: {  	v0 =	vld [tilespmem:s26+$0x70];
	_ =	sdelay $0x4  }
0x127: {  	s22 =	sadd.s32 $0x1, s22;
	v0 =	vmul.f32 v0, v63  }
0x128: {  	p0 =	sne.s32 s22, $0x1F4;
	[tilespmem:s24+$0x40] =	vst v63  }
.Ltmp1:
0x129: {  	[tilespmem:s24+$0x30] =	vst v0;
	(pc) =	sbr.rel @p0 .LBB2_2-.Ltmp1, $4  }
0x12a: {  	[spmem:s2] =	stream.indirect.scatter.add.f32 [tilespmem:s19], [sflag:$0x3], $0x90, s14, s14, $0xb8;
	[tilespmem:$0x1CD88] =	vst v63  }
0x12b: {  	_ =	swait.ge [sflag:s12], $0x1680  }
0x12c: {  	[sflag:s12] =	ssyncset.done $0x0  }
0x12d: {  	[sflag:s12] =	ssyncadd.s32 $0xFFFFE980  }
0x12e: {  	[bflag:$0x0] =	sbarrier.arrive $0xFFFF  }
0x12f: {  	[tilespmem:s20], [sflag:$0x3] =	stream.linear.gather [spmem:s10], $0x90, $0x38;
	[tilespmem:$0x1CD88] =	vst v63  }
0x130: {  	_ =	swait.ge [sflag:s12], $0x90  }
0x131: {  	[sflag:s12] =	ssyncset.done $0x0  }
0x132: {  	s22 =	sadd.s32 $0x0, s25;
	[sflag:s12] =	ssyncadd.s32 $0xFFFFFF70  }
0x133: {  	[hbm4b:s22+s3] =	stream.linear.scatter [tilespmem:s20], [sflag:$0x3], $0x90, $0x38;
	[tilespmem:$0x1CD88] =	vst v63  }
0x134: {  	_ =	swait.ge [sflag:s12], $0x90  }
0x135: {  	s24 =	smov.u32 s10;
	s22 =	simm.s32 $0x12;
	[sflag:s12] =	ssyncset.done $0x0  }
.LBB2_6:
0x136: {  	p0 =	sne.s32 s22, $0x2CEE;
	[sflag:s12] =	ssyncadd.s32 $0xFFFFFF70;
	s24 =	sadd.s32 $0x90, s24  }
0x137: {  	[tilespmem:s20], [sflag:$0x3] =	stream.linear.gather [spmem:s24], $0x90, $0x38;
	[tilespmem:$0x1CD88] =	vst v63  }
0x138: {  	s26 =	smov.u32 s22;
	s22 =	sadd.s32 $0x12, s22;
	_ =	swait.ge [sflag:s12], $0x90  }
.Ltmp2:
0x139: {  	[sflag:s12] =	ssyncset.done $0x0;
	(pc) =	sbr.rel @p0 .LBB2_6-.Ltmp2, $4  }
0x13a: {  	s26 =	sadd.s32 s26, s25;
	[sflag:s12] =	ssyncadd.s32 $0xFFFFFF70  }
0x13b: {  	[hbm4b:s26+s3] =	stream.linear.scatter [tilespmem:s20], [sflag:$0x3], $0x90, $0x38;
	[tilespmem:$0x1CD88] =	vst v63  }
0x13c: {  	_ =	swait.ge [sflag:s12], $0x90  }
0x13d: {  	[sflag:s12] =	ssyncset.done $0x0  }
0x13e: {  	s21 =	sadd.s32 $0x1, s21;
	s22 =	rddreg [dreg:$0x11]  }
0x13f: {  	p0 =	sne.s32 s21, s22  }
.Ltmp3:
0x140: {  	_ = 	snop;
	(pc) =	sbr.rel @p0 .LBB2_1-.Ltmp3, $3  }
0x141: {  	_ = 	snop  }
0x142: {  	[sflag:s12] =	ssyncadd.s32 $0xFFFFFF70  }
0x143: {  	[bflag:$0x0] =	sbarrier.arrive $0xFFFF;
	_ =	sdelay $0x1  }
0x144: {  	_ =	sfence.sel $0x180000  }
0x145: {  	[bflag:$0x0] =	sbarrier.arrive $0xFFFF  }
0x146: {  	_ =	strace $0x9000004A  }
0x147: {  	s0 =	stileid.u32;
	[bflag:$0x2] =	sbarrier.arrive $0xFFFF  }
0x148: {  	p0 =	sne.s32 s0, $0x0;
	s0 =	rddreg [dreg:$0x3]  }
0x149: {  	s0 =	sadd.s32 @!p0 $0x100000, s0  }
0x14a: {  	[sflag:s0] =	ssyncadd.tile.s32 @!p0 $0x1;
	_ =	shalt  }
.Lfunc_end2:
_tile_overlayer_lowered:
.L_overlay_start_2:
0x14b: {  	(tag) =	ssettag $0x2  }
0x14c: {  	s0 =	rddreg [dreg:$0x0];
	s2 =	stileid.u32  }
0x14d: {  	s1 =	rddreg [dreg:$0x1];
	p0 =	sne.s32 s2, $0x0  }
0x14e: {  	s3 =	rddreg [dreg:$0x2];
	[bflag:$0x3] =	sbarrier.arrive $0xFFFF;
	s2 =	simm.s32 @!p0 $0x1C03  }
0x14f: {  	[timem:s3], [sflag:s2] =	dma.local @!p0 [hbm:s0], s1  }
0x150: {  	s0 =	simm.s32 @!p0 $0x3  }
0x151: {  	_ =	swait.ge @!p0 [sflag:s0], s1  }
0x152: {  	s1 =	ssub.s32 @!p0 $0x0, s1;
	[sflag:s0] =	ssyncset.done @!p0 $0x0  }
0x153: {  	[sflag:s0] =	ssyncadd.s32 @!p0 s1  }
0x154: {  	[bflag:$0x3] =	sbarrier.arrive $0xFFFF  }
0x155: {  	_ =	shalt  }

// kernel: sparse-core-data-format-call.cloned.1.call-start
scs
called_computation_lowered:
.L_overlay_start_0:
0x0: {  	s1 =	sld [smem:$0x3FD9]  }
0x1: {  	s2 =	sld [smem:$0x3FFE];
	_ =	sdelay $0x1  }
0x2: {  	s3 =	srdreg.scid  }
0x3: {  	s0 =	sand.u32 $0x1, s3  }
0x4: {  	s17 =	sshll.u32 s0, $0xA;
	s1 =	sadd.s32 s2, s1  }
0x5: {  	s1 =	sadd.s32 s1, s17  }
0x6: {  	[smem:$0x3FB6] =	sst s1  }
0x7: {  	_ = 	snop  }
0x8: {  	(tm) =	ssettm $0x1  }
0x9: {  	s18 =	sld [smem:$0x3FFB];
	_ =	sdelay $0x3  }
0xa: {  	_ =	strace s18  }
0xb: {  	s1 =	sld [smem:$0x3FFC];
	_ =	sdelay $0x3  }
0xc: {  	_ =	strace s1  }
0xd: {  	s1 =	sld [smem:$0x3FFD];
	_ =	sdelay $0x3  }
0xe: {  	_ =	strace s1  }
0xf: {  	_ =	strace $0x8FFFFFFF  }
0x10: {  	s19 =	sld [smem:$0x3FDB];
	_ =	sdelay $0x1  }
0x11: {  	s20 =	simm.s32 $_scs_section_size  }
0x12: {  	s4 =	simm.s32 $_size__tile_overlayer_lowered;
	s5 =	simm.s32 $_tile_overlayer_lowered  }
0x13: {  	s23 =	simm.s32 $0x1BFF;
	s22 =	sshll.u32 s5, $0x1;
	s1 =	sadd.s32 s20, s19  }
0x14: {  	s6 =	simm.s32 $0x0;
	s21 =	sshll.u32 s4, $0x1;
	s4 =	sadd.s32 s22, s1  }
0x15: {  	[timem:s6], [sflag:s23] =	dma.local [hbm:s4], s21  }
0x16: {  	_ =	swait.ge [sflag:s23], s21  }
0x17: {  	s2 =	ssub.s32 $0x0, s21;
	[sflag:s23] =	ssyncset.done $0x0  }
0x18: {  	[sflag:s23] =	ssyncadd.s32 s2;
	_ =	sdelay $0x1  }
0x19: {  	s24 =	simm.s32 $0x1B8B  }
0x1a: {  	_ =	swait.ge [sflag:s24], $0x1  }
0x1b: {  	[sflag:s24] =	ssyncset.done $0x0  }
0x1c: {  	s26 =	simm.s32 $0x1B8E;
	s25 =	sld [smem:$0x3FFE];
	[sflag:s24] =	ssyncadd.s32 $0xFFFFFFFF  }
0x1d: {  	s27 =	simm.s32 $execute0_lowered;
	[smem:$0x3FD2] =	sst s26  }
0x1e: {  	s4 =	sshll.u32 s27, $0x1;
	_ =	strace $0x80000046;
	[dreg:$0x1] =	wrdreg $0xFFFFFFFF  }
0x1f: {  	s28 =	simm.s32 $_size_execute0_lowered;
	s1 =	sadd.s32 s1, s4;
	[dreg:$0x0] =	wrdreg $0x0  }
0x20: {  	s4 =	sshll.u32 s28, $0x1;
	[dreg:$0x2] =	wrdreg s1  }
0x21: {  	[dreg:$0x3] =	wrdreg s4  }
0x22: {  	[dreg:$0x4] =	wrdreg $0xC0  }
0x23: {  	_ =	task [dreg:s6], $0x5FFFF  }
0x24: {  	[dreg:$0x1] =	wrdreg $0xFFFFFFFF  }
0x25: {  	[dreg:$0x0] =	wrdreg $0x60  }
0x26: {  	[dreg:$0x2] =	wrdreg s25  }
0x27: {  	[dreg:$0x3] =	wrdreg $0x9  }
0x28: {  	_ =	task.clear_ibuf [dreg:s6], $0x4FFFF;
	_ =	strace $0x90000046  }
0x29: {  	s29 =	simm.s32 $0x9;
	_ =	strace $0x80000048  }
0x2a: {  	_ =	swait.ge [sflag:s29], $0x1  }
0x2b: {  	[sflag:s29] =	ssyncadd.s32 $0xFFFFFFFF  }
0x2c: {  	_ =	strace $0x90000048  }
0x2d: {  	_ =	sfence  }
0x2e: {  	s30 =	sld [smem:$0x0];
	_ =	sdelay $0x2  }
0x2f: {  	s31 =	sshll.u32 s3, $0xD;
	s3 =	sshrl.u32 s3, $0x2  }
0x30: {  	s2 =	sand.u32 $0x4000, s31;
	s1 =	sadd.s32 s3, s30  }
0x31: {  	s0 =	sor.u32 s2, s0;
	s1 =	sshll.u32 s1, $0x11  }
0x32: {  	s0 =	sor.u32 s1, s0  }
0x33: {  	s0 =	sadd.s32 $0x8F2B, s0  }
0x34: {  	[sflag:s0] =	ssyncadd.remote.s32 $0x1  }
0x35: {  	_ =	sfence.sel $0xFFFF  }
0x36: {  	[dreg:$0x0] =	wrdreg $0xFFFFFFFF;
	(pc) =	sbr.abs _section_cstart, $3  }
0x37: {  	[dreg:$0x1] =	wrdreg $0xFFFFFFFF  }
0x38: {  	_ =	task.clear_ibuf [dreg:s6], $0x2FFFF;
	_ =	strace $0x9FFFFFFF  }
0x39: {  	(tm) =	ssettm $0x7FFFFFFF  }
tec
execute0_lowered:
.L_overlay_start_1:
0x0: {  	(tag) =	ssettag $0x1  }
0x1: {  	s0 =	srdreg.scid  }
0x2: {  	s1 =	sshll.u32 s0, $0x4  }
0x3: {  	s4 =	rddreg [dreg:$0x0];
	s0 =	stileid.u32;
	s1 =	sand.u32 $0x10, s1  }
0x4: {  	s7 =	simm.s32 $0x1;
	s8 =	simm.s32 $0x2;
	s1 =	sor.u32 s0, s1  }
0x5: {  	s9 =	simm.s32 $0x0;
	s12 =	simm.s32 $0x0;
	s2 =	sshll.u32 s1, $0x3  }
0x6: {  	s11 =	simm.s32 $0x0;
	s3 =	sadd.s32 $0x1600, s4;
	s6 =	ssub.s32 $0x1400, s2  }
.Ltmp0:
0x7: {  	s4 =	sadd.s32 $0x281600, s4;
	s5 =	sand.u32 $0xF8, s6;
	(pc) =	sbr.rel .LBB1_1-.Ltmp0, $4  }
0x8: {  	s1 =	rddreg [dreg:$0x1];
	_ =	strace $0x80000047;
	p0 =	sne.s32 s5, $0x0  }
0x9: {  	s6 =	sshrl.u32 s6, $0x8;
	s5 =	simm.s32 $0x1;
	s7 =	simm.s32 @!p0 $0x0  }
0xa: {  	s10 =	smov.u32 s2;
	[sflag:s5] =	ssyncpa.u1 $0x0;
	s6 =	sadd.s32 s7, s6  }
0xb: {  	[sflag:s8] =	ssyncpa.u1 $0x0;
	s8 =	simm.s32 $0x0;
	s7 =	sadd.s32 $0x1, s6  }
.LBB1_9:
0xc: {  	s14 =	sadd.s32 $0x100, s10  }
0xd: {  	p1 =	sgt.s32 s14, $0x13FF  }
0xe: {  	s14 =	smov.u32 @p1 s2;
	p1 =	sne.s32 s11, s7  }
.Ltmp1:
0xf: {  	p0 =	slt.u32 s11, $0x2;
	(pc) =	sbr.rel @!p1 .LBB1_10-.Ltmp1, $4  }
0x10: {  	s13 =	simm.s32 @!p0 $0x2  }
0x11: {  	s15 =	sadd.s32 $0x1, s11;
	_ =	swait.ge @!p0 [sflag:s13], $0x4000  }
0x12: {  	s12 =	smov.u32 s10;
	s9 =	sadd.s32 $0x4000, s9;
	[sflag:s13] =	ssyncset.done @!p0 $0x0  }
0x13: {  	s11 =	smov.u32 s15;
	s10 =	smov.u32 s14;
	[sflag:s13] =	ssyncadd.s32 @!p0 $0xFFFFC000  }
.LBB1_1:
0x14: {  	p0 =	sge.u32 s11, s6  }
0x15: {  	s13 =	sxor.u32 @!p0 $0xFFFFFFFF, s11  }
0x16: {  	s31 =	sadd.s32 $0xFFFFFFFF, s11;
	s14 =	sshll.u32 @!p0 s10, $0x8;
	s13 =	sshll.u32 @!p0 s13, $0xE  }
0x17: {  	s15 =	simm.s32 @!p0 $0x0;
	s14 =	sadd.s32 @!p0 s3, s14;
	s13 =	sand.u32 @!p0 $0x4000, s13  }
0x18: {  	[tilespmem:s13], [sflag:$0x1] =	stream.linear.gather @!p0 [hbm4b:s14+s15], $0x4000, $0x38;
	[tilespmem:$0x10000] =	vst v63  }
0x19: {  	p0 =	sge.u32 s31, s6  }
.Ltmp2:
0x1a: {  	_ = 	snop;
	(pc) =	sbr.rel @p0 .LBB1_9-.Ltmp2, $1  }
0x1b: {  	_ =	sdelay $0x3  }
0x1c: {  	s13 =	sshll.u32 s9, $0x2;
	_ =	swait.ge [sflag:s5], $0x4000;
	s14 =	sshll.u32 s11, $0xE  }
0x1d: {  	s16 =	simm.s32 $0x0;
	s17 =	simm.s32 $0x0;
	s15 =	sand.u32 $0x10000, s13  }
0x1e: {  	[sflag:s5] =	ssyncset.done $0x0;
	s31 =	sand.u32 $0x4000, s14;
	s14 =	sshrl.u32 s15, $0x2  }
0x1f: {  	[sflag:s5] =	ssyncadd.s32 $0xFFFFC000;
	s13 =	sor.u32 $0x8000, s31;
	s15 =	sor.u32 $0x8000, s14  }
.LBB1_3:
0x20: {  	s18 =	sshra.s32 s16, $0x2  }
0x21: {  	v0 =	vmov s18;
	_ =	sdelay $0x3  }
0x22: {  	p1 =	por $0x1, $0x1;
	s18 =	simm.s32 $0x0  }
.LBB1_4:
0x23: {  	_ = 	snop  }
0x24: {  	s19 =	sshll.u32 s18, $0xA  }
0x25: {  	s19 =	sand.u32 $0x3FFFFC00, s19  }
0x26: {  	s19 =	sadd.s32 s19, s14  }
0x27: {  	v5 =	vld.idx.msk [tilespmem:v0+s19+$0x70 ss:$0x1], $0xffff  }
0x28: {  	v6 =	vld.idx.msk [tilespmem:v0+s19+$0x10 ss:$0x1], $0xffff  }
0x29: {  	v7 =	vld.idx.msk [tilespmem:v0+s19+$0x20 ss:$0x1], $0xffff  }
0x2a: {  	s31 =	sshll.u32 s18, $0x7;
	v1 =	vld.idx.msk [tilespmem:v0+s19+$0x30 ss:$0x1], $0xffff  }
0x2b: {  	s18 =	sand.u32 $0x3FFFFF80, s31;
	v2 =	vld.idx.msk [tilespmem:v0+s19+$0x40 ss:$0x1], $0xffff  }
0x2c: {  	s18 =	sadd.s32 s18, s15;
	v3 =	vld.idx.msk [tilespmem:v0+s19+$0x50 ss:$0x1], $0xffff  }
0x2d: {  	v4 =	vld.idx.msk [tilespmem:v0+s19+$0x60 ss:$0x1], $0xffff;
	[tilespmem:v0+s18+$0x70 ss:$0x1] =	vst.idx.msk $0xffff, v5  }
0x2e: {  	v5 =	vld.idx.msk [tilespmem:v0+s19+$0x0 ss:$0x1], $0xffff;
	[tilespmem:v0+s18+$0x10 ss:$0x1] =	vst.idx.msk $0xffff, v6;
	s19 =	sadd.s32 $0x80, s19  }
0x2f: {  	p0 =	por p1, p1;
	s20 =	simm.s32 $0x6;
	[tilespmem:v0+s18+$0x20 ss:$0x1] =	vst.idx.msk $0xffff, v7;
	v6 =	vld.idx.msk [tilespmem:v0+s19+$0x70 ss:$0x1], $0xffff  }
.LBB1_5:
0x30: {  	p1 =	sne.s32 s20, $0x1;
	v7 =	vld.idx.msk [tilespmem:v0+s19+$0x10 ss:$0x1], $0xffff;
	[tilespmem:v0+s18+$0x30 ss:$0x1] =	vst.idx.msk $0xffff, v1  }
0x31: {  	v8 =	vld.idx.msk [tilespmem:v0+s19+$0x20 ss:$0x1], $0xffff;
	[tilespmem:v0+s18+$0x40 ss:$0x1] =	vst.idx.msk $0xffff, v2  }
0x32: {  	v1 =	vld.idx.msk [tilespmem:v0+s19+$0x30 ss:$0x1], $0xffff;
	[tilespmem:v0+s18+$0x50 ss:$0x1] =	vst.idx.msk $0xffff, v3  }
.Ltmp3:
0x33: {  	v2 =	vld.idx.msk [tilespmem:v0+s19+$0x40 ss:$0x1], $0xffff;
	[tilespmem:v0+s18+$0x60 ss:$0x1] =	vst.idx.msk $0xffff, v4;
	(pc) =	sbr.rel @p1 .LBB1_5-.Ltmp3, $4  }
0x34: {  	v3 =	vld.idx.msk [tilespmem:v0+s19+$0x50 ss:$0x1], $0xffff;
	[tilespmem:v0+s18+$0x0 ss:$0x1] =	vst.idx.msk $0xffff, v5;
	s18 =	sadd.s32 $0x100, s18  }
0x35: {  	v4 =	vld.idx.msk [tilespmem:v0+s19+$0x60 ss:$0x1], $0xffff;
	[tilespmem:v0+s18+$0x70 ss:$0x1] =	vst.idx.msk $0xffff, v6  }
0x36: {  	v5 =	vld.idx.msk [tilespmem:v0+s19+$0x0 ss:$0x1], $0xffff;
	[tilespmem:v0+s18+$0x10 ss:$0x1] =	vst.idx.msk $0xffff, v7;
	s19 =	sadd.s32 $0x80, s19  }
0x37: {  	s20 =	sadd.s32 $0xFFFFFFFF, s20;
	v6 =	vld.idx.msk [tilespmem:v0+s19+$0x70 ss:$0x1], $0xffff;
	[tilespmem:v0+s18+$0x20 ss:$0x1] =	vst.idx.msk $0xffff, v8  }
0x38: {  	_ =	sdelay $0x3  }
0x39: {  	[tilespmem:v0+s18+$0x30 ss:$0x1] =	vst.idx.msk $0xffff, v1  }
0x3a: {  	v1 =	vld.idx.msk [tilespmem:v0+s19+$0x10 ss:$0x1], $0xffff;
	[tilespmem:v0+s18+$0x40 ss:$0x1] =	vst.idx.msk $0xffff, v2  }
0x3b: {  	v2 =	vld.idx.msk [tilespmem:v0+s19+$0x20 ss:$0x1], $0xffff;
	[tilespmem:v0+s18+$0x50 ss:$0x1] =	vst.idx.msk $0xffff, v3  }
0x3c: {  	v61 =	vld.idx.msk [tilespmem:v0+s19+$0x40 ss:$0x1], $0xffff;
	[tilespmem:v0+s18+$0x60 ss:$0x1] =	vst.idx.msk $0xffff, v4  }
0x3d: {  	s31 =	sadd.s32 $0x100, s18;
	v62 =	vld.idx.msk [tilespmem:v0+s19+$0x50 ss:$0x1], $0xffff;
	[tilespmem:v0+s18+$0x0 ss:$0x1] =	vst.idx.msk $0xffff, v5  }
0x3e: {  	v63 =	vld.idx.msk [tilespmem:v0+s19+$0x60 ss:$0x1], $0xffff;
	[tilespmem:v0+s31+$0x70 ss:$0x1] =	vst.idx.msk $0xffff, v6  }
0x3f: {  	v3 =	vld.idx.msk [tilespmem:v0+s19+$0x30 ss:$0x1], $0xffff;
	[tilespmem:v0+s31+$0x10 ss:$0x1] =	vst.idx.msk $0xffff, v1  }
0x40: {  	v1 =	vld.idx.msk [tilespmem:v0+s19+$0x0 ss:$0x1], $0xffff;
	[tilespmem:v0+s31+$0x20 ss:$0x1] =	vst.idx.msk $0xffff, v2  }
.Ltmp4:
0x41: {  	[tilespmem:v0+s31+$0x40 ss:$0x1] =	vst.idx.msk $0xffff, v61;
	(pc) =	sbr.rel @p0 .LBB1_4-.Ltmp4, $4  }
0x42: {  	[tilespmem:v0+s31+$0x50 ss:$0x1] =	vst.idx.msk $0xffff, v62  }
0x43: {  	[tilespmem:v0+s31+$0x60 ss:$0x1] =	vst.idx.msk $0xffff, v63  }
0x44: {  	[tilespmem:v0+s31+$0x30 ss:$0x1] =	vst.idx.msk $0xffff, v3  }
0x45: {  	p1 =	por $0x0, $0x0;
	s18 =	simm.s32 $0x1;
	[tilespmem:v0+s31+$0x0 ss:$0x1] =	vst.idx.msk $0xffff, v1  }
0x46: {  	s17 =	sadd.s32 $0x1, s17  }
0x47: {  	p0 =	sne.s32 s17, $0x8  }
.Ltmp5:
0x48: {  	_ = 	snop;
	(pc) =	sbr.rel @p0 .LBB1_3-.Ltmp5, $2  }
0x49: {  	_ =	sdelay $0x2  }
0x4a: {  	s16 =	sadd.s32 $0x2000, s16  }
.Ltmp6:
0x4b: {  	(pc) =	sbr.rel .LBB1_9-.Ltmp6, $4  }
0x4c: {  	_ = 	snop  }
0x4d: {  	s12 =	sshll.u32 s12, $0x8  }
0x4e: {  	s12 =	sadd.s32 s4, s12  }
0x4f: {  	[hbm4b:s12+s8] =	stream.linear.scatter [tilespmem:s13], [sflag:$0x2], $0x4000, $0x38;
	[tilespmem:$0x10000] =	vst v63  }
.LBB1_10:
0x50: {  	_ =	sfence.sel $0x180000  }
0x51: {  	s2 =	simm.s32 $0x1;
	[bflag:$0x0] =	sbarrier.arrive $0xFFFF  }
0x52: {  	s31 =	simm.s32 $0x2;
	[sflag:s2] =	ssyncpa.u1 $0x1  }
0x53: {  	[sflag:s31] =	ssyncpa.u1 $0x1  }
0x54: {  	p0 =	sne.s32 s0, $0x0;
	_ =	strace $0x90000047  }
0x55: {  	s0 =	sadd.s32 @!p0 $0x100000, s1;
	[bflag:$0x2] =	sbarrier.arrive $0xFFFF  }
0x56: {  	[sflag:s0] =	ssyncadd.tile.s32 @!p0 $0x1;
	_ =	shalt  }
.Lfunc_end1:
_tile_overlayer_lowered:
.L_overlay_start_2:
0x57: {  	(tag) =	ssettag $0x2  }
0x58: {  	s0 =	rddreg [dreg:$0x0];
	s2 =	stileid.u32  }
0x59: {  	s1 =	rddreg [dreg:$0x1];
	p0 =	sne.s32 s2, $0x0  }
0x5a: {  	s3 =	rddreg [dreg:$0x2];
	[bflag:$0x3] =	sbarrier.arrive $0xFFFF;
	s2 =	simm.s32 @!p0 $0x1C01  }
0x5b: {  	[timem:s3], [sflag:s2] =	dma.local @!p0 [hbm:s0], s1  }
0x5c: {  	s0 =	simm.s32 @!p0 $0x1  }
0x5d: {  	_ =	swait.ge @!p0 [sflag:s0], s1  }
0x5e: {  	s1 =	ssub.s32 @!p0 $0x0, s1;
	[sflag:s0] =	ssyncset.done @!p0 $0x0  }
0x5f: {  	[sflag:s0] =	ssyncadd.s32 @!p0 s1  }
0x60: {  	[bflag:$0x3] =	sbarrier.arrive $0xFFFF  }
0x61: {  	_ =	shalt  }

</sc_bundles>
